<compile_context>
chip_gen: v7x
topology: tpu7x:2x2x1
jax: 0.10.2.dev20260603
libtpu: 0.0.44.dev20260713+nightly
codegen_flags: <defaults>
</compile_context>

<pallas_src>
import jax
import jax.numpy as jnp
from jax import lax
from jax.experimental import pallas as pl
from jax.experimental.pallas import tpu as pltpu
from jax.experimental.pallas import tpu_sc as plsc

_K = 9
_B = 8
_NPTS = 10000
_HALF = _NPTS // 2
_NW = 32
_PIECES = 2 * _K * _B * 2
_T = _PIECES // _NW
_NBUF = 6


def _slab_copy_body(in_hbm, out_hbm, b0, b1, b2, b3, b4, b5, isems, osems):
    c = lax.axis_index("c")
    s = lax.axis_index("s")
    wid = s * 2 + c
    bufs = (b0, b1, b2, b3, b4, b5)

    def coords(t):
        pid = wid + t * _NW
        row = pid // 2
        half = pid % 2
        a = row // (_K * _B)
        k = (row // _B) % _K
        b = row % _B
        return a, k, b, half * _HALF

    def copy_in(t):
        a, k, b, off = coords(t)
        return pltpu.async_copy(
            in_hbm.at[a, 2 * k, b, pl.ds(off, _HALF)], bufs[t % _NBUF],
            isems.at[t % _NBUF])

    def copy_out(t):
        a, k, b, off = coords(t)
        return pltpu.async_copy(
            bufs[t % _NBUF], out_hbm.at[a, k, b, pl.ds(off, _HALF)],
            osems.at[t % _NBUF])

    _PF = 3
    hin = [None] * _T
    hout = [None] * _T
    for r in range(_PF):
        hin[r] = copy_in(r)
    for t in range(_T):
        r = t + _PF
        if r < _T:
            if r >= _NBUF:
                hout[r - _NBUF].wait()
            hin[r] = copy_in(r)
        hin[t].wait()
        hout[t] = copy_out(t)
    for t in range(max(0, _T - _NBUF), _T):
        hout[t].wait()


def kernel(edge_index):
    x = jnp.transpose(edge_index, (0, 3, 1, 2))
    out_t = pl.kernel(
        _slab_copy_body,
        out_type=jax.ShapeDtypeStruct((2, _K, _B, _NPTS), jnp.int32),
        mesh=plsc.VectorSubcoreMesh(core_axis_name="c", subcore_axis_name="s"),
        scratch_types=[
            pltpu.VMEM((_HALF,), jnp.int32),
            pltpu.VMEM((_HALF,), jnp.int32),
            pltpu.VMEM((_HALF,), jnp.int32),
            pltpu.VMEM((_HALF,), jnp.int32),
            pltpu.VMEM((_HALF,), jnp.int32),
            pltpu.VMEM((_HALF,), jnp.int32),
            pltpu.SemaphoreType.DMA((_NBUF,)),
            pltpu.SemaphoreType.DMA((_NBUF,)),
        ],
        compiler_params=pltpu.CompilerParams(needs_layout_passes=False,
                                             use_tc_tiling_on_sc=False),
    )(x)
    return jnp.transpose(out_t, (0, 2, 3, 1))

# --- scband reference (transcript-rebuilt; emitter-appended) ---
"""Pipeline reference for scband-dense-dilated-7138235646514 (READ-ONLY COPY).

The authoritative reference and input builder live on the scoring server;
editing this copy changes nothing except your own understanding.
"""

import jax, jax.numpy as jnp
import numpy as np

K = 9
DILATION = 2
BATCH = 8
NUM_POINTS = 10000

def setup_inputs(seed: int = 0) -> dict:
    key = jax.random.key(seed)
    edge_index = jax.random.randint(key, (2, BATCH, NUM_POINTS, K * DILATION), 0, NUM_POINTS, dtype=jnp.int64 if jax.config.jax_enable_x64 else jnp.int32)
    edge_index = edge_index.astype(jnp.int32)
    return {"edge_index": edge_index}

def reference(edge_index):
    # DenseDilated forward (non-stochastic path): strided slice over neighbor dim
    # edge_index: (2, batch_size, num_points, k*dilation) -> (2, batch_size, num_points, k)
    out = edge_index[:, :, :, ::DILATION]
    return out

if __name__ == "__main__":
    import jax
    _d = setup_inputs()
    print(jax.jit(kernel)(*tuple(_d.values())))

</pallas_src>

<mosaic_0001>
#map = affine_map<(d0, d1) -> (0, 0, 0, 0)>
module attributes {stable_mosaic.version = 14 : i64} {
  func.func @_slab_copy_body(%arg0: i32, %arg1: i32, %arg2: memref<2x18x8x10000xi32, #tpu.memory_space<hbm>>, %arg3: memref<2x9x8x10000xi32, #tpu.memory_space<hbm>>, %arg4: memref<5000xi32, #tpu.memory_space<vmem>>, %arg5: memref<5000xi32, #tpu.memory_space<vmem>>, %arg6: memref<5000xi32, #tpu.memory_space<vmem>>, %arg7: memref<5000xi32, #tpu.memory_space<vmem>>, %arg8: memref<5000xi32, #tpu.memory_space<vmem>>, %arg9: memref<5000xi32, #tpu.memory_space<vmem>>, %arg10: memref<6x!tpu.dma_semaphore, #tpu.memory_space<semaphore_mem>>, %arg11: memref<6x!tpu.dma_semaphore, #tpu.memory_space<semaphore_mem>>) attributes {dimension_semantics = [#tpu.dimension_semantics<core_parallel>, #tpu.dimension_semantics<subcore_parallel>], iteration_bounds = array<i64: 2, 16>, scalar_prefetch = 0 : i64, scratch_operands = 8 : i64, tpu.core_type = #tpu.core_type<sc_vector_subcore>, window_params = [{transform_indices = #map}, {transform_indices = #map}]} {
    %mul3A = arith.constant 2 : i32
    %mul3A_0 = arith.muli %arg1, %mul3A : i32
    %add3A = arith.addi %mul3A_0, %arg0 : i32
    %add3A_1 = arith.constant 0 : i32
    %add3A_2 = arith.addi %add3A, %add3A_1 : i32
    %jit3A = arith.constant 2 : i32
    %div3A = arith.divsi %add3A_2, %jit3A : i32
    %sign3A = arith.constant 0 : i32
    %sign3A_3 = arith.cmpi sgt, %add3A_2, %sign3A : i32
    %sign3A_4 = arith.extui %sign3A_3 : i1 to i32
    %sign3A_5 = arith.constant 0 : i32
    %sign3A_6 = arith.cmpi slt, %add3A_2, %sign3A_5 : i32
    %sign3A_7 = arith.extui %sign3A_6 : i1 to i32
    %sign3A_8 = arith.subi %sign3A_4, %sign3A_7 : i32
    %sign3A_9 = arith.constant 0 : i32
    %sign3A_10 = arith.cmpi sgt, %jit3A, %sign3A_9 : i32
    %sign3A_11 = arith.extui %sign3A_10 : i1 to i32
    %sign3A_12 = arith.constant 0 : i32
    %sign3A_13 = arith.cmpi slt, %jit3A, %sign3A_12 : i32
    %sign3A_14 = arith.extui %sign3A_13 : i1 to i32
    %sign3A_15 = arith.subi %sign3A_11, %sign3A_14 : i32
    %ne3A = arith.cmpi ne, %sign3A_8, %sign3A_15 : i32
    %rem3A = arith.remsi %add3A_2, %jit3A : i32
    %ne3A_16 = arith.constant 0 : i32
    %ne3A_17 = arith.cmpi ne, %rem3A, %ne3A_16 : i32
    %and3A = arith.andi %ne3A, %ne3A_17 : i1
    %sub3A = arith.constant 1 : i32
    %sub3A_18 = arith.subi %div3A, %sub3A : i32
    %select_n3A = arith.select %and3A, %sub3A_18, %div3A : i32
    %jit3A_19 = arith.constant 2 : i32
    %eq3A = arith.constant 0 : i32
    %eq3A_20 = arith.cmpi eq, %jit3A_19, %eq3A : i32
    %jit3A_21 = arith.constant 1 : i32
    %select_n3A_22 = arith.select %eq3A_20, %jit3A_21, %jit3A_19 : i32
    %rem3A_23 = arith.remsi %add3A_2, %select_n3A_22 : i32
    %ne3A_24 = arith.constant 0 : i32
    %ne3A_25 = arith.cmpi ne, %rem3A_23, %ne3A_24 : i32
    %lt3A = arith.constant 0 : i32
    %lt3A_26 = arith.cmpi slt, %rem3A_23, %lt3A : i32
    %lt3A_27 = arith.constant 0 : i32
    %lt3A_28 = arith.cmpi slt, %select_n3A_22, %lt3A_27 : i32
    %ne3A_29 = arith.xori %lt3A_26, %lt3A_28 : i1
    %and3A_30 = arith.andi %ne3A_29, %ne3A_25 : i1
    %add3A_31 = arith.addi %rem3A_23, %select_n3A_22 : i32
    %select_n3A_32 = arith.select %and3A_30, %add3A_31, %rem3A_23 : i32
    %jit3A_33 = arith.constant 72 : i32
    %div3A_34 = arith.divsi %select_n3A, %jit3A_33 : i32
    %sign3A_35 = arith.constant 0 : i32
    %sign3A_36 = arith.cmpi sgt, %select_n3A, %sign3A_35 : i32
    %sign3A_37 = arith.extui %sign3A_36 : i1 to i32
    %sign3A_38 = arith.constant 0 : i32
    %sign3A_39 = arith.cmpi slt, %select_n3A, %sign3A_38 : i32
    %sign3A_40 = arith.extui %sign3A_39 : i1 to i32
    %sign3A_41 = arith.subi %sign3A_37, %sign3A_40 : i32
    %sign3A_42 = arith.constant 0 : i32
    %sign3A_43 = arith.cmpi sgt, %jit3A_33, %sign3A_42 : i32
    %sign3A_44 = arith.extui %sign3A_43 : i1 to i32
    %sign3A_45 = arith.constant 0 : i32
    %sign3A_46 = arith.cmpi slt, %jit3A_33, %sign3A_45 : i32
    %sign3A_47 = arith.extui %sign3A_46 : i1 to i32
    %sign3A_48 = arith.subi %sign3A_44, %sign3A_47 : i32
    %ne3A_49 = arith.cmpi ne, %sign3A_41, %sign3A_48 : i32
    %rem3A_50 = arith.remsi %select_n3A, %jit3A_33 : i32
    %ne3A_51 = arith.constant 0 : i32
    %ne3A_52 = arith.cmpi ne, %rem3A_50, %ne3A_51 : i32
    %and3A_53 = arith.andi %ne3A_49, %ne3A_52 : i1
    %sub3A_54 = arith.constant 1 : i32
    %sub3A_55 = arith.subi %div3A_34, %sub3A_54 : i32
    %select_n3A_56 = arith.select %and3A_53, %sub3A_55, %div3A_34 : i32
    %jit3A_57 = arith.constant 8 : i32
    %div3A_58 = arith.divsi %select_n3A, %jit3A_57 : i32
    %sign3A_59 = arith.constant 0 : i32
    %sign3A_60 = arith.cmpi sgt, %select_n3A, %sign3A_59 : i32
    %sign3A_61 = arith.extui %sign3A_60 : i1 to i32
    %sign3A_62 = arith.constant 0 : i32
    %sign3A_63 = arith.cmpi slt, %select_n3A, %sign3A_62 : i32
    %sign3A_64 = arith.extui %sign3A_63 : i1 to i32
    %sign3A_65 = arith.subi %sign3A_61, %sign3A_64 : i32
    %sign3A_66 = arith.constant 0 : i32
    %sign3A_67 = arith.cmpi sgt, %jit3A_57, %sign3A_66 : i32
    %sign3A_68 = arith.extui %sign3A_67 : i1 to i32
    %sign3A_69 = arith.constant 0 : i32
    %sign3A_70 = arith.cmpi slt, %jit3A_57, %sign3A_69 : i32
    %sign3A_71 = arith.extui %sign3A_70 : i1 to i32
    %sign3A_72 = arith.subi %sign3A_68, %sign3A_71 : i32
    %ne3A_73 = arith.cmpi ne, %sign3A_65, %sign3A_72 : i32
    %rem3A_74 = arith.remsi %select_n3A, %jit3A_57 : i32
    %ne3A_75 = arith.constant 0 : i32
    %ne3A_76 = arith.cmpi ne, %rem3A_74, %ne3A_75 : i32
    %and3A_77 = arith.andi %ne3A_73, %ne3A_76 : i1
    %sub3A_78 = arith.constant 1 : i32
    %sub3A_79 = arith.subi %div3A_58, %sub3A_78 : i32
    %select_n3A_80 = arith.select %and3A_77, %sub3A_79, %div3A_58 : i32
    %jit3A_81 = arith.constant 9 : i32
    %eq3A_82 = arith.constant 0 : i32
    %eq3A_83 = arith.cmpi eq, %jit3A_81, %eq3A_82 : i32
    %jit3A_84 = arith.constant 1 : i32
    %select_n3A_85 = arith.select %eq3A_83, %jit3A_84, %jit3A_81 : i32
    %rem3A_86 = arith.remsi %select_n3A_80, %select_n3A_85 : i32
    %ne3A_87 = arith.constant 0 : i32
    %ne3A_88 = arith.cmpi ne, %rem3A_86, %ne3A_87 : i32
    %lt3A_89 = arith.constant 0 : i32
    %lt3A_90 = arith.cmpi slt, %rem3A_86, %lt3A_89 : i32
    %lt3A_91 = arith.constant 0 : i32
    %lt3A_92 = arith.cmpi slt, %select_n3A_85, %lt3A_91 : i32
    %ne3A_93 = arith.xori %lt3A_90, %lt3A_92 : i1
    %and3A_94 = arith.andi %ne3A_93, %ne3A_88 : i1
    %add3A_95 = arith.addi %rem3A_86, %select_n3A_85 : i32
    %select_n3A_96 = arith.select %and3A_94, %add3A_95, %rem3A_86 : i32
    %jit3A_97 = arith.constant 8 : i32
    %eq3A_98 = arith.constant 0 : i32
    %eq3A_99 = arith.cmpi eq, %jit3A_97, %eq3A_98 : i32
    %jit3A_100 = arith.constant 1 : i32
    %select_n3A_101 = arith.select %eq3A_99, %jit3A_100, %jit3A_97 : i32
    %rem3A_102 = arith.remsi %select_n3A, %select_n3A_101 : i32
    %ne3A_103 = arith.constant 0 : i32
    %ne3A_104 = arith.cmpi ne, %rem3A_102, %ne3A_103 : i32
    %lt3A_105 = arith.constant 0 : i32
    %lt3A_106 = arith.cmpi slt, %rem3A_102, %lt3A_105 : i32
    %lt3A_107 = arith.constant 0 : i32
    %lt3A_108 = arith.cmpi slt, %select_n3A_101, %lt3A_107 : i32
    %ne3A_109 = arith.xori %lt3A_106, %lt3A_108 : i1
    %and3A_110 = arith.andi %ne3A_109, %ne3A_104 : i1
    %add3A_111 = arith.addi %rem3A_102, %select_n3A_101 : i32
    %select_n3A_112 = arith.select %and3A_110, %add3A_111, %rem3A_102 : i32
    %mul3A_113 = arith.constant 5000 : i32
    %mul3A_114 = arith.muli %select_n3A_32, %mul3A_113 : i32
    %mul3A_115 = arith.constant 2 : i32
    %mul3A_116 = arith.muli %mul3A_115, %select_n3A_96 : i32
    %dma_start3A = arith.constant 0 : i32
    %dma_start3A_117 = tpu.memref_slice %arg2[%select_n3A_56, %mul3A_116, %select_n3A_112, %mul3A_114] : memref<2x18x8x10000xi32, #tpu.memory_space<hbm>> -> memref<1x1x1x5000xi32, #tpu.memory_space<hbm>>
    %dma_start3A_118 = tpu.memref_squeeze %dma_start3A_117 : memref<1x1x1x5000xi32, #tpu.memory_space<hbm>> -> memref<5000xi32, #tpu.memory_space<hbm>>
    %dma_start3A_119 = tpu.memref_slice %arg10[%dma_start3A] : memref<6x!tpu.dma_semaphore, #tpu.memory_space<semaphore_mem>> -> memref<1x!tpu.dma_semaphore, #tpu.memory_space<semaphore_mem>>
    %dma_start3A_120 = tpu.memref_squeeze %dma_start3A_119 : memref<1x!tpu.dma_semaphore, #tpu.memory_space<semaphore_mem>> -> memref<!tpu.dma_semaphore, #tpu.memory_space<semaphore_mem>>
    %dma_start3A_121 = tpu.memref_slice %arg2[%select_n3A_56, %mul3A_116, %select_n3A_112, %mul3A_114] : memref<2x18x8x10000xi32, #tpu.memory_space<hbm>> -> memref<1x1x1x5000xi32, #tpu.memory_space<hbm>>
    %dma_start3A_122 = tpu.memref_squeeze %dma_start3A_121 : memref<1x1x1x5000xi32, #tpu.memory_space<hbm>> -> memref<5000xi32, #tpu.memory_space<hbm>>
    tpu.enqueue_dma source(%dma_start3A_122 : memref<5000xi32, #tpu.memory_space<hbm>>) target(%arg4 : memref<5000xi32, #tpu.memory_space<vmem>>) target_semaphore(%dma_start3A_120 : memref<!tpu.dma_semaphore, #tpu.memory_space<semaphore_mem>>)
    %add3A_123 = arith.constant 32 : i32
    %add3A_124 = arith.addi %add3A, %add3A_123 : i32
    %jit3A_125 = arith.constant 2 : i32
    %div3A_126 = arith.divsi %add3A_124, %jit3A_125 : i32
    %sign3A_127 = arith.constant 0 : i32
    %sign3A_128 = arith.cmpi sgt, %add3A_124, %sign3A_127 : i32
    %sign3A_129 = arith.extui %sign3A_128 : i1 to i32
    %sign3A_130 = arith.constant 0 : i32
    %sign3A_131 = arith.cmpi slt, %add3A_124, %sign3A_130 : i32
    %sign3A_132 = arith.extui %sign3A_131 : i1 to i32
    %sign3A_133 = arith.subi %sign3A_129, %sign3A_132 : i32
    %sign3A_134 = arith.constant 0 : i32
    %sign3A_135 = arith.cmpi sgt, %jit3A_125, %sign3A_134 : i32
    %sign3A_136 = arith.extui %sign3A_135 : i1 to i32
    %sign3A_137 = arith.constant 0 : i32
    %sign3A_138 = arith.cmpi slt, %jit3A_125, %sign3A_137 : i32
    %sign3A_139 = arith.extui %sign3A_138 : i1 to i32
    %sign3A_140 = arith.subi %sign3A_136, %sign3A_139 : i32
    %ne3A_141 = arith.cmpi ne, %sign3A_133, %sign3A_140 : i32
    %rem3A_142 = arith.remsi %add3A_124, %jit3A_125 : i32
    %ne3A_143 = arith.constant 0 : i32
    %ne3A_144 = arith.cmpi ne, %rem3A_142, %ne3A_143 : i32
    %and3A_145 = arith.andi %ne3A_141, %ne3A_144 : i1
    %sub3A_146 = arith.constant 1 : i32
    %sub3A_147 = arith.subi %div3A_126, %sub3A_146 : i32
    %select_n3A_148 = arith.select %and3A_145, %sub3A_147, %div3A_126 : i32
    %jit3A_149 = arith.constant 2 : i32
    %eq3A_150 = arith.constant 0 : i32
    %eq3A_151 = arith.cmpi eq, %jit3A_149, %eq3A_150 : i32
    %jit3A_152 = arith.constant 1 : i32
    %select_n3A_153 = arith.select %eq3A_151, %jit3A_152, %jit3A_149 : i32
    %rem3A_154 = arith.remsi %add3A_124, %select_n3A_153 : i32
    %ne3A_155 = arith.constant 0 : i32
    %ne3A_156 = arith.cmpi ne, %rem3A_154, %ne3A_155 : i32
    %lt3A_157 = arith.constant 0 : i32
    %lt3A_158 = arith.cmpi slt, %rem3A_154, %lt3A_157 : i32
    %lt3A_159 = arith.constant 0 : i32
    %lt3A_160 = arith.cmpi slt, %select_n3A_153, %lt3A_159 : i32
    %ne3A_161 = arith.xori %lt3A_158, %lt3A_160 : i1
    %and3A_162 = arith.andi %ne3A_161, %ne3A_156 : i1
    %add3A_163 = arith.addi %rem3A_154, %select_n3A_153 : i32
    %select_n3A_164 = arith.select %and3A_162, %add3A_163, %rem3A_154 : i32
    %jit3A_165 = arith.constant 72 : i32
    %div3A_166 = arith.divsi %select_n3A_148, %jit3A_165 : i32
    %sign3A_167 = arith.constant 0 : i32
    %sign3A_168 = arith.cmpi sgt, %select_n3A_148, %sign3A_167 : i32
    %sign3A_169 = arith.extui %sign3A_168 : i1 to i32
    %sign3A_170 = arith.constant 0 : i32
    %sign3A_171 = arith.cmpi slt, %select_n3A_148, %sign3A_170 : i32
    %sign3A_172 = arith.extui %sign3A_171 : i1 to i32
    %sign3A_173 = arith.subi %sign3A_169, %sign3A_172 : i32
    %sign3A_174 = arith.constant 0 : i32
    %sign3A_175 = arith.cmpi sgt, %jit3A_165, %sign3A_174 : i32
    %sign3A_176 = arith.extui %sign3A_175 : i1 to i32
    %sign3A_177 = arith.constant 0 : i32
    %sign3A_178 = arith.cmpi slt, %jit3A_165, %sign3A_177 : i32
    %sign3A_179 = arith.extui %sign3A_178 : i1 to i32
    %sign3A_180 = arith.subi %sign3A_176, %sign3A_179 : i32
    %ne3A_181 = arith.cmpi ne, %sign3A_173, %sign3A_180 : i32
    %rem3A_182 = arith.remsi %select_n3A_148, %jit3A_165 : i32
    %ne3A_183 = arith.constant 0 : i32
    %ne3A_184 = arith.cmpi ne, %rem3A_182, %ne3A_183 : i32
    %and3A_185 = arith.andi %ne3A_181, %ne3A_184 : i1
    %sub3A_186 = arith.constant 1 : i32
    %sub3A_187 = arith.subi %div3A_166, %sub3A_186 : i32
    %select_n3A_188 = arith.select %and3A_185, %sub3A_187, %div3A_166 : i32
    %jit3A_189 = arith.constant 8 : i32
    %div3A_190 = arith.divsi %select_n3A_148, %jit3A_189 : i32
    %sign3A_191 = arith.constant 0 : i32
    %sign3A_192 = arith.cmpi sgt, %select_n3A_148, %sign3A_191 : i32
    %sign3A_193 = arith.extui %sign3A_192 : i1 to i32
    %sign3A_194 = arith.constant 0 : i32
    %sign3A_195 = arith.cmpi slt, %select_n3A_148, %sign3A_194 : i32
    %sign3A_196 = arith.extui %sign3A_195 : i1 to i32
    %sign3A_197 = arith.subi %sign3A_193, %sign3A_196 : i32
    %sign3A_198 = arith.constant 0 : i32
    %sign3A_199 = arith.cmpi sgt, %jit3A_189, %sign3A_198 : i32
    %sign3A_200 = arith.extui %sign3A_199 : i1 to i32
    %sign3A_201 = arith.constant 0 : i32
    %sign3A_202 = arith.cmpi slt, %jit3A_189, %sign3A_201 : i32
    %sign3A_203 = arith.extui %sign3A_202 : i1 to i32
    %sign3A_204 = arith.subi %sign3A_200, %sign3A_203 : i32
    %ne3A_205 = arith.cmpi ne, %sign3A_197, %sign3A_204 : i32
    %rem3A_206 = arith.remsi %select_n3A_148, %jit3A_189 : i32
    %ne3A_207 = arith.constant 0 : i32
    %ne3A_208 = arith.cmpi ne, %rem3A_206, %ne3A_207 : i32
    %and3A_209 = arith.andi %ne3A_205, %ne3A_208 : i1
    %sub3A_210 = arith.constant 1 : i32
    %sub3A_211 = arith.subi %div3A_190, %sub3A_210 : i32
    %select_n3A_212 = arith.select %and3A_209, %sub3A_211, %div3A_190 : i32
    %jit3A_213 = arith.constant 9 : i32
    %eq3A_214 = arith.constant 0 : i32
    %eq3A_215 = arith.cmpi eq, %jit3A_213, %eq3A_214 : i32
    %jit3A_216 = arith.constant 1 : i32
    %select_n3A_217 = arith.select %eq3A_215, %jit3A_216, %jit3A_213 : i32
    %rem3A_218 = arith.remsi %select_n3A_212, %select_n3A_217 : i32
    %ne3A_219 = arith.constant 0 : i32
    %ne3A_220 = arith.cmpi ne, %rem3A_218, %ne3A_219 : i32
    %lt3A_221 = arith.constant 0 : i32
    %lt3A_222 = arith.cmpi slt, %rem3A_218, %lt3A_221 : i32
    %lt3A_223 = arith.constant 0 : i32
    %lt3A_224 = arith.cmpi slt, %select_n3A_217, %lt3A_223 : i32
    %ne3A_225 = arith.xori %lt3A_222, %lt3A_224 : i1
    %and3A_226 = arith.andi %ne3A_225, %ne3A_220 : i1
    %add3A_227 = arith.addi %rem3A_218, %select_n3A_217 : i32
    %select_n3A_228 = arith.select %and3A_226, %add3A_227, %rem3A_218 : i32
    %jit3A_229 = arith.constant 8 : i32
    %eq3A_230 = arith.constant 0 : i32
    %eq3A_231 = arith.cmpi eq, %jit3A_229, %eq3A_230 : i32
    %jit3A_232 = arith.constant 1 : i32
    %select_n3A_233 = arith.select %eq3A_231, %jit3A_232, %jit3A_229 : i32
    %rem3A_234 = arith.remsi %select_n3A_148, %select_n3A_233 : i32
    %ne3A_235 = arith.constant 0 : i32
    %ne3A_236 = arith.cmpi ne, %rem3A_234, %ne3A_235 : i32
    %lt3A_237 = arith.constant 0 : i32
    %lt3A_238 = arith.cmpi slt, %rem3A_234, %lt3A_237 : i32
    %lt3A_239 = arith.constant 0 : i32
    %lt3A_240 = arith.cmpi slt, %select_n3A_233, %lt3A_239 : i32
    %ne3A_241 = arith.xori %lt3A_238, %lt3A_240 : i1
    %and3A_242 = arith.andi %ne3A_241, %ne3A_236 : i1
    %add3A_243 = arith.addi %rem3A_234, %select_n3A_233 : i32
    %select_n3A_244 = arith.select %and3A_242, %add3A_243, %rem3A_234 : i32
    %mul3A_245 = arith.constant 5000 : i32
    %mul3A_246 = arith.muli %select_n3A_164, %mul3A_245 : i32
    %mul3A_247 = arith.constant 2 : i32
    %mul3A_248 = arith.muli %mul3A_247, %select_n3A_228 : i32
    %dma_start3A_249 = arith.constant 1 : i32
    %dma_start3A_250 = tpu.memref_slice %arg2[%select_n3A_188, %mul3A_248, %select_n3A_244, %mul3A_246] : memref<2x18x8x10000xi32, #tpu.memory_space<hbm>> -> memref<1x1x1x5000xi32, #tpu.memory_space<hbm>>
    %dma_start3A_251 = tpu.memref_squeeze %dma_start3A_250 : memref<1x1x1x5000xi32, #tpu.memory_space<hbm>> -> memref<5000xi32, #tpu.memory_space<hbm>>
    %dma_start3A_252 = tpu.memref_slice %arg10[%dma_start3A_249] : memref<6x!tpu.dma_semaphore, #tpu.memory_space<semaphore_mem>> -> memref<1x!tpu.dma_semaphore, #tpu.memory_space<semaphore_mem>>
    %dma_start3A_253 = tpu.memref_squeeze %dma_start3A_252 : memref<1x!tpu.dma_semaphore, #tpu.memory_space<semaphore_mem>> -> memref<!tpu.dma_semaphore, #tpu.memory_space<semaphore_mem>>
    %dma_start3A_254 = tpu.memref_slice %arg2[%select_n3A_188, %mul3A_248, %select_n3A_244, %mul3A_246] : memref<2x18x8x10000xi32, #tpu.memory_space<hbm>> -> memref<1x1x1x5000xi32, #tpu.memory_space<hbm>>
    %dma_start3A_255 = tpu.memref_squeeze %dma_start3A_254 : memref<1x1x1x5000xi32, #tpu.memory_space<hbm>> -> memref<5000xi32, #tpu.memory_space<hbm>>
    tpu.enqueue_dma source(%dma_start3A_255 : memref<5000xi32, #tpu.memory_space<hbm>>) target(%arg5 : memref<5000xi32, #tpu.memory_space<vmem>>) target_semaphore(%dma_start3A_253 : memref<!tpu.dma_semaphore, #tpu.memory_space<semaphore_mem>>)
    %add3A_256 = arith.constant 64 : i32
    %add3A_257 = arith.addi %add3A, %add3A_256 : i32
    %jit3A_258 = arith.constant 2 : i32
    %div3A_259 = arith.divsi %add3A_257, %jit3A_258 : i32
    %sign3A_260 = arith.constant 0 : i32
    %sign3A_261 = arith.cmpi sgt, %add3A_257, %sign3A_260 : i32
    %sign3A_262 = arith.extui %sign3A_261 : i1 to i32
    %sign3A_263 = arith.constant 0 : i32
    %sign3A_264 = arith.cmpi slt, %add3A_257, %sign3A_263 : i32
    %sign3A_265 = arith.extui %sign3A_264 : i1 to i32
    %sign3A_266 = arith.subi %sign3A_262, %sign3A_265 : i32
    %sign3A_267 = arith.constant 0 : i32
    %sign3A_268 = arith.cmpi sgt, %jit3A_258, %sign3A_267 : i32
    %sign3A_269 = arith.extui %sign3A_268 : i1 to i32
    %sign3A_270 = arith.constant 0 : i32
    %sign3A_271 = arith.cmpi slt, %jit3A_258, %sign3A_270 : i32
    %sign3A_272 = arith.extui %sign3A_271 : i1 to i32
    %sign3A_273 = arith.subi %sign3A_269, %sign3A_272 : i32
    %ne3A_274 = arith.cmpi ne, %sign3A_266, %sign3A_273 : i32
    %rem3A_275 = arith.remsi %add3A_257, %jit3A_258 : i32
    %ne3A_276 = arith.constant 0 : i32
    %ne3A_277 = arith.cmpi ne, %rem3A_275, %ne3A_276 : i32
    %and3A_278 = arith.andi %ne3A_274, %ne3A_277 : i1
    %sub3A_279 = arith.constant 1 : i32
    %sub3A_280 = arith.subi %div3A_259, %sub3A_279 : i32
    %select_n3A_281 = arith.select %and3A_278, %sub3A_280, %div3A_259 : i32
    %jit3A_282 = arith.constant 2 : i32
    %eq3A_283 = arith.constant 0 : i32
    %eq3A_284 = arith.cmpi eq, %jit3A_282, %eq3A_283 : i32
    %jit3A_285 = arith.constant 1 : i32
    %select_n3A_286 = arith.select %eq3A_284, %jit3A_285, %jit3A_282 : i32
    %rem3A_287 = arith.remsi %add3A_257, %select_n3A_286 : i32
    %ne3A_288 = arith.constant 0 : i32
    %ne3A_289 = arith.cmpi ne, %rem3A_287, %ne3A_288 : i32
    %lt3A_290 = arith.constant 0 : i32
    %lt3A_291 = arith.cmpi slt, %rem3A_287, %lt3A_290 : i32
    %lt3A_292 = arith.constant 0 : i32
    %lt3A_293 = arith.cmpi slt, %select_n3A_286, %lt3A_292 : i32
    %ne3A_294 = arith.xori %lt3A_291, %lt3A_293 : i1
    %and3A_295 = arith.andi %ne3A_294, %ne3A_289 : i1
    %add3A_296 = arith.addi %rem3A_287, %select_n3A_286 : i32
    %select_n3A_297 = arith.select %and3A_295, %add3A_296, %rem3A_287 : i32
    %jit3A_298 = arith.constant 72 : i32
    %div3A_299 = arith.divsi %select_n3A_281, %jit3A_298 : i32
    %sign3A_300 = arith.constant 0 : i32
    %sign3A_301 = arith.cmpi sgt, %select_n3A_281, %sign3A_300 : i32
    %sign3A_302 = arith.extui %sign3A_301 : i1 to i32
    %sign3A_303 = arith.constant 0 : i32
    %sign3A_304 = arith.cmpi slt, %select_n3A_281, %sign3A_303 : i32
    %sign3A_305 = arith.extui %sign3A_304 : i1 to i32
    %sign3A_306 = arith.subi %sign3A_302, %sign3A_305 : i32
    %sign3A_307 = arith.constant 0 : i32
    %sign3A_308 = arith.cmpi sgt, %jit3A_298, %sign3A_307 : i32
    %sign3A_309 = arith.extui %sign3A_308 : i1 to i32
    %sign3A_310 = arith.constant 0 : i32
    %sign3A_311 = arith.cmpi slt, %jit3A_298, %sign3A_310 : i32
    %sign3A_312 = arith.extui %sign3A_311 : i1 to i32
    %sign3A_313 = arith.subi %sign3A_309, %sign3A_312 : i32
    %ne3A_314 = arith.cmpi ne, %sign3A_306, %sign3A_313 : i32
    %rem3A_315 = arith.remsi %select_n3A_281, %jit3A_298 : i32
    %ne3A_316 = arith.constant 0 : i32
    %ne3A_317 = arith.cmpi ne, %rem3A_315, %ne3A_316 : i32
    %and3A_318 = arith.andi %ne3A_314, %ne3A_317 : i1
    %sub3A_319 = arith.constant 1 : i32
    %sub3A_320 = arith.subi %div3A_299, %sub3A_319 : i32
    %select_n3A_321 = arith.select %and3A_318, %sub3A_320, %div3A_299 : i32
    %jit3A_322 = arith.constant 8 : i32
    %div3A_323 = arith.divsi %select_n3A_281, %jit3A_322 : i32
    %sign3A_324 = arith.constant 0 : i32
    %sign3A_325 = arith.cmpi sgt, %select_n3A_281, %sign3A_324 : i32
    %sign3A_326 = arith.extui %sign3A_325 : i1 to i32
    %sign3A_327 = arith.constant 0 : i32
    %sign3A_328 = arith.cmpi slt, %select_n3A_281, %sign3A_327 : i32
    %sign3A_329 = arith.extui %sign3A_328 : i1 to i32
    %sign3A_330 = arith.subi %sign3A_326, %sign3A_329 : i32
    %sign3A_331 = arith.constant 0 : i32
    %sign3A_332 = arith.cmpi sgt, %jit3A_322, %sign3A_331 : i32
    %sign3A_333 = arith.extui %sign3A_332 : i1 to i32
    %sign3A_334 = arith.constant 0 : i32
    %sign3A_335 = arith.cmpi slt, %jit3A_322, %sign3A_334 : i32
    %sign3A_336 = arith.extui %sign3A_335 : i1 to i32
    %sign3A_337 = arith.subi %sign3A_333, %sign3A_336 : i32
    %ne3A_338 = arith.cmpi ne, %sign3A_330, %sign3A_337 : i32
    %rem3A_339 = arith.remsi %select_n3A_281, %jit3A_322 : i32
    %ne3A_340 = arith.constant 0 : i32
    %ne3A_341 = arith.cmpi ne, %rem3A_339, %ne3A_340 : i32
    %and3A_342 = arith.andi %ne3A_338, %ne3A_341 : i1
    %sub3A_343 = arith.constant 1 : i32
    %sub3A_344 = arith.subi %div3A_323, %sub3A_343 : i32
    %select_n3A_345 = arith.select %and3A_342, %sub3A_344, %div3A_323 : i32
    %jit3A_346 = arith.constant 9 : i32
    %eq3A_347 = arith.constant 0 : i32
    %eq3A_348 = arith.cmpi eq, %jit3A_346, %eq3A_347 : i32
    %jit3A_349 = arith.constant 1 : i32
    %select_n3A_350 = arith.select %eq3A_348, %jit3A_349, %jit3A_346 : i32
    %rem3A_351 = arith.remsi %select_n3A_345, %select_n3A_350 : i32
    %ne3A_352 = arith.constant 0 : i32
    %ne3A_353 = arith.cmpi ne, %rem3A_351, %ne3A_352 : i32
    %lt3A_354 = arith.constant 0 : i32
    %lt3A_355 = arith.cmpi slt, %rem3A_351, %lt3A_354 : i32
    %lt3A_356 = arith.constant 0 : i32
    %lt3A_357 = arith.cmpi slt, %select_n3A_350, %lt3A_356 : i32
    %ne3A_358 = arith.xori %lt3A_355, %lt3A_357 : i1
    %and3A_359 = arith.andi %ne3A_358, %ne3A_353 : i1
    %add3A_360 = arith.addi %rem3A_351, %select_n3A_350 : i32
    %select_n3A_361 = arith.select %and3A_359, %add3A_360, %rem3A_351 : i32
    %jit3A_362 = arith.constant 8 : i32
    %eq3A_363 = arith.constant 0 : i32
    %eq3A_364 = arith.cmpi eq, %jit3A_362, %eq3A_363 : i32
    %jit3A_365 = arith.constant 1 : i32
    %select_n3A_366 = arith.select %eq3A_364, %jit3A_365, %jit3A_362 : i32
    %rem3A_367 = arith.remsi %select_n3A_281, %select_n3A_366 : i32
    %ne3A_368 = arith.constant 0 : i32
    %ne3A_369 = arith.cmpi ne, %rem3A_367, %ne3A_368 : i32
    %lt3A_370 = arith.constant 0 : i32
    %lt3A_371 = arith.cmpi slt, %rem3A_367, %lt3A_370 : i32
    %lt3A_372 = arith.constant 0 : i32
    %lt3A_373 = arith.cmpi slt, %select_n3A_366, %lt3A_372 : i32
    %ne3A_374 = arith.xori %lt3A_371, %lt3A_373 : i1
    %and3A_375 = arith.andi %ne3A_374, %ne3A_369 : i1
    %add3A_376 = arith.addi %rem3A_367, %select_n3A_366 : i32
    %select_n3A_377 = arith.select %and3A_375, %add3A_376, %rem3A_367 : i32
    %mul3A_378 = arith.constant 5000 : i32
    %mul3A_379 = arith.muli %select_n3A_297, %mul3A_378 : i32
    %mul3A_380 = arith.constant 2 : i32
    %mul3A_381 = arith.muli %mul3A_380, %select_n3A_361 : i32
    %dma_start3A_382 = arith.constant 2 : i32
    %dma_start3A_383 = tpu.memref_slice %arg2[%select_n3A_321, %mul3A_381, %select_n3A_377, %mul3A_379] : memref<2x18x8x10000xi32, #tpu.memory_space<hbm>> -> memref<1x1x1x5000xi32, #tpu.memory_space<hbm>>
    %dma_start3A_384 = tpu.memref_squeeze %dma_start3A_383 : memref<1x1x1x5000xi32, #tpu.memory_space<hbm>> -> memref<5000xi32, #tpu.memory_space<hbm>>
    %dma_start3A_385 = tpu.memref_slice %arg10[%dma_start3A_382] : memref<6x!tpu.dma_semaphore, #tpu.memory_space<semaphore_mem>> -> memref<1x!tpu.dma_semaphore, #tpu.memory_space<semaphore_mem>>
    %dma_start3A_386 = tpu.memref_squeeze %dma_start3A_385 : memref<1x!tpu.dma_semaphore, #tpu.memory_space<semaphore_mem>> -> memref<!tpu.dma_semaphore, #tpu.memory_space<semaphore_mem>>
    %dma_start3A_387 = tpu.memref_slice %arg2[%select_n3A_321, %mul3A_381, %select_n3A_377, %mul3A_379] : memref<2x18x8x10000xi32, #tpu.memory_space<hbm>> -> memref<1x1x1x5000xi32, #tpu.memory_space<hbm>>
    %dma_start3A_388 = tpu.memref_squeeze %dma_start3A_387 : memref<1x1x1x5000xi32, #tpu.memory_space<hbm>> -> memref<5000xi32, #tpu.memory_space<hbm>>
    tpu.enqueue_dma source(%dma_start3A_388 : memref<5000xi32, #tpu.memory_space<hbm>>) target(%arg6 : memref<5000xi32, #tpu.memory_space<vmem>>) target_semaphore(%dma_start3A_386 : memref<!tpu.dma_semaphore, #tpu.memory_space<semaphore_mem>>)
    %add3A_389 = arith.constant 96 : i32
    %add3A_390 = arith.addi %add3A, %add3A_389 : i32
    %jit3A_391 = arith.constant 2 : i32
    %div3A_392 = arith.divsi %add3A_390, %jit3A_391 : i32
    %sign3A_393 = arith.constant 0 : i32
    %sign3A_394 = arith.cmpi sgt, %add3A_390, %sign3A_393 : i32
    %sign3A_395 = arith.extui %sign3A_394 : i1 to i32
    %sign3A_396 = arith.constant 0 : i32
    %sign3A_397 = arith.cmpi slt, %add3A_390, %sign3A_396 : i32
    %sign3A_398 = arith.extui %sign3A_397 : i1 to i32
    %sign3A_399 = arith.subi %sign3A_395, %sign3A_398 : i32
    %sign3A_400 = arith.constant 0 : i32
    %sign3A_401 = arith.cmpi sgt, %jit3A_391, %sign3A_400 : i32
    %sign3A_402 = arith.extui %sign3A_401 : i1 to i32
    %sign3A_403 = arith.constant 0 : i32
    %sign3A_404 = arith.cmpi slt, %jit3A_391, %sign3A_403 : i32
    %sign3A_405 = arith.extui %sign3A_404 : i1 to i32
    %sign3A_406 = arith.subi %sign3A_402, %sign3A_405 : i32
    %ne3A_407 = arith.cmpi ne, %sign3A_399, %sign3A_406 : i32
    %rem3A_408 = arith.remsi %add3A_390, %jit3A_391 : i32
    %ne3A_409 = arith.constant 0 : i32
    %ne3A_410 = arith.cmpi ne, %rem3A_408, %ne3A_409 : i32
    %and3A_411 = arith.andi %ne3A_407, %ne3A_410 : i1
    %sub3A_412 = arith.constant 1 : i32
    %sub3A_413 = arith.subi %div3A_392, %sub3A_412 : i32
    %select_n3A_414 = arith.select %and3A_411, %sub3A_413, %div3A_392 : i32
    %jit3A_415 = arith.constant 2 : i32
    %eq3A_416 = arith.constant 0 : i32
    %eq3A_417 = arith.cmpi eq, %jit3A_415, %eq3A_416 : i32
    %jit3A_418 = arith.constant 1 : i32
    %select_n3A_419 = arith.select %eq3A_417, %jit3A_418, %jit3A_415 : i32
    %rem3A_420 = arith.remsi %add3A_390, %select_n3A_419 : i32
    %ne3A_421 = arith.constant 0 : i32
    %ne3A_422 = arith.cmpi ne, %rem3A_420, %ne3A_421 : i32
    %lt3A_423 = arith.constant 0 : i32
    %lt3A_424 = arith.cmpi slt, %rem3A_420, %lt3A_423 : i32
    %lt3A_425 = arith.constant 0 : i32
    %lt3A_426 = arith.cmpi slt, %select_n3A_419, %lt3A_425 : i32
    %ne3A_427 = arith.xori %lt3A_424, %lt3A_426 : i1
    %and3A_428 = arith.andi %ne3A_427, %ne3A_422 : i1
    %add3A_429 = arith.addi %rem3A_420, %select_n3A_419 : i32
    %select_n3A_430 = arith.select %and3A_428, %add3A_429, %rem3A_420 : i32
    %jit3A_431 = arith.constant 72 : i32
    %div3A_432 = arith.divsi %select_n3A_414, %jit3A_431 : i32
    %sign3A_433 = arith.constant 0 : i32
    %sign3A_434 = arith.cmpi sgt, %select_n3A_414, %sign3A_433 : i32
    %sign3A_435 = arith.extui %sign3A_434 : i1 to i32
    %sign3A_436 = arith.constant 0 : i32
    %sign3A_437 = arith.cmpi slt, %select_n3A_414, %sign3A_436 : i32
    %sign3A_438 = arith.extui %sign3A_437 : i1 to i32
    %sign3A_439 = arith.subi %sign3A_435, %sign3A_438 : i32
    %sign3A_440 = arith.constant 0 : i32
    %sign3A_441 = arith.cmpi sgt, %jit3A_431, %sign3A_440 : i32
    %sign3A_442 = arith.extui %sign3A_441 : i1 to i32
    %sign3A_443 = arith.constant 0 : i32
    %sign3A_444 = arith.cmpi slt, %jit3A_431, %sign3A_443 : i32
    %sign3A_445 = arith.extui %sign3A_444 : i1 to i32
    %sign3A_446 = arith.subi %sign3A_442, %sign3A_445 : i32
    %ne3A_447 = arith.cmpi ne, %sign3A_439, %sign3A_446 : i32
    %rem3A_448 = arith.remsi %select_n3A_414, %jit3A_431 : i32
    %ne3A_449 = arith.constant 0 : i32
    %ne3A_450 = arith.cmpi ne, %rem3A_448, %ne3A_449 : i32
    %and3A_451 = arith.andi %ne3A_447, %ne3A_450 : i1
    %sub3A_452 = arith.constant 1 : i32
    %sub3A_453 = arith.subi %div3A_432, %sub3A_452 : i32
    %select_n3A_454 = arith.select %and3A_451, %sub3A_453, %div3A_432 : i32
    %jit3A_455 = arith.constant 8 : i32
    %div3A_456 = arith.divsi %select_n3A_414, %jit3A_455 : i32
    %sign3A_457 = arith.constant 0 : i32
    %sign3A_458 = arith.cmpi sgt, %select_n3A_414, %sign3A_457 : i32
    %sign3A_459 = arith.extui %sign3A_458 : i1 to i32
    %sign3A_460 = arith.constant 0 : i32
    %sign3A_461 = arith.cmpi slt, %select_n3A_414, %sign3A_460 : i32
    %sign3A_462 = arith.extui %sign3A_461 : i1 to i32
    %sign3A_463 = arith.subi %sign3A_459, %sign3A_462 : i32
    %sign3A_464 = arith.constant 0 : i32
    %sign3A_465 = arith.cmpi sgt, %jit3A_455, %sign3A_464 : i32
    %sign3A_466 = arith.extui %sign3A_465 : i1 to i32
    %sign3A_467 = arith.constant 0 : i32
    %sign3A_468 = arith.cmpi slt, %jit3A_455, %sign3A_467 : i32
    %sign3A_469 = arith.extui %sign3A_468 : i1 to i32
    %sign3A_470 = arith.subi %sign3A_466, %sign3A_469 : i32
    %ne3A_471 = arith.cmpi ne, %sign3A_463, %sign3A_470 : i32
    %rem3A_472 = arith.remsi %select_n3A_414, %jit3A_455 : i32
    %ne3A_473 = arith.constant 0 : i32
    %ne3A_474 = arith.cmpi ne, %rem3A_472, %ne3A_473 : i32
    %and3A_475 = arith.andi %ne3A_471, %ne3A_474 : i1
    %sub3A_476 = arith.constant 1 : i32
    %sub3A_477 = arith.subi %div3A_456, %sub3A_476 : i32
    %select_n3A_478 = arith.select %and3A_475, %sub3A_477, %div3A_456 : i32
    %jit3A_479 = arith.constant 9 : i32
    %eq3A_480 = arith.constant 0 : i32
    %eq3A_481 = arith.cmpi eq, %jit3A_479, %eq3A_480 : i32
    %jit3A_482 = arith.constant 1 : i32
    %select_n3A_483 = arith.select %eq3A_481, %jit3A_482, %jit3A_479 : i32
    %rem3A_484 = arith.remsi %select_n3A_478, %select_n3A_483 : i32
    %ne3A_485 = arith.constant 0 : i32
    %ne3A_486 = arith.cmpi ne, %rem3A_484, %ne3A_485 : i32
    %lt3A_487 = arith.constant 0 : i32
    %lt3A_488 = arith.cmpi slt, %rem3A_484, %lt3A_487 : i32
    %lt3A_489 = arith.constant 0 : i32
    %lt3A_490 = arith.cmpi slt, %select_n3A_483, %lt3A_489 : i32
    %ne3A_491 = arith.xori %lt3A_488, %lt3A_490 : i1
    %and3A_492 = arith.andi %ne3A_491, %ne3A_486 : i1
    %add3A_493 = arith.addi %rem3A_484, %select_n3A_483 : i32
    %select_n3A_494 = arith.select %and3A_492, %add3A_493, %rem3A_484 : i32
    %jit3A_495 = arith.constant 8 : i32
    %eq3A_496 = arith.constant 0 : i32
    %eq3A_497 = arith.cmpi eq, %jit3A_495, %eq3A_496 : i32
    %jit3A_498 = arith.constant 1 : i32
    %select_n3A_499 = arith.select %eq3A_497, %jit3A_498, %jit3A_495 : i32
    %rem3A_500 = arith.remsi %select_n3A_414, %select_n3A_499 : i32
    %ne3A_501 = arith.constant 0 : i32
    %ne3A_502 = arith.cmpi ne, %rem3A_500, %ne3A_501 : i32
    %lt3A_503 = arith.constant 0 : i32
    %lt3A_504 = arith.cmpi slt, %rem3A_500, %lt3A_503 : i32
    %lt3A_505 = arith.constant 0 : i32
    %lt3A_506 = arith.cmpi slt, %select_n3A_499, %lt3A_505 : i32
    %ne3A_507 = arith.xori %lt3A_504, %lt3A_506 : i1
    %and3A_508 = arith.andi %ne3A_507, %ne3A_502 : i1
    %add3A_509 = arith.addi %rem3A_500, %select_n3A_499 : i32
    %select_n3A_510 = arith.select %and3A_508, %add3A_509, %rem3A_500 : i32
    %mul3A_511 = arith.constant 5000 : i32
    %mul3A_512 = arith.muli %select_n3A_430, %mul3A_511 : i32
    %mul3A_513 = arith.constant 2 : i32
    %mul3A_514 = arith.muli %mul3A_513, %select_n3A_494 : i32
    %dma_start3A_515 = arith.constant 3 : i32
    %dma_start3A_516 = tpu.memref_slice %arg2[%select_n3A_454, %mul3A_514, %select_n3A_510, %mul3A_512] : memref<2x18x8x10000xi32, #tpu.memory_space<hbm>> -> memref<1x1x1x5000xi32, #tpu.memory_space<hbm>>
    %dma_start3A_517 = tpu.memref_squeeze %dma_start3A_516 : memref<1x1x1x5000xi32, #tpu.memory_space<hbm>> -> memref<5000xi32, #tpu.memory_space<hbm>>
    %dma_start3A_518 = tpu.memref_slice %arg10[%dma_start3A_515] : memref<6x!tpu.dma_semaphore, #tpu.memory_space<semaphore_mem>> -> memref<1x!tpu.dma_semaphore, #tpu.memory_space<semaphore_mem>>
    %dma_start3A_519 = tpu.memref_squeeze %dma_start3A_518 : memref<1x!tpu.dma_semaphore, #tpu.memory_space<semaphore_mem>> -> memref<!tpu.dma_semaphore, #tpu.memory_space<semaphore_mem>>
    %dma_start3A_520 = tpu.memref_slice %arg2[%select_n3A_454, %mul3A_514, %select_n3A_510, %mul3A_512] : memref<2x18x8x10000xi32, #tpu.memory_space<hbm>> -> memref<1x1x1x5000xi32, #tpu.memory_space<hbm>>
    %dma_start3A_521 = tpu.memref_squeeze %dma_start3A_520 : memref<1x1x1x5000xi32, #tpu.memory_space<hbm>> -> memref<5000xi32, #tpu.memory_space<hbm>>
    tpu.enqueue_dma source(%dma_start3A_521 : memref<5000xi32, #tpu.memory_space<hbm>>) target(%arg7 : memref<5000xi32, #tpu.memory_space<vmem>>) target_semaphore(%dma_start3A_519 : memref<!tpu.dma_semaphore, #tpu.memory_space<semaphore_mem>>)
    %dma_wait3A = arith.constant 0 : i32
    %dma_wait3A_522 = tpu.memref_slice %arg2[%select_n3A_56, %mul3A_116, %select_n3A_112, %mul3A_114] : memref<2x18x8x10000xi32, #tpu.memory_space<hbm>> -> memref<1x1x1x5000xi32, #tpu.memory_space<hbm>>
    %dma_wait3A_523 = tpu.memref_squeeze %dma_wait3A_522 : memref<1x1x1x5000xi32, #tpu.memory_space<hbm>> -> memref<5000xi32, #tpu.memory_space<hbm>>
    %dma_wait3A_524 = tpu.memref_slice %arg10[%dma_wait3A] : memref<6x!tpu.dma_semaphore, #tpu.memory_space<semaphore_mem>> -> memref<1x!tpu.dma_semaphore, #tpu.memory_space<semaphore_mem>>
    %dma_wait3A_525 = tpu.memref_squeeze %dma_wait3A_524 : memref<1x!tpu.dma_semaphore, #tpu.memory_space<semaphore_mem>> -> memref<!tpu.dma_semaphore, #tpu.memory_space<semaphore_mem>>
    %dma_wait3A_526 = tpu.memref_slice %arg2[%select_n3A_56, %mul3A_116, %select_n3A_112, %mul3A_114] : memref<2x18x8x10000xi32, #tpu.memory_space<hbm>> -> memref<1x1x1x5000xi32, #tpu.memory_space<hbm>>
    %dma_wait3A_527 = tpu.memref_squeeze %dma_wait3A_526 : memref<1x1x1x5000xi32, #tpu.memory_space<hbm>> -> memref<5000xi32, #tpu.memory_space<hbm>>
    tpu.wait_dma2 semaphore(%dma_wait3A_525 : memref<!tpu.dma_semaphore, #tpu.memory_space<semaphore_mem>>) src(%dma_wait3A_527 : memref<5000xi32, #tpu.memory_space<hbm>>) dst(%arg4 : memref<5000xi32, #tpu.memory_space<vmem>>)
    %add3A_528 = arith.constant 0 : i32
    %add3A_529 = arith.addi %add3A, %add3A_528 : i32
    %jit3A_530 = arith.constant 2 : i32
    %div3A_531 = arith.divsi %add3A_529, %jit3A_530 : i32
    %sign3A_532 = arith.constant 0 : i32
    %sign3A_533 = arith.cmpi sgt, %add3A_529, %sign3A_532 : i32
    %sign3A_534 = arith.extui %sign3A_533 : i1 to i32
    %sign3A_535 = arith.constant 0 : i32
    %sign3A_536 = arith.cmpi slt, %add3A_529, %sign3A_535 : i32
    %sign3A_537 = arith.extui %sign3A_536 : i1 to i32
    %sign3A_538 = arith.subi %sign3A_534, %sign3A_537 : i32
    %sign3A_539 = arith.constant 0 : i32
    %sign3A_540 = arith.cmpi sgt, %jit3A_530, %sign3A_539 : i32
    %sign3A_541 = arith.extui %sign3A_540 : i1 to i32
    %sign3A_542 = arith.constant 0 : i32
    %sign3A_543 = arith.cmpi slt, %jit3A_530, %sign3A_542 : i32
    %sign3A_544 = arith.extui %sign3A_543 : i1 to i32
    %sign3A_545 = arith.subi %sign3A_541, %sign3A_544 : i32
    %ne3A_546 = arith.cmpi ne, %sign3A_538, %sign3A_545 : i32
    %rem3A_547 = arith.remsi %add3A_529, %jit3A_530 : i32
    %ne3A_548 = arith.constant 0 : i32
    %ne3A_549 = arith.cmpi ne, %rem3A_547, %ne3A_548 : i32
    %and3A_550 = arith.andi %ne3A_546, %ne3A_549 : i1
    %sub3A_551 = arith.constant 1 : i32
    %sub3A_552 = arith.subi %div3A_531, %sub3A_551 : i32
    %select_n3A_553 = arith.select %and3A_550, %sub3A_552, %div3A_531 : i32
    %jit3A_554 = arith.constant 2 : i32
    %eq3A_555 = arith.constant 0 : i32
    %eq3A_556 = arith.cmpi eq, %jit3A_554, %eq3A_555 : i32
    %jit3A_557 = arith.constant 1 : i32
    %select_n3A_558 = arith.select %eq3A_556, %jit3A_557, %jit3A_554 : i32
    %rem3A_559 = arith.remsi %add3A_529, %select_n3A_558 : i32
    %ne3A_560 = arith.constant 0 : i32
    %ne3A_561 = arith.cmpi ne, %rem3A_559, %ne3A_560 : i32
    %lt3A_562 = arith.constant 0 : i32
    %lt3A_563 = arith.cmpi slt, %rem3A_559, %lt3A_562 : i32
    %lt3A_564 = arith.constant 0 : i32
    %lt3A_565 = arith.cmpi slt, %select_n3A_558, %lt3A_564 : i32
    %ne3A_566 = arith.xori %lt3A_563, %lt3A_565 : i1
    %and3A_567 = arith.andi %ne3A_566, %ne3A_561 : i1
    %add3A_568 = arith.addi %rem3A_559, %select_n3A_558 : i32
    %select_n3A_569 = arith.select %and3A_567, %add3A_568, %rem3A_559 : i32
    %jit3A_570 = arith.constant 72 : i32
    %div3A_571 = arith.divsi %select_n3A_553, %jit3A_570 : i32
    %sign3A_572 = arith.constant 0 : i32
    %sign3A_573 = arith.cmpi sgt, %select_n3A_553, %sign3A_572 : i32
    %sign3A_574 = arith.extui %sign3A_573 : i1 to i32
    %sign3A_575 = arith.constant 0 : i32
    %sign3A_576 = arith.cmpi slt, %select_n3A_553, %sign3A_575 : i32
    %sign3A_577 = arith.extui %sign3A_576 : i1 to i32
    %sign3A_578 = arith.subi %sign3A_574, %sign3A_577 : i32
    %sign3A_579 = arith.constant 0 : i32
    %sign3A_580 = arith.cmpi sgt, %jit3A_570, %sign3A_579 : i32
    %sign3A_581 = arith.extui %sign3A_580 : i1 to i32
    %sign3A_582 = arith.constant 0 : i32
    %sign3A_583 = arith.cmpi slt, %jit3A_570, %sign3A_582 : i32
    %sign3A_584 = arith.extui %sign3A_583 : i1 to i32
    %sign3A_585 = arith.subi %sign3A_581, %sign3A_584 : i32
    %ne3A_586 = arith.cmpi ne, %sign3A_578, %sign3A_585 : i32
    %rem3A_587 = arith.remsi %select_n3A_553, %jit3A_570 : i32
    %ne3A_588 = arith.constant 0 : i32
    %ne3A_589 = arith.cmpi ne, %rem3A_587, %ne3A_588 : i32
    %and3A_590 = arith.andi %ne3A_586, %ne3A_589 : i1
    %sub3A_591 = arith.constant 1 : i32
    %sub3A_592 = arith.subi %div3A_571, %sub3A_591 : i32
    %select_n3A_593 = arith.select %and3A_590, %sub3A_592, %div3A_571 : i32
    %jit3A_594 = arith.constant 8 : i32
    %div3A_595 = arith.divsi %select_n3A_553, %jit3A_594 : i32
    %sign3A_596 = arith.constant 0 : i32
    %sign3A_597 = arith.cmpi sgt, %select_n3A_553, %sign3A_596 : i32
    %sign3A_598 = arith.extui %sign3A_597 : i1 to i32
    %sign3A_599 = arith.constant 0 : i32
    %sign3A_600 = arith.cmpi slt, %select_n3A_553, %sign3A_599 : i32
    %sign3A_601 = arith.extui %sign3A_600 : i1 to i32
    %sign3A_602 = arith.subi %sign3A_598, %sign3A_601 : i32
    %sign3A_603 = arith.constant 0 : i32
    %sign3A_604 = arith.cmpi sgt, %jit3A_594, %sign3A_603 : i32
    %sign3A_605 = arith.extui %sign3A_604 : i1 to i32
    %sign3A_606 = arith.constant 0 : i32
    %sign3A_607 = arith.cmpi slt, %jit3A_594, %sign3A_606 : i32
    %sign3A_608 = arith.extui %sign3A_607 : i1 to i32
    %sign3A_609 = arith.subi %sign3A_605, %sign3A_608 : i32
    %ne3A_610 = arith.cmpi ne, %sign3A_602, %sign3A_609 : i32
    %rem3A_611 = arith.remsi %select_n3A_553, %jit3A_594 : i32
    %ne3A_612 = arith.constant 0 : i32
    %ne3A_613 = arith.cmpi ne, %rem3A_611, %ne3A_612 : i32
    %and3A_614 = arith.andi %ne3A_610, %ne3A_613 : i1
    %sub3A_615 = arith.constant 1 : i32
    %sub3A_616 = arith.subi %div3A_595, %sub3A_615 : i32
    %select_n3A_617 = arith.select %and3A_614, %sub3A_616, %div3A_595 : i32
    %jit3A_618 = arith.constant 9 : i32
    %eq3A_619 = arith.constant 0 : i32
    %eq3A_620 = arith.cmpi eq, %jit3A_618, %eq3A_619 : i32
    %jit3A_621 = arith.constant 1 : i32
    %select_n3A_622 = arith.select %eq3A_620, %jit3A_621, %jit3A_618 : i32
    %rem3A_623 = arith.remsi %select_n3A_617, %select_n3A_622 : i32
    %ne3A_624 = arith.constant 0 : i32
    %ne3A_625 = arith.cmpi ne, %rem3A_623, %ne3A_624 : i32
    %lt3A_626 = arith.constant 0 : i32
    %lt3A_627 = arith.cmpi slt, %rem3A_623, %lt3A_626 : i32
    %lt3A_628 = arith.constant 0 : i32
    %lt3A_629 = arith.cmpi slt, %select_n3A_622, %lt3A_628 : i32
    %ne3A_630 = arith.xori %lt3A_627, %lt3A_629 : i1
    %and3A_631 = arith.andi %ne3A_630, %ne3A_625 : i1
    %add3A_632 = arith.addi %rem3A_623, %select_n3A_622 : i32
    %select_n3A_633 = arith.select %and3A_631, %add3A_632, %rem3A_623 : i32
    %jit3A_634 = arith.constant 8 : i32
    %eq3A_635 = arith.constant 0 : i32
    %eq3A_636 = arith.cmpi eq, %jit3A_634, %eq3A_635 : i32
    %jit3A_637 = arith.constant 1 : i32
    %select_n3A_638 = arith.select %eq3A_636, %jit3A_637, %jit3A_634 : i32
    %rem3A_639 = arith.remsi %select_n3A_553, %select_n3A_638 : i32
    %ne3A_640 = arith.constant 0 : i32
    %ne3A_641 = arith.cmpi ne, %rem3A_639, %ne3A_640 : i32
    %lt3A_642 = arith.constant 0 : i32
    %lt3A_643 = arith.cmpi slt, %rem3A_639, %lt3A_642 : i32
    %lt3A_644 = arith.constant 0 : i32
    %lt3A_645 = arith.cmpi slt, %select_n3A_638, %lt3A_644 : i32
    %ne3A_646 = arith.xori %lt3A_643, %lt3A_645 : i1
    %and3A_647 = arith.andi %ne3A_646, %ne3A_641 : i1
    %add3A_648 = arith.addi %rem3A_639, %select_n3A_638 : i32
    %select_n3A_649 = arith.select %and3A_647, %add3A_648, %rem3A_639 : i32
    %mul3A_650 = arith.constant 5000 : i32
    %mul3A_651 = arith.muli %select_n3A_569, %mul3A_650 : i32
    %dma_start3A_652 = arith.constant 0 : i32
    %dma_start3A_653 = tpu.memref_slice %arg3[%select_n3A_593, %select_n3A_633, %select_n3A_649, %mul3A_651] : memref<2x9x8x10000xi32, #tpu.memory_space<hbm>> -> memref<1x1x1x5000xi32, #tpu.memory_space<hbm>>
    %dma_start3A_654 = tpu.memref_squeeze %dma_start3A_653 : memref<1x1x1x5000xi32, #tpu.memory_space<hbm>> -> memref<5000xi32, #tpu.memory_space<hbm>>
    %dma_start3A_655 = tpu.memref_slice %arg11[%dma_start3A_652] : memref<6x!tpu.dma_semaphore, #tpu.memory_space<semaphore_mem>> -> memref<1x!tpu.dma_semaphore, #tpu.memory_space<semaphore_mem>>
    %dma_start3A_656 = tpu.memref_squeeze %dma_start3A_655 : memref<1x!tpu.dma_semaphore, #tpu.memory_space<semaphore_mem>> -> memref<!tpu.dma_semaphore, #tpu.memory_space<semaphore_mem>>
    %dma_start3A_657 = tpu.memref_slice %arg3[%select_n3A_593, %select_n3A_633, %select_n3A_649, %mul3A_651] : memref<2x9x8x10000xi32, #tpu.memory_space<hbm>> -> memref<1x1x1x5000xi32, #tpu.memory_space<hbm>>
    %dma_start3A_658 = tpu.memref_squeeze %dma_start3A_657 : memref<1x1x1x5000xi32, #tpu.memory_space<hbm>> -> memref<5000xi32, #tpu.memory_space<hbm>>
    tpu.enqueue_dma source(%arg4 : memref<5000xi32, #tpu.memory_space<vmem>>) target(%dma_start3A_658 : memref<5000xi32, #tpu.memory_space<hbm>>) target_semaphore(%dma_start3A_656 : memref<!tpu.dma_semaphore, #tpu.memory_space<semaphore_mem>>)
    %add3A_659 = arith.constant 128 : i32
    %add3A_660 = arith.addi %add3A, %add3A_659 : i32
    %jit3A_661 = arith.constant 2 : i32
    %div3A_662 = arith.divsi %add3A_660, %jit3A_661 : i32
    %sign3A_663 = arith.constant 0 : i32
    %sign3A_664 = arith.cmpi sgt, %add3A_660, %sign3A_663 : i32
    %sign3A_665 = arith.extui %sign3A_664 : i1 to i32
    %sign3A_666 = arith.constant 0 : i32
    %sign3A_667 = arith.cmpi slt, %add3A_660, %sign3A_666 : i32
    %sign3A_668 = arith.extui %sign3A_667 : i1 to i32
    %sign3A_669 = arith.subi %sign3A_665, %sign3A_668 : i32
    %sign3A_670 = arith.constant 0 : i32
    %sign3A_671 = arith.cmpi sgt, %jit3A_661, %sign3A_670 : i32
    %sign3A_672 = arith.extui %sign3A_671 : i1 to i32
    %sign3A_673 = arith.constant 0 : i32
    %sign3A_674 = arith.cmpi slt, %jit3A_661, %sign3A_673 : i32
    %sign3A_675 = arith.extui %sign3A_674 : i1 to i32
    %sign3A_676 = arith.subi %sign3A_672, %sign3A_675 : i32
    %ne3A_677 = arith.cmpi ne, %sign3A_669, %sign3A_676 : i32
    %rem3A_678 = arith.remsi %add3A_660, %jit3A_661 : i32
    %ne3A_679 = arith.constant 0 : i32
    %ne3A_680 = arith.cmpi ne, %rem3A_678, %ne3A_679 : i32
    %and3A_681 = arith.andi %ne3A_677, %ne3A_680 : i1
    %sub3A_682 = arith.constant 1 : i32
    %sub3A_683 = arith.subi %div3A_662, %sub3A_682 : i32
    %select_n3A_684 = arith.select %and3A_681, %sub3A_683, %div3A_662 : i32
    %jit3A_685 = arith.constant 2 : i32
    %eq3A_686 = arith.constant 0 : i32
    %eq3A_687 = arith.cmpi eq, %jit3A_685, %eq3A_686 : i32
    %jit3A_688 = arith.constant 1 : i32
    %select_n3A_689 = arith.select %eq3A_687, %jit3A_688, %jit3A_685 : i32
    %rem3A_690 = arith.remsi %add3A_660, %select_n3A_689 : i32
    %ne3A_691 = arith.constant 0 : i32
    %ne3A_692 = arith.cmpi ne, %rem3A_690, %ne3A_691 : i32
    %lt3A_693 = arith.constant 0 : i32
    %lt3A_694 = arith.cmpi slt, %rem3A_690, %lt3A_693 : i32
    %lt3A_695 = arith.constant 0 : i32
    %lt3A_696 = arith.cmpi slt, %select_n3A_689, %lt3A_695 : i32
    %ne3A_697 = arith.xori %lt3A_694, %lt3A_696 : i1
    %and3A_698 = arith.andi %ne3A_697, %ne3A_692 : i1
    %add3A_699 = arith.addi %rem3A_690, %select_n3A_689 : i32
    %select_n3A_700 = arith.select %and3A_698, %add3A_699, %rem3A_690 : i32
    %jit3A_701 = arith.constant 72 : i32
    %div3A_702 = arith.divsi %select_n3A_684, %jit3A_701 : i32
    %sign3A_703 = arith.constant 0 : i32
    %sign3A_704 = arith.cmpi sgt, %select_n3A_684, %sign3A_703 : i32
    %sign3A_705 = arith.extui %sign3A_704 : i1 to i32
    %sign3A_706 = arith.constant 0 : i32
    %sign3A_707 = arith.cmpi slt, %select_n3A_684, %sign3A_706 : i32
    %sign3A_708 = arith.extui %sign3A_707 : i1 to i32
    %sign3A_709 = arith.subi %sign3A_705, %sign3A_708 : i32
    %sign3A_710 = arith.constant 0 : i32
    %sign3A_711 = arith.cmpi sgt, %jit3A_701, %sign3A_710 : i32
    %sign3A_712 = arith.extui %sign3A_711 : i1 to i32
    %sign3A_713 = arith.constant 0 : i32
    %sign3A_714 = arith.cmpi slt, %jit3A_701, %sign3A_713 : i32
    %sign3A_715 = arith.extui %sign3A_714 : i1 to i32
    %sign3A_716 = arith.subi %sign3A_712, %sign3A_715 : i32
    %ne3A_717 = arith.cmpi ne, %sign3A_709, %sign3A_716 : i32
    %rem3A_718 = arith.remsi %select_n3A_684, %jit3A_701 : i32
    %ne3A_719 = arith.constant 0 : i32
    %ne3A_720 = arith.cmpi ne, %rem3A_718, %ne3A_719 : i32
    %and3A_721 = arith.andi %ne3A_717, %ne3A_720 : i1
    %sub3A_722 = arith.constant 1 : i32
    %sub3A_723 = arith.subi %div3A_702, %sub3A_722 : i32
    %select_n3A_724 = arith.select %and3A_721, %sub3A_723, %div3A_702 : i32
    %jit3A_725 = arith.constant 8 : i32
    %div3A_726 = arith.divsi %select_n3A_684, %jit3A_725 : i32
    %sign3A_727 = arith.constant 0 : i32
    %sign3A_728 = arith.cmpi sgt, %select_n3A_684, %sign3A_727 : i32
    %sign3A_729 = arith.extui %sign3A_728 : i1 to i32
    %sign3A_730 = arith.constant 0 : i32
    %sign3A_731 = arith.cmpi slt, %select_n3A_684, %sign3A_730 : i32
    %sign3A_732 = arith.extui %sign3A_731 : i1 to i32
    %sign3A_733 = arith.subi %sign3A_729, %sign3A_732 : i32
    %sign3A_734 = arith.constant 0 : i32
    %sign3A_735 = arith.cmpi sgt, %jit3A_725, %sign3A_734 : i32
    %sign3A_736 = arith.extui %sign3A_735 : i1 to i32
    %sign3A_737 = arith.constant 0 : i32
    %sign3A_738 = arith.cmpi slt, %jit3A_725, %sign3A_737 : i32
    %sign3A_739 = arith.extui %sign3A_738 : i1 to i32
    %sign3A_740 = arith.subi %sign3A_736, %sign3A_739 : i32
    %ne3A_741 = arith.cmpi ne, %sign3A_733, %sign3A_740 : i32
    %rem3A_742 = arith.remsi %select_n3A_684, %jit3A_725 : i32
    %ne3A_743 = arith.constant 0 : i32
    %ne3A_744 = arith.cmpi ne, %rem3A_742, %ne3A_743 : i32
    %and3A_745 = arith.andi %ne3A_741, %ne3A_744 : i1
    %sub3A_746 = arith.constant 1 : i32
    %sub3A_747 = arith.subi %div3A_726, %sub3A_746 : i32
    %select_n3A_748 = arith.select %and3A_745, %sub3A_747, %div3A_726 : i32
    %jit3A_749 = arith.constant 9 : i32
    %eq3A_750 = arith.constant 0 : i32
    %eq3A_751 = arith.cmpi eq, %jit3A_749, %eq3A_750 : i32
    %jit3A_752 = arith.constant 1 : i32
    %select_n3A_753 = arith.select %eq3A_751, %jit3A_752, %jit3A_749 : i32
    %rem3A_754 = arith.remsi %select_n3A_748, %select_n3A_753 : i32
    %ne3A_755 = arith.constant 0 : i32
    %ne3A_756 = arith.cmpi ne, %rem3A_754, %ne3A_755 : i32
    %lt3A_757 = arith.constant 0 : i32
    %lt3A_758 = arith.cmpi slt, %rem3A_754, %lt3A_757 : i32
    %lt3A_759 = arith.constant 0 : i32
    %lt3A_760 = arith.cmpi slt, %select_n3A_753, %lt3A_759 : i32
    %ne3A_761 = arith.xori %lt3A_758, %lt3A_760 : i1
    %and3A_762 = arith.andi %ne3A_761, %ne3A_756 : i1
    %add3A_763 = arith.addi %rem3A_754, %select_n3A_753 : i32
    %select_n3A_764 = arith.select %and3A_762, %add3A_763, %rem3A_754 : i32
    %jit3A_765 = arith.constant 8 : i32
    %eq3A_766 = arith.constant 0 : i32
    %eq3A_767 = arith.cmpi eq, %jit3A_765, %eq3A_766 : i32
    %jit3A_768 = arith.constant 1 : i32
    %select_n3A_769 = arith.select %eq3A_767, %jit3A_768, %jit3A_765 : i32
    %rem3A_770 = arith.remsi %select_n3A_684, %select_n3A_769 : i32
    %ne3A_771 = arith.constant 0 : i32
    %ne3A_772 = arith.cmpi ne, %rem3A_770, %ne3A_771 : i32
    %lt3A_773 = arith.constant 0 : i32
    %lt3A_774 = arith.cmpi slt, %rem3A_770, %lt3A_773 : i32
    %lt3A_775 = arith.constant 0 : i32
    %lt3A_776 = arith.cmpi slt, %select_n3A_769, %lt3A_775 : i32
    %ne3A_777 = arith.xori %lt3A_774, %lt3A_776 : i1
    %and3A_778 = arith.andi %ne3A_777, %ne3A_772 : i1
    %add3A_779 = arith.addi %rem3A_770, %select_n3A_769 : i32
    %select_n3A_780 = arith.select %and3A_778, %add3A_779, %rem3A_770 : i32
    %mul3A_781 = arith.constant 5000 : i32
    %mul3A_782 = arith.muli %select_n3A_700, %mul3A_781 : i32
    %mul3A_783 = arith.constant 2 : i32
    %mul3A_784 = arith.muli %mul3A_783, %select_n3A_764 : i32
    %dma_start3A_785 = arith.constant 4 : i32
    %dma_start3A_786 = tpu.memref_slice %arg2[%select_n3A_724, %mul3A_784, %select_n3A_780, %mul3A_782] : memref<2x18x8x10000xi32, #tpu.memory_space<hbm>> -> memref<1x1x1x5000xi32, #tpu.memory_space<hbm>>
    %dma_start3A_787 = tpu.memref_squeeze %dma_start3A_786 : memref<1x1x1x5000xi32, #tpu.memory_space<hbm>> -> memref<5000xi32, #tpu.memory_space<hbm>>
    %dma_start3A_788 = tpu.memref_slice %arg10[%dma_start3A_785] : memref<6x!tpu.dma_semaphore, #tpu.memory_space<semaphore_mem>> -> memref<1x!tpu.dma_semaphore, #tpu.memory_space<semaphore_mem>>
    %dma_start3A_789 = tpu.memref_squeeze %dma_start3A_788 : memref<1x!tpu.dma_semaphore, #tpu.memory_space<semaphore_mem>> -> memref<!tpu.dma_semaphore, #tpu.memory_space<semaphore_mem>>
    %dma_start3A_790 = tpu.memref_slice %arg2[%select_n3A_724, %mul3A_784, %select_n3A_780, %mul3A_782] : memref<2x18x8x10000xi32, #tpu.memory_space<hbm>> -> memref<1x1x1x5000xi32, #tpu.memory_space<hbm>>
    %dma_start3A_791 = tpu.memref_squeeze %dma_start3A_790 : memref<1x1x1x5000xi32, #tpu.memory_space<hbm>> -> memref<5000xi32, #tpu.memory_space<hbm>>
    tpu.enqueue_dma source(%dma_start3A_791 : memref<5000xi32, #tpu.memory_space<hbm>>) target(%arg8 : memref<5000xi32, #tpu.memory_space<vmem>>) target_semaphore(%dma_start3A_789 : memref<!tpu.dma_semaphore, #tpu.memory_space<semaphore_mem>>)
    %dma_wait3A_792 = arith.constant 1 : i32
    %dma_wait3A_793 = tpu.memref_slice %arg2[%select_n3A_188, %mul3A_248, %select_n3A_244, %mul3A_246] : memref<2x18x8x10000xi32, #tpu.memory_space<hbm>> -> memref<1x1x1x5000xi32, #tpu.memory_space<hbm>>
    %dma_wait3A_794 = tpu.memref_squeeze %dma_wait3A_793 : memref<1x1x1x5000xi32, #tpu.memory_space<hbm>> -> memref<5000xi32, #tpu.memory_space<hbm>>
    %dma_wait3A_795 = tpu.memref_slice %arg10[%dma_wait3A_792] : memref<6x!tpu.dma_semaphore, #tpu.memory_space<semaphore_mem>> -> memref<1x!tpu.dma_semaphore, #tpu.memory_space<semaphore_mem>>
    %dma_wait3A_796 = tpu.memref_squeeze %dma_wait3A_795 : memref<1x!tpu.dma_semaphore, #tpu.memory_space<semaphore_mem>> -> memref<!tpu.dma_semaphore, #tpu.memory_space<semaphore_mem>>
    %dma_wait3A_797 = tpu.memref_slice %arg2[%select_n3A_188, %mul3A_248, %select_n3A_244, %mul3A_246] : memref<2x18x8x10000xi32, #tpu.memory_space<hbm>> -> memref<1x1x1x5000xi32, #tpu.memory_space<hbm>>
    %dma_wait3A_798 = tpu.memref_squeeze %dma_wait3A_797 : memref<1x1x1x5000xi32, #tpu.memory_space<hbm>> -> memref<5000xi32, #tpu.memory_space<hbm>>
    tpu.wait_dma2 semaphore(%dma_wait3A_796 : memref<!tpu.dma_semaphore, #tpu.memory_space<semaphore_mem>>) src(%dma_wait3A_798 : memref<5000xi32, #tpu.memory_space<hbm>>) dst(%arg5 : memref<5000xi32, #tpu.memory_space<vmem>>)
    %add3A_799 = arith.constant 32 : i32
    %add3A_800 = arith.addi %add3A, %add3A_799 : i32
    %jit3A_801 = arith.constant 2 : i32
    %div3A_802 = arith.divsi %add3A_800, %jit3A_801 : i32
    %sign3A_803 = arith.constant 0 : i32
    %sign3A_804 = arith.cmpi sgt, %add3A_800, %sign3A_803 : i32
    %sign3A_805 = arith.extui %sign3A_804 : i1 to i32
    %sign3A_806 = arith.constant 0 : i32
    %sign3A_807 = arith.cmpi slt, %add3A_800, %sign3A_806 : i32
    %sign3A_808 = arith.extui %sign3A_807 : i1 to i32
    %sign3A_809 = arith.subi %sign3A_805, %sign3A_808 : i32
    %sign3A_810 = arith.constant 0 : i32
    %sign3A_811 = arith.cmpi sgt, %jit3A_801, %sign3A_810 : i32
    %sign3A_812 = arith.extui %sign3A_811 : i1 to i32
    %sign3A_813 = arith.constant 0 : i32
    %sign3A_814 = arith.cmpi slt, %jit3A_801, %sign3A_813 : i32
    %sign3A_815 = arith.extui %sign3A_814 : i1 to i32
    %sign3A_816 = arith.subi %sign3A_812, %sign3A_815 : i32
    %ne3A_817 = arith.cmpi ne, %sign3A_809, %sign3A_816 : i32
    %rem3A_818 = arith.remsi %add3A_800, %jit3A_801 : i32
    %ne3A_819 = arith.constant 0 : i32
    %ne3A_820 = arith.cmpi ne, %rem3A_818, %ne3A_819 : i32
    %and3A_821 = arith.andi %ne3A_817, %ne3A_820 : i1
    %sub3A_822 = arith.constant 1 : i32
    %sub3A_823 = arith.subi %div3A_802, %sub3A_822 : i32
    %select_n3A_824 = arith.select %and3A_821, %sub3A_823, %div3A_802 : i32
    %jit3A_825 = arith.constant 2 : i32
    %eq3A_826 = arith.constant 0 : i32
    %eq3A_827 = arith.cmpi eq, %jit3A_825, %eq3A_826 : i32
    %jit3A_828 = arith.constant 1 : i32
    %select_n3A_829 = arith.select %eq3A_827, %jit3A_828, %jit3A_825 : i32
    %rem3A_830 = arith.remsi %add3A_800, %select_n3A_829 : i32
    %ne3A_831 = arith.constant 0 : i32
    %ne3A_832 = arith.cmpi ne, %rem3A_830, %ne3A_831 : i32
    %lt3A_833 = arith.constant 0 : i32
    %lt3A_834 = arith.cmpi slt, %rem3A_830, %lt3A_833 : i32
    %lt3A_835 = arith.constant 0 : i32
    %lt3A_836 = arith.cmpi slt, %select_n3A_829, %lt3A_835 : i32
    %ne3A_837 = arith.xori %lt3A_834, %lt3A_836 : i1
    %and3A_838 = arith.andi %ne3A_837, %ne3A_832 : i1
    %add3A_839 = arith.addi %rem3A_830, %select_n3A_829 : i32
    %select_n3A_840 = arith.select %and3A_838, %add3A_839, %rem3A_830 : i32
    %jit3A_841 = arith.constant 72 : i32
    %div3A_842 = arith.divsi %select_n3A_824, %jit3A_841 : i32
    %sign3A_843 = arith.constant 0 : i32
    %sign3A_844 = arith.cmpi sgt, %select_n3A_824, %sign3A_843 : i32
    %sign3A_845 = arith.extui %sign3A_844 : i1 to i32
    %sign3A_846 = arith.constant 0 : i32
    %sign3A_847 = arith.cmpi slt, %select_n3A_824, %sign3A_846 : i32
    %sign3A_848 = arith.extui %sign3A_847 : i1 to i32
    %sign3A_849 = arith.subi %sign3A_845, %sign3A_848 : i32
    %sign3A_850 = arith.constant 0 : i32
    %sign3A_851 = arith.cmpi sgt, %jit3A_841, %sign3A_850 : i32
    %sign3A_852 = arith.extui %sign3A_851 : i1 to i32
    %sign3A_853 = arith.constant 0 : i32
    %sign3A_854 = arith.cmpi slt, %jit3A_841, %sign3A_853 : i32
    %sign3A_855 = arith.extui %sign3A_854 : i1 to i32
    %sign3A_856 = arith.subi %sign3A_852, %sign3A_855 : i32
    %ne3A_857 = arith.cmpi ne, %sign3A_849, %sign3A_856 : i32
    %rem3A_858 = arith.remsi %select_n3A_824, %jit3A_841 : i32
    %ne3A_859 = arith.constant 0 : i32
    %ne3A_860 = arith.cmpi ne, %rem3A_858, %ne3A_859 : i32
    %and3A_861 = arith.andi %ne3A_857, %ne3A_860 : i1
    %sub3A_862 = arith.constant 1 : i32
    %sub3A_863 = arith.subi %div3A_842, %sub3A_862 : i32
    %select_n3A_864 = arith.select %and3A_861, %sub3A_863, %div3A_842 : i32
    %jit3A_865 = arith.constant 8 : i32
    %div3A_866 = arith.divsi %select_n3A_824, %jit3A_865 : i32
    %sign3A_867 = arith.constant 0 : i32
    %sign3A_868 = arith.cmpi sgt, %select_n3A_824, %sign3A_867 : i32
    %sign3A_869 = arith.extui %sign3A_868 : i1 to i32
    %sign3A_870 = arith.constant 0 : i32
    %sign3A_871 = arith.cmpi slt, %select_n3A_824, %sign3A_870 : i32
    %sign3A_872 = arith.extui %sign3A_871 : i1 to i32
    %sign3A_873 = arith.subi %sign3A_869, %sign3A_872 : i32
    %sign3A_874 = arith.constant 0 : i32
    %sign3A_875 = arith.cmpi sgt, %jit3A_865, %sign3A_874 : i32
    %sign3A_876 = arith.extui %sign3A_875 : i1 to i32
    %sign3A_877 = arith.constant 0 : i32
    %sign3A_878 = arith.cmpi slt, %jit3A_865, %sign3A_877 : i32
    %sign3A_879 = arith.extui %sign3A_878 : i1 to i32
    %sign3A_880 = arith.subi %sign3A_876, %sign3A_879 : i32
    %ne3A_881 = arith.cmpi ne, %sign3A_873, %sign3A_880 : i32
    %rem3A_882 = arith.remsi %select_n3A_824, %jit3A_865 : i32
    %ne3A_883 = arith.constant 0 : i32
    %ne3A_884 = arith.cmpi ne, %rem3A_882, %ne3A_883 : i32
    %and3A_885 = arith.andi %ne3A_881, %ne3A_884 : i1
    %sub3A_886 = arith.constant 1 : i32
    %sub3A_887 = arith.subi %div3A_866, %sub3A_886 : i32
    %select_n3A_888 = arith.select %and3A_885, %sub3A_887, %div3A_866 : i32
    %jit3A_889 = arith.constant 9 : i32
    %eq3A_890 = arith.constant 0 : i32
    %eq3A_891 = arith.cmpi eq, %jit3A_889, %eq3A_890 : i32
    %jit3A_892 = arith.constant 1 : i32
    %select_n3A_893 = arith.select %eq3A_891, %jit3A_892, %jit3A_889 : i32
    %rem3A_894 = arith.remsi %select_n3A_888, %select_n3A_893 : i32
    %ne3A_895 = arith.constant 0 : i32
    %ne3A_896 = arith.cmpi ne, %rem3A_894, %ne3A_895 : i32
    %lt3A_897 = arith.constant 0 : i32
    %lt3A_898 = arith.cmpi slt, %rem3A_894, %lt3A_897 : i32
    %lt3A_899 = arith.constant 0 : i32
    %lt3A_900 = arith.cmpi slt, %select_n3A_893, %lt3A_899 : i32
    %ne3A_901 = arith.xori %lt3A_898, %lt3A_900 : i1
    %and3A_902 = arith.andi %ne3A_901, %ne3A_896 : i1
    %add3A_903 = arith.addi %rem3A_894, %select_n3A_893 : i32
    %select_n3A_904 = arith.select %and3A_902, %add3A_903, %rem3A_894 : i32
    %jit3A_905 = arith.constant 8 : i32
    %eq3A_906 = arith.constant 0 : i32
    %eq3A_907 = arith.cmpi eq, %jit3A_905, %eq3A_906 : i32
    %jit3A_908 = arith.constant 1 : i32
    %select_n3A_909 = arith.select %eq3A_907, %jit3A_908, %jit3A_905 : i32
    %rem3A_910 = arith.remsi %select_n3A_824, %select_n3A_909 : i32
    %ne3A_911 = arith.constant 0 : i32
    %ne3A_912 = arith.cmpi ne, %rem3A_910, %ne3A_911 : i32
    %lt3A_913 = arith.constant 0 : i32
    %lt3A_914 = arith.cmpi slt, %rem3A_910, %lt3A_913 : i32
    %lt3A_915 = arith.constant 0 : i32
    %lt3A_916 = arith.cmpi slt, %select_n3A_909, %lt3A_915 : i32
    %ne3A_917 = arith.xori %lt3A_914, %lt3A_916 : i1
    %and3A_918 = arith.andi %ne3A_917, %ne3A_912 : i1
    %add3A_919 = arith.addi %rem3A_910, %select_n3A_909 : i32
    %select_n3A_920 = arith.select %and3A_918, %add3A_919, %rem3A_910 : i32
    %mul3A_921 = arith.constant 5000 : i32
    %mul3A_922 = arith.muli %select_n3A_840, %mul3A_921 : i32
    %dma_start3A_923 = arith.constant 1 : i32
    %dma_start3A_924 = tpu.memref_slice %arg3[%select_n3A_864, %select_n3A_904, %select_n3A_920, %mul3A_922] : memref<2x9x8x10000xi32, #tpu.memory_space<hbm>> -> memref<1x1x1x5000xi32, #tpu.memory_space<hbm>>
    %dma_start3A_925 = tpu.memref_squeeze %dma_start3A_924 : memref<1x1x1x5000xi32, #tpu.memory_space<hbm>> -> memref<5000xi32, #tpu.memory_space<hbm>>
    %dma_start3A_926 = tpu.memref_slice %arg11[%dma_start3A_923] : memref<6x!tpu.dma_semaphore, #tpu.memory_space<semaphore_mem>> -> memref<1x!tpu.dma_semaphore, #tpu.memory_space<semaphore_mem>>
    %dma_start3A_927 = tpu.memref_squeeze %dma_start3A_926 : memref<1x!tpu.dma_semaphore, #tpu.memory_space<semaphore_mem>> -> memref<!tpu.dma_semaphore, #tpu.memory_space<semaphore_mem>>
    %dma_start3A_928 = tpu.memref_slice %arg3[%select_n3A_864, %select_n3A_904, %select_n3A_920, %mul3A_922] : memref<2x9x8x10000xi32, #tpu.memory_space<hbm>> -> memref<1x1x1x5000xi32, #tpu.memory_space<hbm>>
    %dma_start3A_929 = tpu.memref_squeeze %dma_start3A_928 : memref<1x1x1x5000xi32, #tpu.memory_space<hbm>> -> memref<5000xi32, #tpu.memory_space<hbm>>
    tpu.enqueue_dma source(%arg5 : memref<5000xi32, #tpu.memory_space<vmem>>) target(%dma_start3A_929 : memref<5000xi32, #tpu.memory_space<hbm>>) target_semaphore(%dma_start3A_927 : memref<!tpu.dma_semaphore, #tpu.memory_space<semaphore_mem>>)
    %add3A_930 = arith.constant 160 : i32
    %add3A_931 = arith.addi %add3A, %add3A_930 : i32
    %jit3A_932 = arith.constant 2 : i32
    %div3A_933 = arith.divsi %add3A_931, %jit3A_932 : i32
    %sign3A_934 = arith.constant 0 : i32
    %sign3A_935 = arith.cmpi sgt, %add3A_931, %sign3A_934 : i32
    %sign3A_936 = arith.extui %sign3A_935 : i1 to i32
    %sign3A_937 = arith.constant 0 : i32
    %sign3A_938 = arith.cmpi slt, %add3A_931, %sign3A_937 : i32
    %sign3A_939 = arith.extui %sign3A_938 : i1 to i32
    %sign3A_940 = arith.subi %sign3A_936, %sign3A_939 : i32
    %sign3A_941 = arith.constant 0 : i32
    %sign3A_942 = arith.cmpi sgt, %jit3A_932, %sign3A_941 : i32
    %sign3A_943 = arith.extui %sign3A_942 : i1 to i32
    %sign3A_944 = arith.constant 0 : i32
    %sign3A_945 = arith.cmpi slt, %jit3A_932, %sign3A_944 : i32
    %sign3A_946 = arith.extui %sign3A_945 : i1 to i32
    %sign3A_947 = arith.subi %sign3A_943, %sign3A_946 : i32
    %ne3A_948 = arith.cmpi ne, %sign3A_940, %sign3A_947 : i32
    %rem3A_949 = arith.remsi %add3A_931, %jit3A_932 : i32
    %ne3A_950 = arith.constant 0 : i32
    %ne3A_951 = arith.cmpi ne, %rem3A_949, %ne3A_950 : i32
    %and3A_952 = arith.andi %ne3A_948, %ne3A_951 : i1
    %sub3A_953 = arith.constant 1 : i32
    %sub3A_954 = arith.subi %div3A_933, %sub3A_953 : i32
    %select_n3A_955 = arith.select %and3A_952, %sub3A_954, %div3A_933 : i32
    %jit3A_956 = arith.constant 2 : i32
    %eq3A_957 = arith.constant 0 : i32
    %eq3A_958 = arith.cmpi eq, %jit3A_956, %eq3A_957 : i32
    %jit3A_959 = arith.constant 1 : i32
    %select_n3A_960 = arith.select %eq3A_958, %jit3A_959, %jit3A_956 : i32
    %rem3A_961 = arith.remsi %add3A_931, %select_n3A_960 : i32
    %ne3A_962 = arith.constant 0 : i32
    %ne3A_963 = arith.cmpi ne, %rem3A_961, %ne3A_962 : i32
    %lt3A_964 = arith.constant 0 : i32
    %lt3A_965 = arith.cmpi slt, %rem3A_961, %lt3A_964 : i32
    %lt3A_966 = arith.constant 0 : i32
    %lt3A_967 = arith.cmpi slt, %select_n3A_960, %lt3A_966 : i32
    %ne3A_968 = arith.xori %lt3A_965, %lt3A_967 : i1
    %and3A_969 = arith.andi %ne3A_968, %ne3A_963 : i1
    %add3A_970 = arith.addi %rem3A_961, %select_n3A_960 : i32
    %select_n3A_971 = arith.select %and3A_969, %add3A_970, %rem3A_961 : i32
    %jit3A_972 = arith.constant 72 : i32
    %div3A_973 = arith.divsi %select_n3A_955, %jit3A_972 : i32
    %sign3A_974 = arith.constant 0 : i32
    %sign3A_975 = arith.cmpi sgt, %select_n3A_955, %sign3A_974 : i32
    %sign3A_976 = arith.extui %sign3A_975 : i1 to i32
    %sign3A_977 = arith.constant 0 : i32
    %sign3A_978 = arith.cmpi slt, %select_n3A_955, %sign3A_977 : i32
    %sign3A_979 = arith.extui %sign3A_978 : i1 to i32
    %sign3A_980 = arith.subi %sign3A_976, %sign3A_979 : i32
    %sign3A_981 = arith.constant 0 : i32
    %sign3A_982 = arith.cmpi sgt, %jit3A_972, %sign3A_981 : i32
    %sign3A_983 = arith.extui %sign3A_982 : i1 to i32
    %sign3A_984 = arith.constant 0 : i32
    %sign3A_985 = arith.cmpi slt, %jit3A_972, %sign3A_984 : i32
    %sign3A_986 = arith.extui %sign3A_985 : i1 to i32
    %sign3A_987 = arith.subi %sign3A_983, %sign3A_986 : i32
    %ne3A_988 = arith.cmpi ne, %sign3A_980, %sign3A_987 : i32
    %rem3A_989 = arith.remsi %select_n3A_955, %jit3A_972 : i32
    %ne3A_990 = arith.constant 0 : i32
    %ne3A_991 = arith.cmpi ne, %rem3A_989, %ne3A_990 : i32
    %and3A_992 = arith.andi %ne3A_988, %ne3A_991 : i1
    %sub3A_993 = arith.constant 1 : i32
    %sub3A_994 = arith.subi %div3A_973, %sub3A_993 : i32
    %select_n3A_995 = arith.select %and3A_992, %sub3A_994, %div3A_973 : i32
    %jit3A_996 = arith.constant 8 : i32
    %div3A_997 = arith.divsi %select_n3A_955, %jit3A_996 : i32
    %sign3A_998 = arith.constant 0 : i32
    %sign3A_999 = arith.cmpi sgt, %select_n3A_955, %sign3A_998 : i32
    %sign3A_1000 = arith.extui %sign3A_999 : i1 to i32
    %sign3A_1001 = arith.constant 0 : i32
    %sign3A_1002 = arith.cmpi slt, %select_n3A_955, %sign3A_1001 : i32
    %sign3A_1003 = arith.extui %sign3A_1002 : i1 to i32
    %sign3A_1004 = arith.subi %sign3A_1000, %sign3A_1003 : i32
    %sign3A_1005 = arith.constant 0 : i32
    %sign3A_1006 = arith.cmpi sgt, %jit3A_996, %sign3A_1005 : i32
    %sign3A_1007 = arith.extui %sign3A_1006 : i1 to i32
    %sign3A_1008 = arith.constant 0 : i32
    %sign3A_1009 = arith.cmpi slt, %jit3A_996, %sign3A_1008 : i32
    %sign3A_1010 = arith.extui %sign3A_1009 : i1 to i32
    %sign3A_1011 = arith.subi %sign3A_1007, %sign3A_1010 : i32
    %ne3A_1012 = arith.cmpi ne, %sign3A_1004, %sign3A_1011 : i32
    %rem3A_1013 = arith.remsi %select_n3A_955, %jit3A_996 : i32
    %ne3A_1014 = arith.constant 0 : i32
    %ne3A_1015 = arith.cmpi ne, %rem3A_1013, %ne3A_1014 : i32
    %and3A_1016 = arith.andi %ne3A_1012, %ne3A_1015 : i1
    %sub3A_1017 = arith.constant 1 : i32
    %sub3A_1018 = arith.subi %div3A_997, %sub3A_1017 : i32
    %select_n3A_1019 = arith.select %and3A_1016, %sub3A_1018, %div3A_997 : i32
    %jit3A_1020 = arith.constant 9 : i32
    %eq3A_1021 = arith.constant 0 : i32
    %eq3A_1022 = arith.cmpi eq, %jit3A_1020, %eq3A_1021 : i32
    %jit3A_1023 = arith.constant 1 : i32
    %select_n3A_1024 = arith.select %eq3A_1022, %jit3A_1023, %jit3A_1020 : i32
    %rem3A_1025 = arith.remsi %select_n3A_1019, %select_n3A_1024 : i32
    %ne3A_1026 = arith.constant 0 : i32
    %ne3A_1027 = arith.cmpi ne, %rem3A_1025, %ne3A_1026 : i32
    %lt3A_1028 = arith.constant 0 : i32
    %lt3A_1029 = arith.cmpi slt, %rem3A_1025, %lt3A_1028 : i32
    %lt3A_1030 = arith.constant 0 : i32
    %lt3A_1031 = arith.cmpi slt, %select_n3A_1024, %lt3A_1030 : i32
    %ne3A_1032 = arith.xori %lt3A_1029, %lt3A_1031 : i1
    %and3A_1033 = arith.andi %ne3A_1032, %ne3A_1027 : i1
    %add3A_1034 = arith.addi %rem3A_1025, %select_n3A_1024 : i32
    %select_n3A_1035 = arith.select %and3A_1033, %add3A_1034, %rem3A_1025 : i32
    %jit3A_1036 = arith.constant 8 : i32
    %eq3A_1037 = arith.constant 0 : i32
    %eq3A_1038 = arith.cmpi eq, %jit3A_1036, %eq3A_1037 : i32
    %jit3A_1039 = arith.constant 1 : i32
    %select_n3A_1040 = arith.select %eq3A_1038, %jit3A_1039, %jit3A_1036 : i32
    %rem3A_1041 = arith.remsi %select_n3A_955, %select_n3A_1040 : i32
    %ne3A_1042 = arith.constant 0 : i32
    %ne3A_1043 = arith.cmpi ne, %rem3A_1041, %ne3A_1042 : i32
    %lt3A_1044 = arith.constant 0 : i32
    %lt3A_1045 = arith.cmpi slt, %rem3A_1041, %lt3A_1044 : i32
    %lt3A_1046 = arith.constant 0 : i32
    %lt3A_1047 = arith.cmpi slt, %select_n3A_1040, %lt3A_1046 : i32
    %ne3A_1048 = arith.xori %lt3A_1045, %lt3A_1047 : i1
    %and3A_1049 = arith.andi %ne3A_1048, %ne3A_1043 : i1
    %add3A_1050 = arith.addi %rem3A_1041, %select_n3A_1040 : i32
    %select_n3A_1051 = arith.select %and3A_1049, %add3A_1050, %rem3A_1041 : i32
    %mul3A_1052 = arith.constant 5000 : i32
    %mul3A_1053 = arith.muli %select_n3A_971, %mul3A_1052 : i32
    %mul3A_1054 = arith.constant 2 : i32
    %mul3A_1055 = arith.muli %mul3A_1054, %select_n3A_1035 : i32
    %dma_start3A_1056 = arith.constant 5 : i32
    %dma_start3A_1057 = tpu.memref_slice %arg2[%select_n3A_995, %mul3A_1055, %select_n3A_1051, %mul3A_1053] : memref<2x18x8x10000xi32, #tpu.memory_space<hbm>> -> memref<1x1x1x5000xi32, #tpu.memory_space<hbm>>
    %dma_start3A_1058 = tpu.memref_squeeze %dma_start3A_1057 : memref<1x1x1x5000xi32, #tpu.memory_space<hbm>> -> memref<5000xi32, #tpu.memory_space<hbm>>
    %dma_start3A_1059 = tpu.memref_slice %arg10[%dma_start3A_1056] : memref<6x!tpu.dma_semaphore, #tpu.memory_space<semaphore_mem>> -> memref<1x!tpu.dma_semaphore, #tpu.memory_space<semaphore_mem>>
    %dma_start3A_1060 = tpu.memref_squeeze %dma_start3A_1059 : memref<1x!tpu.dma_semaphore, #tpu.memory_space<semaphore_mem>> -> memref<!tpu.dma_semaphore, #tpu.memory_space<semaphore_mem>>
    %dma_start3A_1061 = tpu.memref_slice %arg2[%select_n3A_995, %mul3A_1055, %select_n3A_1051, %mul3A_1053] : memref<2x18x8x10000xi32, #tpu.memory_space<hbm>> -> memref<1x1x1x5000xi32, #tpu.memory_space<hbm>>
    %dma_start3A_1062 = tpu.memref_squeeze %dma_start3A_1061 : memref<1x1x1x5000xi32, #tpu.memory_space<hbm>> -> memref<5000xi32, #tpu.memory_space<hbm>>
    tpu.enqueue_dma source(%dma_start3A_1062 : memref<5000xi32, #tpu.memory_space<hbm>>) target(%arg9 : memref<5000xi32, #tpu.memory_space<vmem>>) target_semaphore(%dma_start3A_1060 : memref<!tpu.dma_semaphore, #tpu.memory_space<semaphore_mem>>)
    %dma_wait3A_1063 = arith.constant 2 : i32
    %dma_wait3A_1064 = tpu.memref_slice %arg2[%select_n3A_321, %mul3A_381, %select_n3A_377, %mul3A_379] : memref<2x18x8x10000xi32, #tpu.memory_space<hbm>> -> memref<1x1x1x5000xi32, #tpu.memory_space<hbm>>
    %dma_wait3A_1065 = tpu.memref_squeeze %dma_wait3A_1064 : memref<1x1x1x5000xi32, #tpu.memory_space<hbm>> -> memref<5000xi32, #tpu.memory_space<hbm>>
    %dma_wait3A_1066 = tpu.memref_slice %arg10[%dma_wait3A_1063] : memref<6x!tpu.dma_semaphore, #tpu.memory_space<semaphore_mem>> -> memref<1x!tpu.dma_semaphore, #tpu.memory_space<semaphore_mem>>
    %dma_wait3A_1067 = tpu.memref_squeeze %dma_wait3A_1066 : memref<1x!tpu.dma_semaphore, #tpu.memory_space<semaphore_mem>> -> memref<!tpu.dma_semaphore, #tpu.memory_space<semaphore_mem>>
    %dma_wait3A_1068 = tpu.memref_slice %arg2[%select_n3A_321, %mul3A_381, %select_n3A_377, %mul3A_379] : memref<2x18x8x10000xi32, #tpu.memory_space<hbm>> -> memref<1x1x1x5000xi32, #tpu.memory_space<hbm>>
    %dma_wait3A_1069 = tpu.memref_squeeze %dma_wait3A_1068 : memref<1x1x1x5000xi32, #tpu.memory_space<hbm>> -> memref<5000xi32, #tpu.memory_space<hbm>>
    tpu.wait_dma2 semaphore(%dma_wait3A_1067 : memref<!tpu.dma_semaphore, #tpu.memory_space<semaphore_mem>>) src(%dma_wait3A_1069 : memref<5000xi32, #tpu.memory_space<hbm>>) dst(%arg6 : memref<5000xi32, #tpu.memory_space<vmem>>)
    %add3A_1070 = arith.constant 64 : i32
    %add3A_1071 = arith.addi %add3A, %add3A_1070 : i32
    %jit3A_1072 = arith.constant 2 : i32
    %div3A_1073 = arith.divsi %add3A_1071, %jit3A_1072 : i32
    %sign3A_1074 = arith.constant 0 : i32
    %sign3A_1075 = arith.cmpi sgt, %add3A_1071, %sign3A_1074 : i32
    %sign3A_1076 = arith.extui %sign3A_1075 : i1 to i32
    %sign3A_1077 = arith.constant 0 : i32
    %sign3A_1078 = arith.cmpi slt, %add3A_1071, %sign3A_1077 : i32
    %sign3A_1079 = arith.extui %sign3A_1078 : i1 to i32
    %sign3A_1080 = arith.subi %sign3A_1076, %sign3A_1079 : i32
    %sign3A_1081 = arith.constant 0 : i32
    %sign3A_1082 = arith.cmpi sgt, %jit3A_1072, %sign3A_1081 : i32
    %sign3A_1083 = arith.extui %sign3A_1082 : i1 to i32
    %sign3A_1084 = arith.constant 0 : i32
    %sign3A_1085 = arith.cmpi slt, %jit3A_1072, %sign3A_1084 : i32
    %sign3A_1086 = arith.extui %sign3A_1085 : i1 to i32
    %sign3A_1087 = arith.subi %sign3A_1083, %sign3A_1086 : i32
    %ne3A_1088 = arith.cmpi ne, %sign3A_1080, %sign3A_1087 : i32
    %rem3A_1089 = arith.remsi %add3A_1071, %jit3A_1072 : i32
    %ne3A_1090 = arith.constant 0 : i32
    %ne3A_1091 = arith.cmpi ne, %rem3A_1089, %ne3A_1090 : i32
    %and3A_1092 = arith.andi %ne3A_1088, %ne3A_1091 : i1
    %sub3A_1093 = arith.constant 1 : i32
    %sub3A_1094 = arith.subi %div3A_1073, %sub3A_1093 : i32
    %select_n3A_1095 = arith.select %and3A_1092, %sub3A_1094, %div3A_1073 : i32
    %jit3A_1096 = arith.constant 2 : i32
    %eq3A_1097 = arith.constant 0 : i32
    %eq3A_1098 = arith.cmpi eq, %jit3A_1096, %eq3A_1097 : i32
    %jit3A_1099 = arith.constant 1 : i32
    %select_n3A_1100 = arith.select %eq3A_1098, %jit3A_1099, %jit3A_1096 : i32
    %rem3A_1101 = arith.remsi %add3A_1071, %select_n3A_1100 : i32
    %ne3A_1102 = arith.constant 0 : i32
    %ne3A_1103 = arith.cmpi ne, %rem3A_1101, %ne3A_1102 : i32
    %lt3A_1104 = arith.constant 0 : i32
    %lt3A_1105 = arith.cmpi slt, %rem3A_1101, %lt3A_1104 : i32
    %lt3A_1106 = arith.constant 0 : i32
    %lt3A_1107 = arith.cmpi slt, %select_n3A_1100, %lt3A_1106 : i32
    %ne3A_1108 = arith.xori %lt3A_1105, %lt3A_1107 : i1
    %and3A_1109 = arith.andi %ne3A_1108, %ne3A_1103 : i1
    %add3A_1110 = arith.addi %rem3A_1101, %select_n3A_1100 : i32
    %select_n3A_1111 = arith.select %and3A_1109, %add3A_1110, %rem3A_1101 : i32
    %jit3A_1112 = arith.constant 72 : i32
    %div3A_1113 = arith.divsi %select_n3A_1095, %jit3A_1112 : i32
    %sign3A_1114 = arith.constant 0 : i32
    %sign3A_1115 = arith.cmpi sgt, %select_n3A_1095, %sign3A_1114 : i32
    %sign3A_1116 = arith.extui %sign3A_1115 : i1 to i32
    %sign3A_1117 = arith.constant 0 : i32
    %sign3A_1118 = arith.cmpi slt, %select_n3A_1095, %sign3A_1117 : i32
    %sign3A_1119 = arith.extui %sign3A_1118 : i1 to i32
    %sign3A_1120 = arith.subi %sign3A_1116, %sign3A_1119 : i32
    %sign3A_1121 = arith.constant 0 : i32
    %sign3A_1122 = arith.cmpi sgt, %jit3A_1112, %sign3A_1121 : i32
    %sign3A_1123 = arith.extui %sign3A_1122 : i1 to i32
    %sign3A_1124 = arith.constant 0 : i32
    %sign3A_1125 = arith.cmpi slt, %jit3A_1112, %sign3A_1124 : i32
    %sign3A_1126 = arith.extui %sign3A_1125 : i1 to i32
    %sign3A_1127 = arith.subi %sign3A_1123, %sign3A_1126 : i32
    %ne3A_1128 = arith.cmpi ne, %sign3A_1120, %sign3A_1127 : i32
    %rem3A_1129 = arith.remsi %select_n3A_1095, %jit3A_1112 : i32
    %ne3A_1130 = arith.constant 0 : i32
    %ne3A_1131 = arith.cmpi ne, %rem3A_1129, %ne3A_1130 : i32
    %and3A_1132 = arith.andi %ne3A_1128, %ne3A_1131 : i1
    %sub3A_1133 = arith.constant 1 : i32
    %sub3A_1134 = arith.subi %div3A_1113, %sub3A_1133 : i32
    %select_n3A_1135 = arith.select %and3A_1132, %sub3A_1134, %div3A_1113 : i32
    %jit3A_1136 = arith.constant 8 : i32
    %div3A_1137 = arith.divsi %select_n3A_1095, %jit3A_1136 : i32
    %sign3A_1138 = arith.constant 0 : i32
    %sign3A_1139 = arith.cmpi sgt, %select_n3A_1095, %sign3A_1138 : i32
    %sign3A_1140 = arith.extui %sign3A_1139 : i1 to i32
    %sign3A_1141 = arith.constant 0 : i32
    %sign3A_1142 = arith.cmpi slt, %select_n3A_1095, %sign3A_1141 : i32
    %sign3A_1143 = arith.extui %sign3A_1142 : i1 to i32
    %sign3A_1144 = arith.subi %sign3A_1140, %sign3A_1143 : i32
    %sign3A_1145 = arith.constant 0 : i32
    %sign3A_1146 = arith.cmpi sgt, %jit3A_1136, %sign3A_1145 : i32
    %sign3A_1147 = arith.extui %sign3A_1146 : i1 to i32
    %sign3A_1148 = arith.constant 0 : i32
    %sign3A_1149 = arith.cmpi slt, %jit3A_1136, %sign3A_1148 : i32
    %sign3A_1150 = arith.extui %sign3A_1149 : i1 to i32
    %sign3A_1151 = arith.subi %sign3A_1147, %sign3A_1150 : i32
    %ne3A_1152 = arith.cmpi ne, %sign3A_1144, %sign3A_1151 : i32
    %rem3A_1153 = arith.remsi %select_n3A_1095, %jit3A_1136 : i32
    %ne3A_1154 = arith.constant 0 : i32
    %ne3A_1155 = arith.cmpi ne, %rem3A_1153, %ne3A_1154 : i32
    %and3A_1156 = arith.andi %ne3A_1152, %ne3A_1155 : i1
    %sub3A_1157 = arith.constant 1 : i32
    %sub3A_1158 = arith.subi %div3A_1137, %sub3A_1157 : i32
    %select_n3A_1159 = arith.select %and3A_1156, %sub3A_1158, %div3A_1137 : i32
    %jit3A_1160 = arith.constant 9 : i32
    %eq3A_1161 = arith.constant 0 : i32
    %eq3A_1162 = arith.cmpi eq, %jit3A_1160, %eq3A_1161 : i32
    %jit3A_1163 = arith.constant 1 : i32
    %select_n3A_1164 = arith.select %eq3A_1162, %jit3A_1163, %jit3A_1160 : i32
    %rem3A_1165 = arith.remsi %select_n3A_1159, %select_n3A_1164 : i32
    %ne3A_1166 = arith.constant 0 : i32
    %ne3A_1167 = arith.cmpi ne, %rem3A_1165, %ne3A_1166 : i32
    %lt3A_1168 = arith.constant 0 : i32
    %lt3A_1169 = arith.cmpi slt, %rem3A_1165, %lt3A_1168 : i32
    %lt3A_1170 = arith.constant 0 : i32
    %lt3A_1171 = arith.cmpi slt, %select_n3A_1164, %lt3A_1170 : i32
    %ne3A_1172 = arith.xori %lt3A_1169, %lt3A_1171 : i1
    %and3A_1173 = arith.andi %ne3A_1172, %ne3A_1167 : i1
    %add3A_1174 = arith.addi %rem3A_1165, %select_n3A_1164 : i32
    %select_n3A_1175 = arith.select %and3A_1173, %add3A_1174, %rem3A_1165 : i32
    %jit3A_1176 = arith.constant 8 : i32
    %eq3A_1177 = arith.constant 0 : i32
    %eq3A_1178 = arith.cmpi eq, %jit3A_1176, %eq3A_1177 : i32
    %jit3A_1179 = arith.constant 1 : i32
    %select_n3A_1180 = arith.select %eq3A_1178, %jit3A_1179, %jit3A_1176 : i32
    %rem3A_1181 = arith.remsi %select_n3A_1095, %select_n3A_1180 : i32
    %ne3A_1182 = arith.constant 0 : i32
    %ne3A_1183 = arith.cmpi ne, %rem3A_1181, %ne3A_1182 : i32
    %lt3A_1184 = arith.constant 0 : i32
    %lt3A_1185 = arith.cmpi slt, %rem3A_1181, %lt3A_1184 : i32
    %lt3A_1186 = arith.constant 0 : i32
    %lt3A_1187 = arith.cmpi slt, %select_n3A_1180, %lt3A_1186 : i32
    %ne3A_1188 = arith.xori %lt3A_1185, %lt3A_1187 : i1
    %and3A_1189 = arith.andi %ne3A_1188, %ne3A_1183 : i1
    %add3A_1190 = arith.addi %rem3A_1181, %select_n3A_1180 : i32
    %select_n3A_1191 = arith.select %and3A_1189, %add3A_1190, %rem3A_1181 : i32
    %mul3A_1192 = arith.constant 5000 : i32
    %mul3A_1193 = arith.muli %select_n3A_1111, %mul3A_1192 : i32
    %dma_start3A_1194 = arith.constant 2 : i32
    %dma_start3A_1195 = tpu.memref_slice %arg3[%select_n3A_1135, %select_n3A_1175, %select_n3A_1191, %mul3A_1193] : memref<2x9x8x10000xi32, #tpu.memory_space<hbm>> -> memref<1x1x1x5000xi32, #tpu.memory_space<hbm>>
    %dma_start3A_1196 = tpu.memref_squeeze %dma_start3A_1195 : memref<1x1x1x5000xi32, #tpu.memory_space<hbm>> -> memref<5000xi32, #tpu.memory_space<hbm>>
    %dma_start3A_1197 = tpu.memref_slice %arg11[%dma_start3A_1194] : memref<6x!tpu.dma_semaphore, #tpu.memory_space<semaphore_mem>> -> memref<1x!tpu.dma_semaphore, #tpu.memory_space<semaphore_mem>>
    %dma_start3A_1198 = tpu.memref_squeeze %dma_start3A_1197 : memref<1x!tpu.dma_semaphore, #tpu.memory_space<semaphore_mem>> -> memref<!tpu.dma_semaphore, #tpu.memory_space<semaphore_mem>>
    %dma_start3A_1199 = tpu.memref_slice %arg3[%select_n3A_1135, %select_n3A_1175, %select_n3A_1191, %mul3A_1193] : memref<2x9x8x10000xi32, #tpu.memory_space<hbm>> -> memref<1x1x1x5000xi32, #tpu.memory_space<hbm>>
    %dma_start3A_1200 = tpu.memref_squeeze %dma_start3A_1199 : memref<1x1x1x5000xi32, #tpu.memory_space<hbm>> -> memref<5000xi32, #tpu.memory_space<hbm>>
    tpu.enqueue_dma source(%arg6 : memref<5000xi32, #tpu.memory_space<vmem>>) target(%dma_start3A_1200 : memref<5000xi32, #tpu.memory_space<hbm>>) target_semaphore(%dma_start3A_1198 : memref<!tpu.dma_semaphore, #tpu.memory_space<semaphore_mem>>)
    %dma_wait3A_1201 = arith.constant 0 : i32
    %dma_wait3A_1202 = tpu.memref_slice %arg3[%select_n3A_593, %select_n3A_633, %select_n3A_649, %mul3A_651] : memref<2x9x8x10000xi32, #tpu.memory_space<hbm>> -> memref<1x1x1x5000xi32, #tpu.memory_space<hbm>>
    %dma_wait3A_1203 = tpu.memref_squeeze %dma_wait3A_1202 : memref<1x1x1x5000xi32, #tpu.memory_space<hbm>> -> memref<5000xi32, #tpu.memory_space<hbm>>
    %dma_wait3A_1204 = tpu.memref_slice %arg11[%dma_wait3A_1201] : memref<6x!tpu.dma_semaphore, #tpu.memory_space<semaphore_mem>> -> memref<1x!tpu.dma_semaphore, #tpu.memory_space<semaphore_mem>>
    %dma_wait3A_1205 = tpu.memref_squeeze %dma_wait3A_1204 : memref<1x!tpu.dma_semaphore, #tpu.memory_space<semaphore_mem>> -> memref<!tpu.dma_semaphore, #tpu.memory_space<semaphore_mem>>
    %dma_wait3A_1206 = tpu.memref_slice %arg3[%select_n3A_593, %select_n3A_633, %select_n3A_649, %mul3A_651] : memref<2x9x8x10000xi32, #tpu.memory_space<hbm>> -> memref<1x1x1x5000xi32, #tpu.memory_space<hbm>>
    %dma_wait3A_1207 = tpu.memref_squeeze %dma_wait3A_1206 : memref<1x1x1x5000xi32, #tpu.memory_space<hbm>> -> memref<5000xi32, #tpu.memory_space<hbm>>
    tpu.wait_dma2 semaphore(%dma_wait3A_1205 : memref<!tpu.dma_semaphore, #tpu.memory_space<semaphore_mem>>) src(%arg4 : memref<5000xi32, #tpu.memory_space<vmem>>) dst(%dma_wait3A_1207 : memref<5000xi32, #tpu.memory_space<hbm>>)
    %add3A_1208 = arith.constant 192 : i32
    %add3A_1209 = arith.addi %add3A, %add3A_1208 : i32
    %jit3A_1210 = arith.constant 2 : i32
    %div3A_1211 = arith.divsi %add3A_1209, %jit3A_1210 : i32
    %sign3A_1212 = arith.constant 0 : i32
    %sign3A_1213 = arith.cmpi sgt, %add3A_1209, %sign3A_1212 : i32
    %sign3A_1214 = arith.extui %sign3A_1213 : i1 to i32
    %sign3A_1215 = arith.constant 0 : i32
    %sign3A_1216 = arith.cmpi slt, %add3A_1209, %sign3A_1215 : i32
    %sign3A_1217 = arith.extui %sign3A_1216 : i1 to i32
    %sign3A_1218 = arith.subi %sign3A_1214, %sign3A_1217 : i32
    %sign3A_1219 = arith.constant 0 : i32
    %sign3A_1220 = arith.cmpi sgt, %jit3A_1210, %sign3A_1219 : i32
    %sign3A_1221 = arith.extui %sign3A_1220 : i1 to i32
    %sign3A_1222 = arith.constant 0 : i32
    %sign3A_1223 = arith.cmpi slt, %jit3A_1210, %sign3A_1222 : i32
    %sign3A_1224 = arith.extui %sign3A_1223 : i1 to i32
    %sign3A_1225 = arith.subi %sign3A_1221, %sign3A_1224 : i32
    %ne3A_1226 = arith.cmpi ne, %sign3A_1218, %sign3A_1225 : i32
    %rem3A_1227 = arith.remsi %add3A_1209, %jit3A_1210 : i32
    %ne3A_1228 = arith.constant 0 : i32
    %ne3A_1229 = arith.cmpi ne, %rem3A_1227, %ne3A_1228 : i32
    %and3A_1230 = arith.andi %ne3A_1226, %ne3A_1229 : i1
    %sub3A_1231 = arith.constant 1 : i32
    %sub3A_1232 = arith.subi %div3A_1211, %sub3A_1231 : i32
    %select_n3A_1233 = arith.select %and3A_1230, %sub3A_1232, %div3A_1211 : i32
    %jit3A_1234 = arith.constant 2 : i32
    %eq3A_1235 = arith.constant 0 : i32
    %eq3A_1236 = arith.cmpi eq, %jit3A_1234, %eq3A_1235 : i32
    %jit3A_1237 = arith.constant 1 : i32
    %select_n3A_1238 = arith.select %eq3A_1236, %jit3A_1237, %jit3A_1234 : i32
    %rem3A_1239 = arith.remsi %add3A_1209, %select_n3A_1238 : i32
    %ne3A_1240 = arith.constant 0 : i32
    %ne3A_1241 = arith.cmpi ne, %rem3A_1239, %ne3A_1240 : i32
    %lt3A_1242 = arith.constant 0 : i32
    %lt3A_1243 = arith.cmpi slt, %rem3A_1239, %lt3A_1242 : i32
    %lt3A_1244 = arith.constant 0 : i32
    %lt3A_1245 = arith.cmpi slt, %select_n3A_1238, %lt3A_1244 : i32
    %ne3A_1246 = arith.xori %lt3A_1243, %lt3A_1245 : i1
    %and3A_1247 = arith.andi %ne3A_1246, %ne3A_1241 : i1
    %add3A_1248 = arith.addi %rem3A_1239, %select_n3A_1238 : i32
    %select_n3A_1249 = arith.select %and3A_1247, %add3A_1248, %rem3A_1239 : i32
    %jit3A_1250 = arith.constant 72 : i32
    %div3A_1251 = arith.divsi %select_n3A_1233, %jit3A_1250 : i32
    %sign3A_1252 = arith.constant 0 : i32
    %sign3A_1253 = arith.cmpi sgt, %select_n3A_1233, %sign3A_1252 : i32
    %sign3A_1254 = arith.extui %sign3A_1253 : i1 to i32
    %sign3A_1255 = arith.constant 0 : i32
    %sign3A_1256 = arith.cmpi slt, %select_n3A_1233, %sign3A_1255 : i32
    %sign3A_1257 = arith.extui %sign3A_1256 : i1 to i32
    %sign3A_1258 = arith.subi %sign3A_1254, %sign3A_1257 : i32
    %sign3A_1259 = arith.constant 0 : i32
    %sign3A_1260 = arith.cmpi sgt, %jit3A_1250, %sign3A_1259 : i32
    %sign3A_1261 = arith.extui %sign3A_1260 : i1 to i32
    %sign3A_1262 = arith.constant 0 : i32
    %sign3A_1263 = arith.cmpi slt, %jit3A_1250, %sign3A_1262 : i32
    %sign3A_1264 = arith.extui %sign3A_1263 : i1 to i32
    %sign3A_1265 = arith.subi %sign3A_1261, %sign3A_1264 : i32
    %ne3A_1266 = arith.cmpi ne, %sign3A_1258, %sign3A_1265 : i32
    %rem3A_1267 = arith.remsi %select_n3A_1233, %jit3A_1250 : i32
    %ne3A_1268 = arith.constant 0 : i32
    %ne3A_1269 = arith.cmpi ne, %rem3A_1267, %ne3A_1268 : i32
    %and3A_1270 = arith.andi %ne3A_1266, %ne3A_1269 : i1
    %sub3A_1271 = arith.constant 1 : i32
    %sub3A_1272 = arith.subi %div3A_1251, %sub3A_1271 : i32
    %select_n3A_1273 = arith.select %and3A_1270, %sub3A_1272, %div3A_1251 : i32
    %jit3A_1274 = arith.constant 8 : i32
    %div3A_1275 = arith.divsi %select_n3A_1233, %jit3A_1274 : i32
    %sign3A_1276 = arith.constant 0 : i32
    %sign3A_1277 = arith.cmpi sgt, %select_n3A_1233, %sign3A_1276 : i32
    %sign3A_1278 = arith.extui %sign3A_1277 : i1 to i32
    %sign3A_1279 = arith.constant 0 : i32
    %sign3A_1280 = arith.cmpi slt, %select_n3A_1233, %sign3A_1279 : i32
    %sign3A_1281 = arith.extui %sign3A_1280 : i1 to i32
    %sign3A_1282 = arith.subi %sign3A_1278, %sign3A_1281 : i32
    %sign3A_1283 = arith.constant 0 : i32
    %sign3A_1284 = arith.cmpi sgt, %jit3A_1274, %sign3A_1283 : i32
    %sign3A_1285 = arith.extui %sign3A_1284 : i1 to i32
    %sign3A_1286 = arith.constant 0 : i32
    %sign3A_1287 = arith.cmpi slt, %jit3A_1274, %sign3A_1286 : i32
    %sign3A_1288 = arith.extui %sign3A_1287 : i1 to i32
    %sign3A_1289 = arith.subi %sign3A_1285, %sign3A_1288 : i32
    %ne3A_1290 = arith.cmpi ne, %sign3A_1282, %sign3A_1289 : i32
    %rem3A_1291 = arith.remsi %select_n3A_1233, %jit3A_1274 : i32
    %ne3A_1292 = arith.constant 0 : i32
    %ne3A_1293 = arith.cmpi ne, %rem3A_1291, %ne3A_1292 : i32
    %and3A_1294 = arith.andi %ne3A_1290, %ne3A_1293 : i1
    %sub3A_1295 = arith.constant 1 : i32
    %sub3A_1296 = arith.subi %div3A_1275, %sub3A_1295 : i32
    %select_n3A_1297 = arith.select %and3A_1294, %sub3A_1296, %div3A_1275 : i32
    %jit3A_1298 = arith.constant 9 : i32
    %eq3A_1299 = arith.constant 0 : i32
    %eq3A_1300 = arith.cmpi eq, %jit3A_1298, %eq3A_1299 : i32
    %jit3A_1301 = arith.constant 1 : i32
    %select_n3A_1302 = arith.select %eq3A_1300, %jit3A_1301, %jit3A_1298 : i32
    %rem3A_1303 = arith.remsi %select_n3A_1297, %select_n3A_1302 : i32
    %ne3A_1304 = arith.constant 0 : i32
    %ne3A_1305 = arith.cmpi ne, %rem3A_1303, %ne3A_1304 : i32
    %lt3A_1306 = arith.constant 0 : i32
    %lt3A_1307 = arith.cmpi slt, %rem3A_1303, %lt3A_1306 : i32
    %lt3A_1308 = arith.constant 0 : i32
    %lt3A_1309 = arith.cmpi slt, %select_n3A_1302, %lt3A_1308 : i32
    %ne3A_1310 = arith.xori %lt3A_1307, %lt3A_1309 : i1
    %and3A_1311 = arith.andi %ne3A_1310, %ne3A_1305 : i1
    %add3A_1312 = arith.addi %rem3A_1303, %select_n3A_1302 : i32
    %select_n3A_1313 = arith.select %and3A_1311, %add3A_1312, %rem3A_1303 : i32
    %jit3A_1314 = arith.constant 8 : i32
    %eq3A_1315 = arith.constant 0 : i32
    %eq3A_1316 = arith.cmpi eq, %jit3A_1314, %eq3A_1315 : i32
    %jit3A_1317 = arith.constant 1 : i32
    %select_n3A_1318 = arith.select %eq3A_1316, %jit3A_1317, %jit3A_1314 : i32
    %rem3A_1319 = arith.remsi %select_n3A_1233, %select_n3A_1318 : i32
    %ne3A_1320 = arith.constant 0 : i32
    %ne3A_1321 = arith.cmpi ne, %rem3A_1319, %ne3A_1320 : i32
    %lt3A_1322 = arith.constant 0 : i32
    %lt3A_1323 = arith.cmpi slt, %rem3A_1319, %lt3A_1322 : i32
    %lt3A_1324 = arith.constant 0 : i32
    %lt3A_1325 = arith.cmpi slt, %select_n3A_1318, %lt3A_1324 : i32
    %ne3A_1326 = arith.xori %lt3A_1323, %lt3A_1325 : i1
    %and3A_1327 = arith.andi %ne3A_1326, %ne3A_1321 : i1
    %add3A_1328 = arith.addi %rem3A_1319, %select_n3A_1318 : i32
    %select_n3A_1329 = arith.select %and3A_1327, %add3A_1328, %rem3A_1319 : i32
    %mul3A_1330 = arith.constant 5000 : i32
    %mul3A_1331 = arith.muli %select_n3A_1249, %mul3A_1330 : i32
    %mul3A_1332 = arith.constant 2 : i32
    %mul3A_1333 = arith.muli %mul3A_1332, %select_n3A_1313 : i32
    %dma_start3A_1334 = arith.constant 0 : i32
    %dma_start3A_1335 = tpu.memref_slice %arg2[%select_n3A_1273, %mul3A_1333, %select_n3A_1329, %mul3A_1331] : memref<2x18x8x10000xi32, #tpu.memory_space<hbm>> -> memref<1x1x1x5000xi32, #tpu.memory_space<hbm>>
    %dma_start3A_1336 = tpu.memref_squeeze %dma_start3A_1335 : memref<1x1x1x5000xi32, #tpu.memory_space<hbm>> -> memref<5000xi32, #tpu.memory_space<hbm>>
    %dma_start3A_1337 = tpu.memref_slice %arg10[%dma_start3A_1334] : memref<6x!tpu.dma_semaphore, #tpu.memory_space<semaphore_mem>> -> memref<1x!tpu.dma_semaphore, #tpu.memory_space<semaphore_mem>>
    %dma_start3A_1338 = tpu.memref_squeeze %dma_start3A_1337 : memref<1x!tpu.dma_semaphore, #tpu.memory_space<semaphore_mem>> -> memref<!tpu.dma_semaphore, #tpu.memory_space<semaphore_mem>>
    %dma_start3A_1339 = tpu.memref_slice %arg2[%select_n3A_1273, %mul3A_1333, %select_n3A_1329, %mul3A_1331] : memref<2x18x8x10000xi32, #tpu.memory_space<hbm>> -> memref<1x1x1x5000xi32, #tpu.memory_space<hbm>>
    %dma_start3A_1340 = tpu.memref_squeeze %dma_start3A_1339 : memref<1x1x1x5000xi32, #tpu.memory_space<hbm>> -> memref<5000xi32, #tpu.memory_space<hbm>>
    tpu.enqueue_dma source(%dma_start3A_1340 : memref<5000xi32, #tpu.memory_space<hbm>>) target(%arg4 : memref<5000xi32, #tpu.memory_space<vmem>>) target_semaphore(%dma_start3A_1338 : memref<!tpu.dma_semaphore, #tpu.memory_space<semaphore_mem>>)
    %dma_wait3A_1341 = arith.constant 3 : i32
    %dma_wait3A_1342 = tpu.memref_slice %arg2[%select_n3A_454, %mul3A_514, %select_n3A_510, %mul3A_512] : memref<2x18x8x10000xi32, #tpu.memory_space<hbm>> -> memref<1x1x1x5000xi32, #tpu.memory_space<hbm>>
    %dma_wait3A_1343 = tpu.memref_squeeze %dma_wait3A_1342 : memref<1x1x1x5000xi32, #tpu.memory_space<hbm>> -> memref<5000xi32, #tpu.memory_space<hbm>>
    %dma_wait3A_1344 = tpu.memref_slice %arg10[%dma_wait3A_1341] : memref<6x!tpu.dma_semaphore, #tpu.memory_space<semaphore_mem>> -> memref<1x!tpu.dma_semaphore, #tpu.memory_space<semaphore_mem>>
    %dma_wait3A_1345 = tpu.memref_squeeze %dma_wait3A_1344 : memref<1x!tpu.dma_semaphore, #tpu.memory_space<semaphore_mem>> -> memref<!tpu.dma_semaphore, #tpu.memory_space<semaphore_mem>>
    %dma_wait3A_1346 = tpu.memref_slice %arg2[%select_n3A_454, %mul3A_514, %select_n3A_510, %mul3A_512] : memref<2x18x8x10000xi32, #tpu.memory_space<hbm>> -> memref<1x1x1x5000xi32, #tpu.memory_space<hbm>>
    %dma_wait3A_1347 = tpu.memref_squeeze %dma_wait3A_1346 : memref<1x1x1x5000xi32, #tpu.memory_space<hbm>> -> memref<5000xi32, #tpu.memory_space<hbm>>
    tpu.wait_dma2 semaphore(%dma_wait3A_1345 : memref<!tpu.dma_semaphore, #tpu.memory_space<semaphore_mem>>) src(%dma_wait3A_1347 : memref<5000xi32, #tpu.memory_space<hbm>>) dst(%arg7 : memref<5000xi32, #tpu.memory_space<vmem>>)
    %add3A_1348 = arith.constant 96 : i32
    %add3A_1349 = arith.addi %add3A, %add3A_1348 : i32
    %jit3A_1350 = arith.constant 2 : i32
    %div3A_1351 = arith.divsi %add3A_1349, %jit3A_1350 : i32
    %sign3A_1352 = arith.constant 0 : i32
    %sign3A_1353 = arith.cmpi sgt, %add3A_1349, %sign3A_1352 : i32
    %sign3A_1354 = arith.extui %sign3A_1353 : i1 to i32
    %sign3A_1355 = arith.constant 0 : i32
    %sign3A_1356 = arith.cmpi slt, %add3A_1349, %sign3A_1355 : i32
    %sign3A_1357 = arith.extui %sign3A_1356 : i1 to i32
    %sign3A_1358 = arith.subi %sign3A_1354, %sign3A_1357 : i32
    %sign3A_1359 = arith.constant 0 : i32
    %sign3A_1360 = arith.cmpi sgt, %jit3A_1350, %sign3A_1359 : i32
    %sign3A_1361 = arith.extui %sign3A_1360 : i1 to i32
    %sign3A_1362 = arith.constant 0 : i32
    %sign3A_1363 = arith.cmpi slt, %jit3A_1350, %sign3A_1362 : i32
    %sign3A_1364 = arith.extui %sign3A_1363 : i1 to i32
    %sign3A_1365 = arith.subi %sign3A_1361, %sign3A_1364 : i32
    %ne3A_1366 = arith.cmpi ne, %sign3A_1358, %sign3A_1365 : i32
    %rem3A_1367 = arith.remsi %add3A_1349, %jit3A_1350 : i32
    %ne3A_1368 = arith.constant 0 : i32
    %ne3A_1369 = arith.cmpi ne, %rem3A_1367, %ne3A_1368 : i32
    %and3A_1370 = arith.andi %ne3A_1366, %ne3A_1369 : i1
    %sub3A_1371 = arith.constant 1 : i32
    %sub3A_1372 = arith.subi %div3A_1351, %sub3A_1371 : i32
    %select_n3A_1373 = arith.select %and3A_1370, %sub3A_1372, %div3A_1351 : i32
    %jit3A_1374 = arith.constant 2 : i32
    %eq3A_1375 = arith.constant 0 : i32
    %eq3A_1376 = arith.cmpi eq, %jit3A_1374, %eq3A_1375 : i32
    %jit3A_1377 = arith.constant 1 : i32
    %select_n3A_1378 = arith.select %eq3A_1376, %jit3A_1377, %jit3A_1374 : i32
    %rem3A_1379 = arith.remsi %add3A_1349, %select_n3A_1378 : i32
    %ne3A_1380 = arith.constant 0 : i32
    %ne3A_1381 = arith.cmpi ne, %rem3A_1379, %ne3A_1380 : i32
    %lt3A_1382 = arith.constant 0 : i32
    %lt3A_1383 = arith.cmpi slt, %rem3A_1379, %lt3A_1382 : i32
    %lt3A_1384 = arith.constant 0 : i32
    %lt3A_1385 = arith.cmpi slt, %select_n3A_1378, %lt3A_1384 : i32
    %ne3A_1386 = arith.xori %lt3A_1383, %lt3A_1385 : i1
    %and3A_1387 = arith.andi %ne3A_1386, %ne3A_1381 : i1
    %add3A_1388 = arith.addi %rem3A_1379, %select_n3A_1378 : i32
    %select_n3A_1389 = arith.select %and3A_1387, %add3A_1388, %rem3A_1379 : i32
    %jit3A_1390 = arith.constant 72 : i32
    %div3A_1391 = arith.divsi %select_n3A_1373, %jit3A_1390 : i32
    %sign3A_1392 = arith.constant 0 : i32
    %sign3A_1393 = arith.cmpi sgt, %select_n3A_1373, %sign3A_1392 : i32
    %sign3A_1394 = arith.extui %sign3A_1393 : i1 to i32
    %sign3A_1395 = arith.constant 0 : i32
    %sign3A_1396 = arith.cmpi slt, %select_n3A_1373, %sign3A_1395 : i32
    %sign3A_1397 = arith.extui %sign3A_1396 : i1 to i32
    %sign3A_1398 = arith.subi %sign3A_1394, %sign3A_1397 : i32
    %sign3A_1399 = arith.constant 0 : i32
    %sign3A_1400 = arith.cmpi sgt, %jit3A_1390, %sign3A_1399 : i32
    %sign3A_1401 = arith.extui %sign3A_1400 : i1 to i32
    %sign3A_1402 = arith.constant 0 : i32
    %sign3A_1403 = arith.cmpi slt, %jit3A_1390, %sign3A_1402 : i32
    %sign3A_1404 = arith.extui %sign3A_1403 : i1 to i32
    %sign3A_1405 = arith.subi %sign3A_1401, %sign3A_1404 : i32
    %ne3A_1406 = arith.cmpi ne, %sign3A_1398, %sign3A_1405 : i32
    %rem3A_1407 = arith.remsi %select_n3A_1373, %jit3A_1390 : i32
    %ne3A_1408 = arith.constant 0 : i32
    %ne3A_1409 = arith.cmpi ne, %rem3A_1407, %ne3A_1408 : i32
    %and3A_1410 = arith.andi %ne3A_1406, %ne3A_1409 : i1
    %sub3A_1411 = arith.constant 1 : i32
    %sub3A_1412 = arith.subi %div3A_1391, %sub3A_1411 : i32
    %select_n3A_1413 = arith.select %and3A_1410, %sub3A_1412, %div3A_1391 : i32
    %jit3A_1414 = arith.constant 8 : i32
    %div3A_1415 = arith.divsi %select_n3A_1373, %jit3A_1414 : i32
    %sign3A_1416 = arith.constant 0 : i32
    %sign3A_1417 = arith.cmpi sgt, %select_n3A_1373, %sign3A_1416 : i32
    %sign3A_1418 = arith.extui %sign3A_1417 : i1 to i32
    %sign3A_1419 = arith.constant 0 : i32
    %sign3A_1420 = arith.cmpi slt, %select_n3A_1373, %sign3A_1419 : i32
    %sign3A_1421 = arith.extui %sign3A_1420 : i1 to i32
    %sign3A_1422 = arith.subi %sign3A_1418, %sign3A_1421 : i32
    %sign3A_1423 = arith.constant 0 : i32
    %sign3A_1424 = arith.cmpi sgt, %jit3A_1414, %sign3A_1423 : i32
    %sign3A_1425 = arith.extui %sign3A_1424 : i1 to i32
    %sign3A_1426 = arith.constant 0 : i32
    %sign3A_1427 = arith.cmpi slt, %jit3A_1414, %sign3A_1426 : i32
    %sign3A_1428 = arith.extui %sign3A_1427 : i1 to i32
    %sign3A_1429 = arith.subi %sign3A_1425, %sign3A_1428 : i32
    %ne3A_1430 = arith.cmpi ne, %sign3A_1422, %sign3A_1429 : i32
    %rem3A_1431 = arith.remsi %select_n3A_1373, %jit3A_1414 : i32
    %ne3A_1432 = arith.constant 0 : i32
    %ne3A_1433 = arith.cmpi ne, %rem3A_1431, %ne3A_1432 : i32
    %and3A_1434 = arith.andi %ne3A_1430, %ne3A_1433 : i1
    %sub3A_1435 = arith.constant 1 : i32
    %sub3A_1436 = arith.subi %div3A_1415, %sub3A_1435 : i32
    %select_n3A_1437 = arith.select %and3A_1434, %sub3A_1436, %div3A_1415 : i32
    %jit3A_1438 = arith.constant 9 : i32
    %eq3A_1439 = arith.constant 0 : i32
    %eq3A_1440 = arith.cmpi eq, %jit3A_1438, %eq3A_1439 : i32
    %jit3A_1441 = arith.constant 1 : i32
    %select_n3A_1442 = arith.select %eq3A_1440, %jit3A_1441, %jit3A_1438 : i32
    %rem3A_1443 = arith.remsi %select_n3A_1437, %select_n3A_1442 : i32
    %ne3A_1444 = arith.constant 0 : i32
    %ne3A_1445 = arith.cmpi ne, %rem3A_1443, %ne3A_1444 : i32
    %lt3A_1446 = arith.constant 0 : i32
    %lt3A_1447 = arith.cmpi slt, %rem3A_1443, %lt3A_1446 : i32
    %lt3A_1448 = arith.constant 0 : i32
    %lt3A_1449 = arith.cmpi slt, %select_n3A_1442, %lt3A_1448 : i32
    %ne3A_1450 = arith.xori %lt3A_1447, %lt3A_1449 : i1
    %and3A_1451 = arith.andi %ne3A_1450, %ne3A_1445 : i1
    %add3A_1452 = arith.addi %rem3A_1443, %select_n3A_1442 : i32
    %select_n3A_1453 = arith.select %and3A_1451, %add3A_1452, %rem3A_1443 : i32
    %jit3A_1454 = arith.constant 8 : i32
    %eq3A_1455 = arith.constant 0 : i32
    %eq3A_1456 = arith.cmpi eq, %jit3A_1454, %eq3A_1455 : i32
    %jit3A_1457 = arith.constant 1 : i32
    %select_n3A_1458 = arith.select %eq3A_1456, %jit3A_1457, %jit3A_1454 : i32
    %rem3A_1459 = arith.remsi %select_n3A_1373, %select_n3A_1458 : i32
    %ne3A_1460 = arith.constant 0 : i32
    %ne3A_1461 = arith.cmpi ne, %rem3A_1459, %ne3A_1460 : i32
    %lt3A_1462 = arith.constant 0 : i32
    %lt3A_1463 = arith.cmpi slt, %rem3A_1459, %lt3A_1462 : i32
    %lt3A_1464 = arith.constant 0 : i32
    %lt3A_1465 = arith.cmpi slt, %select_n3A_1458, %lt3A_1464 : i32
    %ne3A_1466 = arith.xori %lt3A_1463, %lt3A_1465 : i1
    %and3A_1467 = arith.andi %ne3A_1466, %ne3A_1461 : i1
    %add3A_1468 = arith.addi %rem3A_1459, %select_n3A_1458 : i32
    %select_n3A_1469 = arith.select %and3A_1467, %add3A_1468, %rem3A_1459 : i32
    %mul3A_1470 = arith.constant 5000 : i32
    %mul3A_1471 = arith.muli %select_n3A_1389, %mul3A_1470 : i32
    %dma_start3A_1472 = arith.constant 3 : i32
    %dma_start3A_1473 = tpu.memref_slice %arg3[%select_n3A_1413, %select_n3A_1453, %select_n3A_1469, %mul3A_1471] : memref<2x9x8x10000xi32, #tpu.memory_space<hbm>> -> memref<1x1x1x5000xi32, #tpu.memory_space<hbm>>
    %dma_start3A_1474 = tpu.memref_squeeze %dma_start3A_1473 : memref<1x1x1x5000xi32, #tpu.memory_space<hbm>> -> memref<5000xi32, #tpu.memory_space<hbm>>
    %dma_start3A_1475 = tpu.memref_slice %arg11[%dma_start3A_1472] : memref<6x!tpu.dma_semaphore, #tpu.memory_space<semaphore_mem>> -> memref<1x!tpu.dma_semaphore, #tpu.memory_space<semaphore_mem>>
    %dma_start3A_1476 = tpu.memref_squeeze %dma_start3A_1475 : memref<1x!tpu.dma_semaphore, #tpu.memory_space<semaphore_mem>> -> memref<!tpu.dma_semaphore, #tpu.memory_space<semaphore_mem>>
    %dma_start3A_1477 = tpu.memref_slice %arg3[%select_n3A_1413, %select_n3A_1453, %select_n3A_1469, %mul3A_1471] : memref<2x9x8x10000xi32, #tpu.memory_space<hbm>> -> memref<1x1x1x5000xi32, #tpu.memory_space<hbm>>
    %dma_start3A_1478 = tpu.memref_squeeze %dma_start3A_1477 : memref<1x1x1x5000xi32, #tpu.memory_space<hbm>> -> memref<5000xi32, #tpu.memory_space<hbm>>
    tpu.enqueue_dma source(%arg7 : memref<5000xi32, #tpu.memory_space<vmem>>) target(%dma_start3A_1478 : memref<5000xi32, #tpu.memory_space<hbm>>) target_semaphore(%dma_start3A_1476 : memref<!tpu.dma_semaphore, #tpu.memory_space<semaphore_mem>>)
    %dma_wait3A_1479 = arith.constant 1 : i32
    %dma_wait3A_1480 = tpu.memref_slice %arg3[%select_n3A_864, %select_n3A_904, %select_n3A_920, %mul3A_922] : memref<2x9x8x10000xi32, #tpu.memory_space<hbm>> -> memref<1x1x1x5000xi32, #tpu.memory_space<hbm>>
    %dma_wait3A_1481 = tpu.memref_squeeze %dma_wait3A_1480 : memref<1x1x1x5000xi32, #tpu.memory_space<hbm>> -> memref<5000xi32, #tpu.memory_space<hbm>>
    %dma_wait3A_1482 = tpu.memref_slice %arg11[%dma_wait3A_1479] : memref<6x!tpu.dma_semaphore, #tpu.memory_space<semaphore_mem>> -> memref<1x!tpu.dma_semaphore, #tpu.memory_space<semaphore_mem>>
    %dma_wait3A_1483 = tpu.memref_squeeze %dma_wait3A_1482 : memref<1x!tpu.dma_semaphore, #tpu.memory_space<semaphore_mem>> -> memref<!tpu.dma_semaphore, #tpu.memory_space<semaphore_mem>>
    %dma_wait3A_1484 = tpu.memref_slice %arg3[%select_n3A_864, %select_n3A_904, %select_n3A_920, %mul3A_922] : memref<2x9x8x10000xi32, #tpu.memory_space<hbm>> -> memref<1x1x1x5000xi32, #tpu.memory_space<hbm>>
    %dma_wait3A_1485 = tpu.memref_squeeze %dma_wait3A_1484 : memref<1x1x1x5000xi32, #tpu.memory_space<hbm>> -> memref<5000xi32, #tpu.memory_space<hbm>>
    tpu.wait_dma2 semaphore(%dma_wait3A_1483 : memref<!tpu.dma_semaphore, #tpu.memory_space<semaphore_mem>>) src(%arg5 : memref<5000xi32, #tpu.memory_space<vmem>>) dst(%dma_wait3A_1485 : memref<5000xi32, #tpu.memory_space<hbm>>)
    %add3A_1486 = arith.constant 224 : i32
    %add3A_1487 = arith.addi %add3A, %add3A_1486 : i32
    %jit3A_1488 = arith.constant 2 : i32
    %div3A_1489 = arith.divsi %add3A_1487, %jit3A_1488 : i32
    %sign3A_1490 = arith.constant 0 : i32
    %sign3A_1491 = arith.cmpi sgt, %add3A_1487, %sign3A_1490 : i32
    %sign3A_1492 = arith.extui %sign3A_1491 : i1 to i32
    %sign3A_1493 = arith.constant 0 : i32
    %sign3A_1494 = arith.cmpi slt, %add3A_1487, %sign3A_1493 : i32
    %sign3A_1495 = arith.extui %sign3A_1494 : i1 to i32
    %sign3A_1496 = arith.subi %sign3A_1492, %sign3A_1495 : i32
    %sign3A_1497 = arith.constant 0 : i32
    %sign3A_1498 = arith.cmpi sgt, %jit3A_1488, %sign3A_1497 : i32
    %sign3A_1499 = arith.extui %sign3A_1498 : i1 to i32
    %sign3A_1500 = arith.constant 0 : i32
    %sign3A_1501 = arith.cmpi slt, %jit3A_1488, %sign3A_1500 : i32
    %sign3A_1502 = arith.extui %sign3A_1501 : i1 to i32
    %sign3A_1503 = arith.subi %sign3A_1499, %sign3A_1502 : i32
    %ne3A_1504 = arith.cmpi ne, %sign3A_1496, %sign3A_1503 : i32
    %rem3A_1505 = arith.remsi %add3A_1487, %jit3A_1488 : i32
    %ne3A_1506 = arith.constant 0 : i32
    %ne3A_1507 = arith.cmpi ne, %rem3A_1505, %ne3A_1506 : i32
    %and3A_1508 = arith.andi %ne3A_1504, %ne3A_1507 : i1
    %sub3A_1509 = arith.constant 1 : i32
    %sub3A_1510 = arith.subi %div3A_1489, %sub3A_1509 : i32
    %select_n3A_1511 = arith.select %and3A_1508, %sub3A_1510, %div3A_1489 : i32
    %jit3A_1512 = arith.constant 2 : i32
    %eq3A_1513 = arith.constant 0 : i32
    %eq3A_1514 = arith.cmpi eq, %jit3A_1512, %eq3A_1513 : i32
    %jit3A_1515 = arith.constant 1 : i32
    %select_n3A_1516 = arith.select %eq3A_1514, %jit3A_1515, %jit3A_1512 : i32
    %rem3A_1517 = arith.remsi %add3A_1487, %select_n3A_1516 : i32
    %ne3A_1518 = arith.constant 0 : i32
    %ne3A_1519 = arith.cmpi ne, %rem3A_1517, %ne3A_1518 : i32
    %lt3A_1520 = arith.constant 0 : i32
    %lt3A_1521 = arith.cmpi slt, %rem3A_1517, %lt3A_1520 : i32
    %lt3A_1522 = arith.constant 0 : i32
    %lt3A_1523 = arith.cmpi slt, %select_n3A_1516, %lt3A_1522 : i32
    %ne3A_1524 = arith.xori %lt3A_1521, %lt3A_1523 : i1
    %and3A_1525 = arith.andi %ne3A_1524, %ne3A_1519 : i1
    %add3A_1526 = arith.addi %rem3A_1517, %select_n3A_1516 : i32
    %select_n3A_1527 = arith.select %and3A_1525, %add3A_1526, %rem3A_1517 : i32
    %jit3A_1528 = arith.constant 72 : i32
    %div3A_1529 = arith.divsi %select_n3A_1511, %jit3A_1528 : i32
    %sign3A_1530 = arith.constant 0 : i32
    %sign3A_1531 = arith.cmpi sgt, %select_n3A_1511, %sign3A_1530 : i32
    %sign3A_1532 = arith.extui %sign3A_1531 : i1 to i32
    %sign3A_1533 = arith.constant 0 : i32
    %sign3A_1534 = arith.cmpi slt, %select_n3A_1511, %sign3A_1533 : i32
    %sign3A_1535 = arith.extui %sign3A_1534 : i1 to i32
    %sign3A_1536 = arith.subi %sign3A_1532, %sign3A_1535 : i32
    %sign3A_1537 = arith.constant 0 : i32
    %sign3A_1538 = arith.cmpi sgt, %jit3A_1528, %sign3A_1537 : i32
    %sign3A_1539 = arith.extui %sign3A_1538 : i1 to i32
    %sign3A_1540 = arith.constant 0 : i32
    %sign3A_1541 = arith.cmpi slt, %jit3A_1528, %sign3A_1540 : i32
    %sign3A_1542 = arith.extui %sign3A_1541 : i1 to i32
    %sign3A_1543 = arith.subi %sign3A_1539, %sign3A_1542 : i32
    %ne3A_1544 = arith.cmpi ne, %sign3A_1536, %sign3A_1543 : i32
    %rem3A_1545 = arith.remsi %select_n3A_1511, %jit3A_1528 : i32
    %ne3A_1546 = arith.constant 0 : i32
    %ne3A_1547 = arith.cmpi ne, %rem3A_1545, %ne3A_1546 : i32
    %and3A_1548 = arith.andi %ne3A_1544, %ne3A_1547 : i1
    %sub3A_1549 = arith.constant 1 : i32
    %sub3A_1550 = arith.subi %div3A_1529, %sub3A_1549 : i32
    %select_n3A_1551 = arith.select %and3A_1548, %sub3A_1550, %div3A_1529 : i32
    %jit3A_1552 = arith.constant 8 : i32
    %div3A_1553 = arith.divsi %select_n3A_1511, %jit3A_1552 : i32
    %sign3A_1554 = arith.constant 0 : i32
    %sign3A_1555 = arith.cmpi sgt, %select_n3A_1511, %sign3A_1554 : i32
    %sign3A_1556 = arith.extui %sign3A_1555 : i1 to i32
    %sign3A_1557 = arith.constant 0 : i32
    %sign3A_1558 = arith.cmpi slt, %select_n3A_1511, %sign3A_1557 : i32
    %sign3A_1559 = arith.extui %sign3A_1558 : i1 to i32
    %sign3A_1560 = arith.subi %sign3A_1556, %sign3A_1559 : i32
    %sign3A_1561 = arith.constant 0 : i32
    %sign3A_1562 = arith.cmpi sgt, %jit3A_1552, %sign3A_1561 : i32
    %sign3A_1563 = arith.extui %sign3A_1562 : i1 to i32
    %sign3A_1564 = arith.constant 0 : i32
    %sign3A_1565 = arith.cmpi slt, %jit3A_1552, %sign3A_1564 : i32
    %sign3A_1566 = arith.extui %sign3A_1565 : i1 to i32
    %sign3A_1567 = arith.subi %sign3A_1563, %sign3A_1566 : i32
    %ne3A_1568 = arith.cmpi ne, %sign3A_1560, %sign3A_1567 : i32
    %rem3A_1569 = arith.remsi %select_n3A_1511, %jit3A_1552 : i32
    %ne3A_1570 = arith.constant 0 : i32
    %ne3A_1571 = arith.cmpi ne, %rem3A_1569, %ne3A_1570 : i32
    %and3A_1572 = arith.andi %ne3A_1568, %ne3A_1571 : i1
    %sub3A_1573 = arith.constant 1 : i32
    %sub3A_1574 = arith.subi %div3A_1553, %sub3A_1573 : i32
    %select_n3A_1575 = arith.select %and3A_1572, %sub3A_1574, %div3A_1553 : i32
    %jit3A_1576 = arith.constant 9 : i32
    %eq3A_1577 = arith.constant 0 : i32
    %eq3A_1578 = arith.cmpi eq, %jit3A_1576, %eq3A_1577 : i32
    %jit3A_1579 = arith.constant 1 : i32
    %select_n3A_1580 = arith.select %eq3A_1578, %jit3A_1579, %jit3A_1576 : i32
    %rem3A_1581 = arith.remsi %select_n3A_1575, %select_n3A_1580 : i32
    %ne3A_1582 = arith.constant 0 : i32
    %ne3A_1583 = arith.cmpi ne, %rem3A_1581, %ne3A_1582 : i32
    %lt3A_1584 = arith.constant 0 : i32
    %lt3A_1585 = arith.cmpi slt, %rem3A_1581, %lt3A_1584 : i32
    %lt3A_1586 = arith.constant 0 : i32
    %lt3A_1587 = arith.cmpi slt, %select_n3A_1580, %lt3A_1586 : i32
    %ne3A_1588 = arith.xori %lt3A_1585, %lt3A_1587 : i1
    %and3A_1589 = arith.andi %ne3A_1588, %ne3A_1583 : i1
    %add3A_1590 = arith.addi %rem3A_1581, %select_n3A_1580 : i32
    %select_n3A_1591 = arith.select %and3A_1589, %add3A_1590, %rem3A_1581 : i32
    %jit3A_1592 = arith.constant 8 : i32
    %eq3A_1593 = arith.constant 0 : i32
    %eq3A_1594 = arith.cmpi eq, %jit3A_1592, %eq3A_1593 : i32
    %jit3A_1595 = arith.constant 1 : i32
    %select_n3A_1596 = arith.select %eq3A_1594, %jit3A_1595, %jit3A_1592 : i32
    %rem3A_1597 = arith.remsi %select_n3A_1511, %select_n3A_1596 : i32
    %ne3A_1598 = arith.constant 0 : i32
    %ne3A_1599 = arith.cmpi ne, %rem3A_1597, %ne3A_1598 : i32
    %lt3A_1600 = arith.constant 0 : i32
    %lt3A_1601 = arith.cmpi slt, %rem3A_1597, %lt3A_1600 : i32
    %lt3A_1602 = arith.constant 0 : i32
    %lt3A_1603 = arith.cmpi slt, %select_n3A_1596, %lt3A_1602 : i32
    %ne3A_1604 = arith.xori %lt3A_1601, %lt3A_1603 : i1
    %and3A_1605 = arith.andi %ne3A_1604, %ne3A_1599 : i1
    %add3A_1606 = arith.addi %rem3A_1597, %select_n3A_1596 : i32
    %select_n3A_1607 = arith.select %and3A_1605, %add3A_1606, %rem3A_1597 : i32
    %mul3A_1608 = arith.constant 5000 : i32
    %mul3A_1609 = arith.muli %select_n3A_1527, %mul3A_1608 : i32
    %mul3A_1610 = arith.constant 2 : i32
    %mul3A_1611 = arith.muli %mul3A_1610, %select_n3A_1591 : i32
    %dma_start3A_1612 = arith.constant 1 : i32
    %dma_start3A_1613 = tpu.memref_slice %arg2[%select_n3A_1551, %mul3A_1611, %select_n3A_1607, %mul3A_1609] : memref<2x18x8x10000xi32, #tpu.memory_space<hbm>> -> memref<1x1x1x5000xi32, #tpu.memory_space<hbm>>
    %dma_start3A_1614 = tpu.memref_squeeze %dma_start3A_1613 : memref<1x1x1x5000xi32, #tpu.memory_space<hbm>> -> memref<5000xi32, #tpu.memory_space<hbm>>
    %dma_start3A_1615 = tpu.memref_slice %arg10[%dma_start3A_1612] : memref<6x!tpu.dma_semaphore, #tpu.memory_space<semaphore_mem>> -> memref<1x!tpu.dma_semaphore, #tpu.memory_space<semaphore_mem>>
    %dma_start3A_1616 = tpu.memref_squeeze %dma_start3A_1615 : memref<1x!tpu.dma_semaphore, #tpu.memory_space<semaphore_mem>> -> memref<!tpu.dma_semaphore, #tpu.memory_space<semaphore_mem>>
    %dma_start3A_1617 = tpu.memref_slice %arg2[%select_n3A_1551, %mul3A_1611, %select_n3A_1607, %mul3A_1609] : memref<2x18x8x10000xi32, #tpu.memory_space<hbm>> -> memref<1x1x1x5000xi32, #tpu.memory_space<hbm>>
    %dma_start3A_1618 = tpu.memref_squeeze %dma_start3A_1617 : memref<1x1x1x5000xi32, #tpu.memory_space<hbm>> -> memref<5000xi32, #tpu.memory_space<hbm>>
    tpu.enqueue_dma source(%dma_start3A_1618 : memref<5000xi32, #tpu.memory_space<hbm>>) target(%arg5 : memref<5000xi32, #tpu.memory_space<vmem>>) target_semaphore(%dma_start3A_1616 : memref<!tpu.dma_semaphore, #tpu.memory_space<semaphore_mem>>)
    %dma_wait3A_1619 = arith.constant 4 : i32
    %dma_wait3A_1620 = tpu.memref_slice %arg2[%select_n3A_724, %mul3A_784, %select_n3A_780, %mul3A_782] : memref<2x18x8x10000xi32, #tpu.memory_space<hbm>> -> memref<1x1x1x5000xi32, #tpu.memory_space<hbm>>
    %dma_wait3A_1621 = tpu.memref_squeeze %dma_wait3A_1620 : memref<1x1x1x5000xi32, #tpu.memory_space<hbm>> -> memref<5000xi32, #tpu.memory_space<hbm>>
    %dma_wait3A_1622 = tpu.memref_slice %arg10[%dma_wait3A_1619] : memref<6x!tpu.dma_semaphore, #tpu.memory_space<semaphore_mem>> -> memref<1x!tpu.dma_semaphore, #tpu.memory_space<semaphore_mem>>
    %dma_wait3A_1623 = tpu.memref_squeeze %dma_wait3A_1622 : memref<1x!tpu.dma_semaphore, #tpu.memory_space<semaphore_mem>> -> memref<!tpu.dma_semaphore, #tpu.memory_space<semaphore_mem>>
    %dma_wait3A_1624 = tpu.memref_slice %arg2[%select_n3A_724, %mul3A_784, %select_n3A_780, %mul3A_782] : memref<2x18x8x10000xi32, #tpu.memory_space<hbm>> -> memref<1x1x1x5000xi32, #tpu.memory_space<hbm>>
    %dma_wait3A_1625 = tpu.memref_squeeze %dma_wait3A_1624 : memref<1x1x1x5000xi32, #tpu.memory_space<hbm>> -> memref<5000xi32, #tpu.memory_space<hbm>>
    tpu.wait_dma2 semaphore(%dma_wait3A_1623 : memref<!tpu.dma_semaphore, #tpu.memory_space<semaphore_mem>>) src(%dma_wait3A_1625 : memref<5000xi32, #tpu.memory_space<hbm>>) dst(%arg8 : memref<5000xi32, #tpu.memory_space<vmem>>)
    %add3A_1626 = arith.constant 128 : i32
    %add3A_1627 = arith.addi %add3A, %add3A_1626 : i32
    %jit3A_1628 = arith.constant 2 : i32
    %div3A_1629 = arith.divsi %add3A_1627, %jit3A_1628 : i32
    %sign3A_1630 = arith.constant 0 : i32
    %sign3A_1631 = arith.cmpi sgt, %add3A_1627, %sign3A_1630 : i32
    %sign3A_1632 = arith.extui %sign3A_1631 : i1 to i32
    %sign3A_1633 = arith.constant 0 : i32
    %sign3A_1634 = arith.cmpi slt, %add3A_1627, %sign3A_1633 : i32
    %sign3A_1635 = arith.extui %sign3A_1634 : i1 to i32
    %sign3A_1636 = arith.subi %sign3A_1632, %sign3A_1635 : i32
    %sign3A_1637 = arith.constant 0 : i32
    %sign3A_1638 = arith.cmpi sgt, %jit3A_1628, %sign3A_1637 : i32
    %sign3A_1639 = arith.extui %sign3A_1638 : i1 to i32
    %sign3A_1640 = arith.constant 0 : i32
    %sign3A_1641 = arith.cmpi slt, %jit3A_1628, %sign3A_1640 : i32
    %sign3A_1642 = arith.extui %sign3A_1641 : i1 to i32
    %sign3A_1643 = arith.subi %sign3A_1639, %sign3A_1642 : i32
    %ne3A_1644 = arith.cmpi ne, %sign3A_1636, %sign3A_1643 : i32
    %rem3A_1645 = arith.remsi %add3A_1627, %jit3A_1628 : i32
    %ne3A_1646 = arith.constant 0 : i32
    %ne3A_1647 = arith.cmpi ne, %rem3A_1645, %ne3A_1646 : i32
    %and3A_1648 = arith.andi %ne3A_1644, %ne3A_1647 : i1
    %sub3A_1649 = arith.constant 1 : i32
    %sub3A_1650 = arith.subi %div3A_1629, %sub3A_1649 : i32
    %select_n3A_1651 = arith.select %and3A_1648, %sub3A_1650, %div3A_1629 : i32
    %jit3A_1652 = arith.constant 2 : i32
    %eq3A_1653 = arith.constant 0 : i32
    %eq3A_1654 = arith.cmpi eq, %jit3A_1652, %eq3A_1653 : i32
    %jit3A_1655 = arith.constant 1 : i32
    %select_n3A_1656 = arith.select %eq3A_1654, %jit3A_1655, %jit3A_1652 : i32
    %rem3A_1657 = arith.remsi %add3A_1627, %select_n3A_1656 : i32
    %ne3A_1658 = arith.constant 0 : i32
    %ne3A_1659 = arith.cmpi ne, %rem3A_1657, %ne3A_1658 : i32
    %lt3A_1660 = arith.constant 0 : i32
    %lt3A_1661 = arith.cmpi slt, %rem3A_1657, %lt3A_1660 : i32
    %lt3A_1662 = arith.constant 0 : i32
    %lt3A_1663 = arith.cmpi slt, %select_n3A_1656, %lt3A_1662 : i32
    %ne3A_1664 = arith.xori %lt3A_1661, %lt3A_1663 : i1
    %and3A_1665 = arith.andi %ne3A_1664, %ne3A_1659 : i1
    %add3A_1666 = arith.addi %rem3A_1657, %select_n3A_1656 : i32
    %select_n3A_1667 = arith.select %and3A_1665, %add3A_1666, %rem3A_1657 : i32
    %jit3A_1668 = arith.constant 72 : i32
    %div3A_1669 = arith.divsi %select_n3A_1651, %jit3A_1668 : i32
    %sign3A_1670 = arith.constant 0 : i32
    %sign3A_1671 = arith.cmpi sgt, %select_n3A_1651, %sign3A_1670 : i32
    %sign3A_1672 = arith.extui %sign3A_1671 : i1 to i32
    %sign3A_1673 = arith.constant 0 : i32
    %sign3A_1674 = arith.cmpi slt, %select_n3A_1651, %sign3A_1673 : i32
    %sign3A_1675 = arith.extui %sign3A_1674 : i1 to i32
    %sign3A_1676 = arith.subi %sign3A_1672, %sign3A_1675 : i32
    %sign3A_1677 = arith.constant 0 : i32
    %sign3A_1678 = arith.cmpi sgt, %jit3A_1668, %sign3A_1677 : i32
    %sign3A_1679 = arith.extui %sign3A_1678 : i1 to i32
    %sign3A_1680 = arith.constant 0 : i32
    %sign3A_1681 = arith.cmpi slt, %jit3A_1668, %sign3A_1680 : i32
    %sign3A_1682 = arith.extui %sign3A_1681 : i1 to i32
    %sign3A_1683 = arith.subi %sign3A_1679, %sign3A_1682 : i32
    %ne3A_1684 = arith.cmpi ne, %sign3A_1676, %sign3A_1683 : i32
    %rem3A_1685 = arith.remsi %select_n3A_1651, %jit3A_1668 : i32
    %ne3A_1686 = arith.constant 0 : i32
    %ne3A_1687 = arith.cmpi ne, %rem3A_1685, %ne3A_1686 : i32
    %and3A_1688 = arith.andi %ne3A_1684, %ne3A_1687 : i1
    %sub3A_1689 = arith.constant 1 : i32
    %sub3A_1690 = arith.subi %div3A_1669, %sub3A_1689 : i32
    %select_n3A_1691 = arith.select %and3A_1688, %sub3A_1690, %div3A_1669 : i32
    %jit3A_1692 = arith.constant 8 : i32
    %div3A_1693 = arith.divsi %select_n3A_1651, %jit3A_1692 : i32
    %sign3A_1694 = arith.constant 0 : i32
    %sign3A_1695 = arith.cmpi sgt, %select_n3A_1651, %sign3A_1694 : i32
    %sign3A_1696 = arith.extui %sign3A_1695 : i1 to i32
    %sign3A_1697 = arith.constant 0 : i32
    %sign3A_1698 = arith.cmpi slt, %select_n3A_1651, %sign3A_1697 : i32
    %sign3A_1699 = arith.extui %sign3A_1698 : i1 to i32
    %sign3A_1700 = arith.subi %sign3A_1696, %sign3A_1699 : i32
    %sign3A_1701 = arith.constant 0 : i32
    %sign3A_1702 = arith.cmpi sgt, %jit3A_1692, %sign3A_1701 : i32
    %sign3A_1703 = arith.extui %sign3A_1702 : i1 to i32
    %sign3A_1704 = arith.constant 0 : i32
    %sign3A_1705 = arith.cmpi slt, %jit3A_1692, %sign3A_1704 : i32
    %sign3A_1706 = arith.extui %sign3A_1705 : i1 to i32
    %sign3A_1707 = arith.subi %sign3A_1703, %sign3A_1706 : i32
    %ne3A_1708 = arith.cmpi ne, %sign3A_1700, %sign3A_1707 : i32
    %rem3A_1709 = arith.remsi %select_n3A_1651, %jit3A_1692 : i32
    %ne3A_1710 = arith.constant 0 : i32
    %ne3A_1711 = arith.cmpi ne, %rem3A_1709, %ne3A_1710 : i32
    %and3A_1712 = arith.andi %ne3A_1708, %ne3A_1711 : i1
    %sub3A_1713 = arith.constant 1 : i32
    %sub3A_1714 = arith.subi %div3A_1693, %sub3A_1713 : i32
    %select_n3A_1715 = arith.select %and3A_1712, %sub3A_1714, %div3A_1693 : i32
    %jit3A_1716 = arith.constant 9 : i32
    %eq3A_1717 = arith.constant 0 : i32
    %eq3A_1718 = arith.cmpi eq, %jit3A_1716, %eq3A_1717 : i32
    %jit3A_1719 = arith.constant 1 : i32
    %select_n3A_1720 = arith.select %eq3A_1718, %jit3A_1719, %jit3A_1716 : i32
    %rem3A_1721 = arith.remsi %select_n3A_1715, %select_n3A_1720 : i32
    %ne3A_1722 = arith.constant 0 : i32
    %ne3A_1723 = arith.cmpi ne, %rem3A_1721, %ne3A_1722 : i32
    %lt3A_1724 = arith.constant 0 : i32
    %lt3A_1725 = arith.cmpi slt, %rem3A_1721, %lt3A_1724 : i32
    %lt3A_1726 = arith.constant 0 : i32
    %lt3A_1727 = arith.cmpi slt, %select_n3A_1720, %lt3A_1726 : i32
    %ne3A_1728 = arith.xori %lt3A_1725, %lt3A_1727 : i1
    %and3A_1729 = arith.andi %ne3A_1728, %ne3A_1723 : i1
    %add3A_1730 = arith.addi %rem3A_1721, %select_n3A_1720 : i32
    %select_n3A_1731 = arith.select %and3A_1729, %add3A_1730, %rem3A_1721 : i32
    %jit3A_1732 = arith.constant 8 : i32
    %eq3A_1733 = arith.constant 0 : i32
    %eq3A_1734 = arith.cmpi eq, %jit3A_1732, %eq3A_1733 : i32
    %jit3A_1735 = arith.constant 1 : i32
    %select_n3A_1736 = arith.select %eq3A_1734, %jit3A_1735, %jit3A_1732 : i32
    %rem3A_1737 = arith.remsi %select_n3A_1651, %select_n3A_1736 : i32
    %ne3A_1738 = arith.constant 0 : i32
    %ne3A_1739 = arith.cmpi ne, %rem3A_1737, %ne3A_1738 : i32
    %lt3A_1740 = arith.constant 0 : i32
    %lt3A_1741 = arith.cmpi slt, %rem3A_1737, %lt3A_1740 : i32
    %lt3A_1742 = arith.constant 0 : i32
    %lt3A_1743 = arith.cmpi slt, %select_n3A_1736, %lt3A_1742 : i32
    %ne3A_1744 = arith.xori %lt3A_1741, %lt3A_1743 : i1
    %and3A_1745 = arith.andi %ne3A_1744, %ne3A_1739 : i1
    %add3A_1746 = arith.addi %rem3A_1737, %select_n3A_1736 : i32
    %select_n3A_1747 = arith.select %and3A_1745, %add3A_1746, %rem3A_1737 : i32
    %mul3A_1748 = arith.constant 5000 : i32
    %mul3A_1749 = arith.muli %select_n3A_1667, %mul3A_1748 : i32
    %dma_start3A_1750 = arith.constant 4 : i32
    %dma_start3A_1751 = tpu.memref_slice %arg3[%select_n3A_1691, %select_n3A_1731, %select_n3A_1747, %mul3A_1749] : memref<2x9x8x10000xi32, #tpu.memory_space<hbm>> -> memref<1x1x1x5000xi32, #tpu.memory_space<hbm>>
    %dma_start3A_1752 = tpu.memref_squeeze %dma_start3A_1751 : memref<1x1x1x5000xi32, #tpu.memory_space<hbm>> -> memref<5000xi32, #tpu.memory_space<hbm>>
    %dma_start3A_1753 = tpu.memref_slice %arg11[%dma_start3A_1750] : memref<6x!tpu.dma_semaphore, #tpu.memory_space<semaphore_mem>> -> memref<1x!tpu.dma_semaphore, #tpu.memory_space<semaphore_mem>>
    %dma_start3A_1754 = tpu.memref_squeeze %dma_start3A_1753 : memref<1x!tpu.dma_semaphore, #tpu.memory_space<semaphore_mem>> -> memref<!tpu.dma_semaphore, #tpu.memory_space<semaphore_mem>>
    %dma_start3A_1755 = tpu.memref_slice %arg3[%select_n3A_1691, %select_n3A_1731, %select_n3A_1747, %mul3A_1749] : memref<2x9x8x10000xi32, #tpu.memory_space<hbm>> -> memref<1x1x1x5000xi32, #tpu.memory_space<hbm>>
    %dma_start3A_1756 = tpu.memref_squeeze %dma_start3A_1755 : memref<1x1x1x5000xi32, #tpu.memory_space<hbm>> -> memref<5000xi32, #tpu.memory_space<hbm>>
    tpu.enqueue_dma source(%arg8 : memref<5000xi32, #tpu.memory_space<vmem>>) target(%dma_start3A_1756 : memref<5000xi32, #tpu.memory_space<hbm>>) target_semaphore(%dma_start3A_1754 : memref<!tpu.dma_semaphore, #tpu.memory_space<semaphore_mem>>)
    %dma_wait3A_1757 = arith.constant 2 : i32
    %dma_wait3A_1758 = tpu.memref_slice %arg3[%select_n3A_1135, %select_n3A_1175, %select_n3A_1191, %mul3A_1193] : memref<2x9x8x10000xi32, #tpu.memory_space<hbm>> -> memref<1x1x1x5000xi32, #tpu.memory_space<hbm>>
    %dma_wait3A_1759 = tpu.memref_squeeze %dma_wait3A_1758 : memref<1x1x1x5000xi32, #tpu.memory_space<hbm>> -> memref<5000xi32, #tpu.memory_space<hbm>>
    %dma_wait3A_1760 = tpu.memref_slice %arg11[%dma_wait3A_1757] : memref<6x!tpu.dma_semaphore, #tpu.memory_space<semaphore_mem>> -> memref<1x!tpu.dma_semaphore, #tpu.memory_space<semaphore_mem>>
    %dma_wait3A_1761 = tpu.memref_squeeze %dma_wait3A_1760 : memref<1x!tpu.dma_semaphore, #tpu.memory_space<semaphore_mem>> -> memref<!tpu.dma_semaphore, #tpu.memory_space<semaphore_mem>>
    %dma_wait3A_1762 = tpu.memref_slice %arg3[%select_n3A_1135, %select_n3A_1175, %select_n3A_1191, %mul3A_1193] : memref<2x9x8x10000xi32, #tpu.memory_space<hbm>> -> memref<1x1x1x5000xi32, #tpu.memory_space<hbm>>
    %dma_wait3A_1763 = tpu.memref_squeeze %dma_wait3A_1762 : memref<1x1x1x5000xi32, #tpu.memory_space<hbm>> -> memref<5000xi32, #tpu.memory_space<hbm>>
    tpu.wait_dma2 semaphore(%dma_wait3A_1761 : memref<!tpu.dma_semaphore, #tpu.memory_space<semaphore_mem>>) src(%arg6 : memref<5000xi32, #tpu.memory_space<vmem>>) dst(%dma_wait3A_1763 : memref<5000xi32, #tpu.memory_space<hbm>>)
    %add3A_1764 = arith.constant 256 : i32
    %add3A_1765 = arith.addi %add3A, %add3A_1764 : i32
    %jit3A_1766 = arith.constant 2 : i32
    %div3A_1767 = arith.divsi %add3A_1765, %jit3A_1766 : i32
    %sign3A_1768 = arith.constant 0 : i32
    %sign3A_1769 = arith.cmpi sgt, %add3A_1765, %sign3A_1768 : i32
    %sign3A_1770 = arith.extui %sign3A_1769 : i1 to i32
    %sign3A_1771 = arith.constant 0 : i32
    %sign3A_1772 = arith.cmpi slt, %add3A_1765, %sign3A_1771 : i32
    %sign3A_1773 = arith.extui %sign3A_1772 : i1 to i32
    %sign3A_1774 = arith.subi %sign3A_1770, %sign3A_1773 : i32
    %sign3A_1775 = arith.constant 0 : i32
    %sign3A_1776 = arith.cmpi sgt, %jit3A_1766, %sign3A_1775 : i32
    %sign3A_1777 = arith.extui %sign3A_1776 : i1 to i32
    %sign3A_1778 = arith.constant 0 : i32
    %sign3A_1779 = arith.cmpi slt, %jit3A_1766, %sign3A_1778 : i32
    %sign3A_1780 = arith.extui %sign3A_1779 : i1 to i32
    %sign3A_1781 = arith.subi %sign3A_1777, %sign3A_1780 : i32
    %ne3A_1782 = arith.cmpi ne, %sign3A_1774, %sign3A_1781 : i32
    %rem3A_1783 = arith.remsi %add3A_1765, %jit3A_1766 : i32
    %ne3A_1784 = arith.constant 0 : i32
    %ne3A_1785 = arith.cmpi ne, %rem3A_1783, %ne3A_1784 : i32
    %and3A_1786 = arith.andi %ne3A_1782, %ne3A_1785 : i1
    %sub3A_1787 = arith.constant 1 : i32
    %sub3A_1788 = arith.subi %div3A_1767, %sub3A_1787 : i32
    %select_n3A_1789 = arith.select %and3A_1786, %sub3A_1788, %div3A_1767 : i32
    %jit3A_1790 = arith.constant 2 : i32
    %eq3A_1791 = arith.constant 0 : i32
    %eq3A_1792 = arith.cmpi eq, %jit3A_1790, %eq3A_1791 : i32
    %jit3A_1793 = arith.constant 1 : i32
    %select_n3A_1794 = arith.select %eq3A_1792, %jit3A_1793, %jit3A_1790 : i32
    %rem3A_1795 = arith.remsi %add3A_1765, %select_n3A_1794 : i32
    %ne3A_1796 = arith.constant 0 : i32
    %ne3A_1797 = arith.cmpi ne, %rem3A_1795, %ne3A_1796 : i32
    %lt3A_1798 = arith.constant 0 : i32
    %lt3A_1799 = arith.cmpi slt, %rem3A_1795, %lt3A_1798 : i32
    %lt3A_1800 = arith.constant 0 : i32
    %lt3A_1801 = arith.cmpi slt, %select_n3A_1794, %lt3A_1800 : i32
    %ne3A_1802 = arith.xori %lt3A_1799, %lt3A_1801 : i1
    %and3A_1803 = arith.andi %ne3A_1802, %ne3A_1797 : i1
    %add3A_1804 = arith.addi %rem3A_1795, %select_n3A_1794 : i32
    %select_n3A_1805 = arith.select %and3A_1803, %add3A_1804, %rem3A_1795 : i32
    %jit3A_1806 = arith.constant 72 : i32
    %div3A_1807 = arith.divsi %select_n3A_1789, %jit3A_1806 : i32
    %sign3A_1808 = arith.constant 0 : i32
    %sign3A_1809 = arith.cmpi sgt, %select_n3A_1789, %sign3A_1808 : i32
    %sign3A_1810 = arith.extui %sign3A_1809 : i1 to i32
    %sign3A_1811 = arith.constant 0 : i32
    %sign3A_1812 = arith.cmpi slt, %select_n3A_1789, %sign3A_1811 : i32
    %sign3A_1813 = arith.extui %sign3A_1812 : i1 to i32
    %sign3A_1814 = arith.subi %sign3A_1810, %sign3A_1813 : i32
    %sign3A_1815 = arith.constant 0 : i32
    %sign3A_1816 = arith.cmpi sgt, %jit3A_1806, %sign3A_1815 : i32
    %sign3A_1817 = arith.extui %sign3A_1816 : i1 to i32
    %sign3A_1818 = arith.constant 0 : i32
    %sign3A_1819 = arith.cmpi slt, %jit3A_1806, %sign3A_1818 : i32
    %sign3A_1820 = arith.extui %sign3A_1819 : i1 to i32
    %sign3A_1821 = arith.subi %sign3A_1817, %sign3A_1820 : i32
    %ne3A_1822 = arith.cmpi ne, %sign3A_1814, %sign3A_1821 : i32
    %rem3A_1823 = arith.remsi %select_n3A_1789, %jit3A_1806 : i32
    %ne3A_1824 = arith.constant 0 : i32
    %ne3A_1825 = arith.cmpi ne, %rem3A_1823, %ne3A_1824 : i32
    %and3A_1826 = arith.andi %ne3A_1822, %ne3A_1825 : i1
    %sub3A_1827 = arith.constant 1 : i32
    %sub3A_1828 = arith.subi %div3A_1807, %sub3A_1827 : i32
    %select_n3A_1829 = arith.select %and3A_1826, %sub3A_1828, %div3A_1807 : i32
    %jit3A_1830 = arith.constant 8 : i32
    %div3A_1831 = arith.divsi %select_n3A_1789, %jit3A_1830 : i32
    %sign3A_1832 = arith.constant 0 : i32
    %sign3A_1833 = arith.cmpi sgt, %select_n3A_1789, %sign3A_1832 : i32
    %sign3A_1834 = arith.extui %sign3A_1833 : i1 to i32
    %sign3A_1835 = arith.constant 0 : i32
    %sign3A_1836 = arith.cmpi slt, %select_n3A_1789, %sign3A_1835 : i32
    %sign3A_1837 = arith.extui %sign3A_1836 : i1 to i32
    %sign3A_1838 = arith.subi %sign3A_1834, %sign3A_1837 : i32
    %sign3A_1839 = arith.constant 0 : i32
    %sign3A_1840 = arith.cmpi sgt, %jit3A_1830, %sign3A_1839 : i32
    %sign3A_1841 = arith.extui %sign3A_1840 : i1 to i32
    %sign3A_1842 = arith.constant 0 : i32
    %sign3A_1843 = arith.cmpi slt, %jit3A_1830, %sign3A_1842 : i32
    %sign3A_1844 = arith.extui %sign3A_1843 : i1 to i32
    %sign3A_1845 = arith.subi %sign3A_1841, %sign3A_1844 : i32
    %ne3A_1846 = arith.cmpi ne, %sign3A_1838, %sign3A_1845 : i32
    %rem3A_1847 = arith.remsi %select_n3A_1789, %jit3A_1830 : i32
    %ne3A_1848 = arith.constant 0 : i32
    %ne3A_1849 = arith.cmpi ne, %rem3A_1847, %ne3A_1848 : i32
    %and3A_1850 = arith.andi %ne3A_1846, %ne3A_1849 : i1
    %sub3A_1851 = arith.constant 1 : i32
    %sub3A_1852 = arith.subi %div3A_1831, %sub3A_1851 : i32
    %select_n3A_1853 = arith.select %and3A_1850, %sub3A_1852, %div3A_1831 : i32
    %jit3A_1854 = arith.constant 9 : i32
    %eq3A_1855 = arith.constant 0 : i32
    %eq3A_1856 = arith.cmpi eq, %jit3A_1854, %eq3A_1855 : i32
    %jit3A_1857 = arith.constant 1 : i32
    %select_n3A_1858 = arith.select %eq3A_1856, %jit3A_1857, %jit3A_1854 : i32
    %rem3A_1859 = arith.remsi %select_n3A_1853, %select_n3A_1858 : i32
    %ne3A_1860 = arith.constant 0 : i32
    %ne3A_1861 = arith.cmpi ne, %rem3A_1859, %ne3A_1860 : i32
    %lt3A_1862 = arith.constant 0 : i32
    %lt3A_1863 = arith.cmpi slt, %rem3A_1859, %lt3A_1862 : i32
    %lt3A_1864 = arith.constant 0 : i32
    %lt3A_1865 = arith.cmpi slt, %select_n3A_1858, %lt3A_1864 : i32
    %ne3A_1866 = arith.xori %lt3A_1863, %lt3A_1865 : i1
    %and3A_1867 = arith.andi %ne3A_1866, %ne3A_1861 : i1
    %add3A_1868 = arith.addi %rem3A_1859, %select_n3A_1858 : i32
    %select_n3A_1869 = arith.select %and3A_1867, %add3A_1868, %rem3A_1859 : i32
    %jit3A_1870 = arith.constant 8 : i32
    %eq3A_1871 = arith.constant 0 : i32
    %eq3A_1872 = arith.cmpi eq, %jit3A_1870, %eq3A_1871 : i32
    %jit3A_1873 = arith.constant 1 : i32
    %select_n3A_1874 = arith.select %eq3A_1872, %jit3A_1873, %jit3A_1870 : i32
    %rem3A_1875 = arith.remsi %select_n3A_1789, %select_n3A_1874 : i32
    %ne3A_1876 = arith.constant 0 : i32
    %ne3A_1877 = arith.cmpi ne, %rem3A_1875, %ne3A_1876 : i32
    %lt3A_1878 = arith.constant 0 : i32
    %lt3A_1879 = arith.cmpi slt, %rem3A_1875, %lt3A_1878 : i32
    %lt3A_1880 = arith.constant 0 : i32
    %lt3A_1881 = arith.cmpi slt, %select_n3A_1874, %lt3A_1880 : i32
    %ne3A_1882 = arith.xori %lt3A_1879, %lt3A_1881 : i1
    %and3A_1883 = arith.andi %ne3A_1882, %ne3A_1877 : i1
    %add3A_1884 = arith.addi %rem3A_1875, %select_n3A_1874 : i32
    %select_n3A_1885 = arith.select %and3A_1883, %add3A_1884, %rem3A_1875 : i32
    %mul3A_1886 = arith.constant 5000 : i32
    %mul3A_1887 = arith.muli %select_n3A_1805, %mul3A_1886 : i32
    %mul3A_1888 = arith.constant 2 : i32
    %mul3A_1889 = arith.muli %mul3A_1888, %select_n3A_1869 : i32
    %dma_start3A_1890 = arith.constant 2 : i32
    %dma_start3A_1891 = tpu.memref_slice %arg2[%select_n3A_1829, %mul3A_1889, %select_n3A_1885, %mul3A_1887] : memref<2x18x8x10000xi32, #tpu.memory_space<hbm>> -> memref<1x1x1x5000xi32, #tpu.memory_space<hbm>>
    %dma_start3A_1892 = tpu.memref_squeeze %dma_start3A_1891 : memref<1x1x1x5000xi32, #tpu.memory_space<hbm>> -> memref<5000xi32, #tpu.memory_space<hbm>>
    %dma_start3A_1893 = tpu.memref_slice %arg10[%dma_start3A_1890] : memref<6x!tpu.dma_semaphore, #tpu.memory_space<semaphore_mem>> -> memref<1x!tpu.dma_semaphore, #tpu.memory_space<semaphore_mem>>
    %dma_start3A_1894 = tpu.memref_squeeze %dma_start3A_1893 : memref<1x!tpu.dma_semaphore, #tpu.memory_space<semaphore_mem>> -> memref<!tpu.dma_semaphore, #tpu.memory_space<semaphore_mem>>
    %dma_start3A_1895 = tpu.memref_slice %arg2[%select_n3A_1829, %mul3A_1889, %select_n3A_1885, %mul3A_1887] : memref<2x18x8x10000xi32, #tpu.memory_space<hbm>> -> memref<1x1x1x5000xi32, #tpu.memory_space<hbm>>
    %dma_start3A_1896 = tpu.memref_squeeze %dma_start3A_1895 : memref<1x1x1x5000xi32, #tpu.memory_space<hbm>> -> memref<5000xi32, #tpu.memory_space<hbm>>
    tpu.enqueue_dma source(%dma_start3A_1896 : memref<5000xi32, #tpu.memory_space<hbm>>) target(%arg6 : memref<5000xi32, #tpu.memory_space<vmem>>) target_semaphore(%dma_start3A_1894 : memref<!tpu.dma_semaphore, #tpu.memory_space<semaphore_mem>>)
    %dma_wait3A_1897 = arith.constant 5 : i32
    %dma_wait3A_1898 = tpu.memref_slice %arg2[%select_n3A_995, %mul3A_1055, %select_n3A_1051, %mul3A_1053] : memref<2x18x8x10000xi32, #tpu.memory_space<hbm>> -> memref<1x1x1x5000xi32, #tpu.memory_space<hbm>>
    %dma_wait3A_1899 = tpu.memref_squeeze %dma_wait3A_1898 : memref<1x1x1x5000xi32, #tpu.memory_space<hbm>> -> memref<5000xi32, #tpu.memory_space<hbm>>
    %dma_wait3A_1900 = tpu.memref_slice %arg10[%dma_wait3A_1897] : memref<6x!tpu.dma_semaphore, #tpu.memory_space<semaphore_mem>> -> memref<1x!tpu.dma_semaphore, #tpu.memory_space<semaphore_mem>>
    %dma_wait3A_1901 = tpu.memref_squeeze %dma_wait3A_1900 : memref<1x!tpu.dma_semaphore, #tpu.memory_space<semaphore_mem>> -> memref<!tpu.dma_semaphore, #tpu.memory_space<semaphore_mem>>
    %dma_wait3A_1902 = tpu.memref_slice %arg2[%select_n3A_995, %mul3A_1055, %select_n3A_1051, %mul3A_1053] : memref<2x18x8x10000xi32, #tpu.memory_space<hbm>> -> memref<1x1x1x5000xi32, #tpu.memory_space<hbm>>
    %dma_wait3A_1903 = tpu.memref_squeeze %dma_wait3A_1902 : memref<1x1x1x5000xi32, #tpu.memory_space<hbm>> -> memref<5000xi32, #tpu.memory_space<hbm>>
    tpu.wait_dma2 semaphore(%dma_wait3A_1901 : memref<!tpu.dma_semaphore, #tpu.memory_space<semaphore_mem>>) src(%dma_wait3A_1903 : memref<5000xi32, #tpu.memory_space<hbm>>) dst(%arg9 : memref<5000xi32, #tpu.memory_space<vmem>>)
    %add3A_1904 = arith.constant 160 : i32
    %add3A_1905 = arith.addi %add3A, %add3A_1904 : i32
    %jit3A_1906 = arith.constant 2 : i32
    %div3A_1907 = arith.divsi %add3A_1905, %jit3A_1906 : i32
    %sign3A_1908 = arith.constant 0 : i32
    %sign3A_1909 = arith.cmpi sgt, %add3A_1905, %sign3A_1908 : i32
    %sign3A_1910 = arith.extui %sign3A_1909 : i1 to i32
    %sign3A_1911 = arith.constant 0 : i32
    %sign3A_1912 = arith.cmpi slt, %add3A_1905, %sign3A_1911 : i32
    %sign3A_1913 = arith.extui %sign3A_1912 : i1 to i32
    %sign3A_1914 = arith.subi %sign3A_1910, %sign3A_1913 : i32
    %sign3A_1915 = arith.constant 0 : i32
    %sign3A_1916 = arith.cmpi sgt, %jit3A_1906, %sign3A_1915 : i32
    %sign3A_1917 = arith.extui %sign3A_1916 : i1 to i32
    %sign3A_1918 = arith.constant 0 : i32
    %sign3A_1919 = arith.cmpi slt, %jit3A_1906, %sign3A_1918 : i32
    %sign3A_1920 = arith.extui %sign3A_1919 : i1 to i32
    %sign3A_1921 = arith.subi %sign3A_1917, %sign3A_1920 : i32
    %ne3A_1922 = arith.cmpi ne, %sign3A_1914, %sign3A_1921 : i32
    %rem3A_1923 = arith.remsi %add3A_1905, %jit3A_1906 : i32
    %ne3A_1924 = arith.constant 0 : i32
    %ne3A_1925 = arith.cmpi ne, %rem3A_1923, %ne3A_1924 : i32
    %and3A_1926 = arith.andi %ne3A_1922, %ne3A_1925 : i1
    %sub3A_1927 = arith.constant 1 : i32
    %sub3A_1928 = arith.subi %div3A_1907, %sub3A_1927 : i32
    %select_n3A_1929 = arith.select %and3A_1926, %sub3A_1928, %div3A_1907 : i32
    %jit3A_1930 = arith.constant 2 : i32
    %eq3A_1931 = arith.constant 0 : i32
    %eq3A_1932 = arith.cmpi eq, %jit3A_1930, %eq3A_1931 : i32
    %jit3A_1933 = arith.constant 1 : i32
    %select_n3A_1934 = arith.select %eq3A_1932, %jit3A_1933, %jit3A_1930 : i32
    %rem3A_1935 = arith.remsi %add3A_1905, %select_n3A_1934 : i32
    %ne3A_1936 = arith.constant 0 : i32
    %ne3A_1937 = arith.cmpi ne, %rem3A_1935, %ne3A_1936 : i32
    %lt3A_1938 = arith.constant 0 : i32
    %lt3A_1939 = arith.cmpi slt, %rem3A_1935, %lt3A_1938 : i32
    %lt3A_1940 = arith.constant 0 : i32
    %lt3A_1941 = arith.cmpi slt, %select_n3A_1934, %lt3A_1940 : i32
    %ne3A_1942 = arith.xori %lt3A_1939, %lt3A_1941 : i1
    %and3A_1943 = arith.andi %ne3A_1942, %ne3A_1937 : i1
    %add3A_1944 = arith.addi %rem3A_1935, %select_n3A_1934 : i32
    %select_n3A_1945 = arith.select %and3A_1943, %add3A_1944, %rem3A_1935 : i32
    %jit3A_1946 = arith.constant 72 : i32
    %div3A_1947 = arith.divsi %select_n3A_1929, %jit3A_1946 : i32
    %sign3A_1948 = arith.constant 0 : i32
    %sign3A_1949 = arith.cmpi sgt, %select_n3A_1929, %sign3A_1948 : i32
    %sign3A_1950 = arith.extui %sign3A_1949 : i1 to i32
    %sign3A_1951 = arith.constant 0 : i32
    %sign3A_1952 = arith.cmpi slt, %select_n3A_1929, %sign3A_1951 : i32
    %sign3A_1953 = arith.extui %sign3A_1952 : i1 to i32
    %sign3A_1954 = arith.subi %sign3A_1950, %sign3A_1953 : i32
    %sign3A_1955 = arith.constant 0 : i32
    %sign3A_1956 = arith.cmpi sgt, %jit3A_1946, %sign3A_1955 : i32
    %sign3A_1957 = arith.extui %sign3A_1956 : i1 to i32
    %sign3A_1958 = arith.constant 0 : i32
    %sign3A_1959 = arith.cmpi slt, %jit3A_1946, %sign3A_1958 : i32
    %sign3A_1960 = arith.extui %sign3A_1959 : i1 to i32
    %sign3A_1961 = arith.subi %sign3A_1957, %sign3A_1960 : i32
    %ne3A_1962 = arith.cmpi ne, %sign3A_1954, %sign3A_1961 : i32
    %rem3A_1963 = arith.remsi %select_n3A_1929, %jit3A_1946 : i32
    %ne3A_1964 = arith.constant 0 : i32
    %ne3A_1965 = arith.cmpi ne, %rem3A_1963, %ne3A_1964 : i32
    %and3A_1966 = arith.andi %ne3A_1962, %ne3A_1965 : i1
    %sub3A_1967 = arith.constant 1 : i32
    %sub3A_1968 = arith.subi %div3A_1947, %sub3A_1967 : i32
    %select_n3A_1969 = arith.select %and3A_1966, %sub3A_1968, %div3A_1947 : i32
    %jit3A_1970 = arith.constant 8 : i32
    %div3A_1971 = arith.divsi %select_n3A_1929, %jit3A_1970 : i32
    %sign3A_1972 = arith.constant 0 : i32
    %sign3A_1973 = arith.cmpi sgt, %select_n3A_1929, %sign3A_1972 : i32
    %sign3A_1974 = arith.extui %sign3A_1973 : i1 to i32
    %sign3A_1975 = arith.constant 0 : i32
    %sign3A_1976 = arith.cmpi slt, %select_n3A_1929, %sign3A_1975 : i32
    %sign3A_1977 = arith.extui %sign3A_1976 : i1 to i32
    %sign3A_1978 = arith.subi %sign3A_1974, %sign3A_1977 : i32
    %sign3A_1979 = arith.constant 0 : i32
    %sign3A_1980 = arith.cmpi sgt, %jit3A_1970, %sign3A_1979 : i32
    %sign3A_1981 = arith.extui %sign3A_1980 : i1 to i32
    %sign3A_1982 = arith.constant 0 : i32
    %sign3A_1983 = arith.cmpi slt, %jit3A_1970, %sign3A_1982 : i32
    %sign3A_1984 = arith.extui %sign3A_1983 : i1 to i32
    %sign3A_1985 = arith.subi %sign3A_1981, %sign3A_1984 : i32
    %ne3A_1986 = arith.cmpi ne, %sign3A_1978, %sign3A_1985 : i32
    %rem3A_1987 = arith.remsi %select_n3A_1929, %jit3A_1970 : i32
    %ne3A_1988 = arith.constant 0 : i32
    %ne3A_1989 = arith.cmpi ne, %rem3A_1987, %ne3A_1988 : i32
    %and3A_1990 = arith.andi %ne3A_1986, %ne3A_1989 : i1
    %sub3A_1991 = arith.constant 1 : i32
    %sub3A_1992 = arith.subi %div3A_1971, %sub3A_1991 : i32
    %select_n3A_1993 = arith.select %and3A_1990, %sub3A_1992, %div3A_1971 : i32
    %jit3A_1994 = arith.constant 9 : i32
    %eq3A_1995 = arith.constant 0 : i32
    %eq3A_1996 = arith.cmpi eq, %jit3A_1994, %eq3A_1995 : i32
    %jit3A_1997 = arith.constant 1 : i32
    %select_n3A_1998 = arith.select %eq3A_1996, %jit3A_1997, %jit3A_1994 : i32
    %rem3A_1999 = arith.remsi %select_n3A_1993, %select_n3A_1998 : i32
    %ne3A_2000 = arith.constant 0 : i32
    %ne3A_2001 = arith.cmpi ne, %rem3A_1999, %ne3A_2000 : i32
    %lt3A_2002 = arith.constant 0 : i32
    %lt3A_2003 = arith.cmpi slt, %rem3A_1999, %lt3A_2002 : i32
    %lt3A_2004 = arith.constant 0 : i32
    %lt3A_2005 = arith.cmpi slt, %select_n3A_1998, %lt3A_2004 : i32
    %ne3A_2006 = arith.xori %lt3A_2003, %lt3A_2005 : i1
    %and3A_2007 = arith.andi %ne3A_2006, %ne3A_2001 : i1
    %add3A_2008 = arith.addi %rem3A_1999, %select_n3A_1998 : i32
    %select_n3A_2009 = arith.select %and3A_2007, %add3A_2008, %rem3A_1999 : i32
    %jit3A_2010 = arith.constant 8 : i32
    %eq3A_2011 = arith.constant 0 : i32
    %eq3A_2012 = arith.cmpi eq, %jit3A_2010, %eq3A_2011 : i32
    %jit3A_2013 = arith.constant 1 : i32
    %select_n3A_2014 = arith.select %eq3A_2012, %jit3A_2013, %jit3A_2010 : i32
    %rem3A_2015 = arith.remsi %select_n3A_1929, %select_n3A_2014 : i32
    %ne3A_2016 = arith.constant 0 : i32
    %ne3A_2017 = arith.cmpi ne, %rem3A_2015, %ne3A_2016 : i32
    %lt3A_2018 = arith.constant 0 : i32
    %lt3A_2019 = arith.cmpi slt, %rem3A_2015, %lt3A_2018 : i32
    %lt3A_2020 = arith.constant 0 : i32
    %lt3A_2021 = arith.cmpi slt, %select_n3A_2014, %lt3A_2020 : i32
    %ne3A_2022 = arith.xori %lt3A_2019, %lt3A_2021 : i1
    %and3A_2023 = arith.andi %ne3A_2022, %ne3A_2017 : i1
    %add3A_2024 = arith.addi %rem3A_2015, %select_n3A_2014 : i32
    %select_n3A_2025 = arith.select %and3A_2023, %add3A_2024, %rem3A_2015 : i32
    %mul3A_2026 = arith.constant 5000 : i32
    %mul3A_2027 = arith.muli %select_n3A_1945, %mul3A_2026 : i32
    %dma_start3A_2028 = arith.constant 5 : i32
    %dma_start3A_2029 = tpu.memref_slice %arg3[%select_n3A_1969, %select_n3A_2009, %select_n3A_2025, %mul3A_2027] : memref<2x9x8x10000xi32, #tpu.memory_space<hbm>> -> memref<1x1x1x5000xi32, #tpu.memory_space<hbm>>
    %dma_start3A_2030 = tpu.memref_squeeze %dma_start3A_2029 : memref<1x1x1x5000xi32, #tpu.memory_space<hbm>> -> memref<5000xi32, #tpu.memory_space<hbm>>
    %dma_start3A_2031 = tpu.memref_slice %arg11[%dma_start3A_2028] : memref<6x!tpu.dma_semaphore, #tpu.memory_space<semaphore_mem>> -> memref<1x!tpu.dma_semaphore, #tpu.memory_space<semaphore_mem>>
    %dma_start3A_2032 = tpu.memref_squeeze %dma_start3A_2031 : memref<1x!tpu.dma_semaphore, #tpu.memory_space<semaphore_mem>> -> memref<!tpu.dma_semaphore, #tpu.memory_space<semaphore_mem>>
    %dma_start3A_2033 = tpu.memref_slice %arg3[%select_n3A_1969, %select_n3A_2009, %select_n3A_2025, %mul3A_2027] : memref<2x9x8x10000xi32, #tpu.memory_space<hbm>> -> memref<1x1x1x5000xi32, #tpu.memory_space<hbm>>
    %dma_start3A_2034 = tpu.memref_squeeze %dma_start3A_2033 : memref<1x1x1x5000xi32, #tpu.memory_space<hbm>> -> memref<5000xi32, #tpu.memory_space<hbm>>
    tpu.enqueue_dma source(%arg9 : memref<5000xi32, #tpu.memory_space<vmem>>) target(%dma_start3A_2034 : memref<5000xi32, #tpu.memory_space<hbm>>) target_semaphore(%dma_start3A_2032 : memref<!tpu.dma_semaphore, #tpu.memory_space<semaphore_mem>>)
    %dma_wait3A_2035 = arith.constant 0 : i32
    %dma_wait3A_2036 = tpu.memref_slice %arg2[%select_n3A_1273, %mul3A_1333, %select_n3A_1329, %mul3A_1331] : memref<2x18x8x10000xi32, #tpu.memory_space<hbm>> -> memref<1x1x1x5000xi32, #tpu.memory_space<hbm>>
    %dma_wait3A_2037 = tpu.memref_squeeze %dma_wait3A_2036 : memref<1x1x1x5000xi32, #tpu.memory_space<hbm>> -> memref<5000xi32, #tpu.memory_space<hbm>>
    %dma_wait3A_2038 = tpu.memref_slice %arg10[%dma_wait3A_2035] : memref<6x!tpu.dma_semaphore, #tpu.memory_space<semaphore_mem>> -> memref<1x!tpu.dma_semaphore, #tpu.memory_space<semaphore_mem>>
    %dma_wait3A_2039 = tpu.memref_squeeze %dma_wait3A_2038 : memref<1x!tpu.dma_semaphore, #tpu.memory_space<semaphore_mem>> -> memref<!tpu.dma_semaphore, #tpu.memory_space<semaphore_mem>>
    %dma_wait3A_2040 = tpu.memref_slice %arg2[%select_n3A_1273, %mul3A_1333, %select_n3A_1329, %mul3A_1331] : memref<2x18x8x10000xi32, #tpu.memory_space<hbm>> -> memref<1x1x1x5000xi32, #tpu.memory_space<hbm>>
    %dma_wait3A_2041 = tpu.memref_squeeze %dma_wait3A_2040 : memref<1x1x1x5000xi32, #tpu.memory_space<hbm>> -> memref<5000xi32, #tpu.memory_space<hbm>>
    tpu.wait_dma2 semaphore(%dma_wait3A_2039 : memref<!tpu.dma_semaphore, #tpu.memory_space<semaphore_mem>>) src(%dma_wait3A_2041 : memref<5000xi32, #tpu.memory_space<hbm>>) dst(%arg4 : memref<5000xi32, #tpu.memory_space<vmem>>)
    %add3A_2042 = arith.constant 192 : i32
    %add3A_2043 = arith.addi %add3A, %add3A_2042 : i32
    %jit3A_2044 = arith.constant 2 : i32
    %div3A_2045 = arith.divsi %add3A_2043, %jit3A_2044 : i32
    %sign3A_2046 = arith.constant 0 : i32
    %sign3A_2047 = arith.cmpi sgt, %add3A_2043, %sign3A_2046 : i32
    %sign3A_2048 = arith.extui %sign3A_2047 : i1 to i32
    %sign3A_2049 = arith.constant 0 : i32
    %sign3A_2050 = arith.cmpi slt, %add3A_2043, %sign3A_2049 : i32
    %sign3A_2051 = arith.extui %sign3A_2050 : i1 to i32
    %sign3A_2052 = arith.subi %sign3A_2048, %sign3A_2051 : i32
    %sign3A_2053 = arith.constant 0 : i32
    %sign3A_2054 = arith.cmpi sgt, %jit3A_2044, %sign3A_2053 : i32
    %sign3A_2055 = arith.extui %sign3A_2054 : i1 to i32
    %sign3A_2056 = arith.constant 0 : i32
    %sign3A_2057 = arith.cmpi slt, %jit3A_2044, %sign3A_2056 : i32
    %sign3A_2058 = arith.extui %sign3A_2057 : i1 to i32
    %sign3A_2059 = arith.subi %sign3A_2055, %sign3A_2058 : i32
    %ne3A_2060 = arith.cmpi ne, %sign3A_2052, %sign3A_2059 : i32
    %rem3A_2061 = arith.remsi %add3A_2043, %jit3A_2044 : i32
    %ne3A_2062 = arith.constant 0 : i32
    %ne3A_2063 = arith.cmpi ne, %rem3A_2061, %ne3A_2062 : i32
    %and3A_2064 = arith.andi %ne3A_2060, %ne3A_2063 : i1
    %sub3A_2065 = arith.constant 1 : i32
    %sub3A_2066 = arith.subi %div3A_2045, %sub3A_2065 : i32
    %select_n3A_2067 = arith.select %and3A_2064, %sub3A_2066, %div3A_2045 : i32
    %jit3A_2068 = arith.constant 2 : i32
    %eq3A_2069 = arith.constant 0 : i32
    %eq3A_2070 = arith.cmpi eq, %jit3A_2068, %eq3A_2069 : i32
    %jit3A_2071 = arith.constant 1 : i32
    %select_n3A_2072 = arith.select %eq3A_2070, %jit3A_2071, %jit3A_2068 : i32
    %rem3A_2073 = arith.remsi %add3A_2043, %select_n3A_2072 : i32
    %ne3A_2074 = arith.constant 0 : i32
    %ne3A_2075 = arith.cmpi ne, %rem3A_2073, %ne3A_2074 : i32
    %lt3A_2076 = arith.constant 0 : i32
    %lt3A_2077 = arith.cmpi slt, %rem3A_2073, %lt3A_2076 : i32
    %lt3A_2078 = arith.constant 0 : i32
    %lt3A_2079 = arith.cmpi slt, %select_n3A_2072, %lt3A_2078 : i32
    %ne3A_2080 = arith.xori %lt3A_2077, %lt3A_2079 : i1
    %and3A_2081 = arith.andi %ne3A_2080, %ne3A_2075 : i1
    %add3A_2082 = arith.addi %rem3A_2073, %select_n3A_2072 : i32
    %select_n3A_2083 = arith.select %and3A_2081, %add3A_2082, %rem3A_2073 : i32
    %jit3A_2084 = arith.constant 72 : i32
    %div3A_2085 = arith.divsi %select_n3A_2067, %jit3A_2084 : i32
    %sign3A_2086 = arith.constant 0 : i32
    %sign3A_2087 = arith.cmpi sgt, %select_n3A_2067, %sign3A_2086 : i32
    %sign3A_2088 = arith.extui %sign3A_2087 : i1 to i32
    %sign3A_2089 = arith.constant 0 : i32
    %sign3A_2090 = arith.cmpi slt, %select_n3A_2067, %sign3A_2089 : i32
    %sign3A_2091 = arith.extui %sign3A_2090 : i1 to i32
    %sign3A_2092 = arith.subi %sign3A_2088, %sign3A_2091 : i32
    %sign3A_2093 = arith.constant 0 : i32
    %sign3A_2094 = arith.cmpi sgt, %jit3A_2084, %sign3A_2093 : i32
    %sign3A_2095 = arith.extui %sign3A_2094 : i1 to i32
    %sign3A_2096 = arith.constant 0 : i32
    %sign3A_2097 = arith.cmpi slt, %jit3A_2084, %sign3A_2096 : i32
    %sign3A_2098 = arith.extui %sign3A_2097 : i1 to i32
    %sign3A_2099 = arith.subi %sign3A_2095, %sign3A_2098 : i32
    %ne3A_2100 = arith.cmpi ne, %sign3A_2092, %sign3A_2099 : i32
    %rem3A_2101 = arith.remsi %select_n3A_2067, %jit3A_2084 : i32
    %ne3A_2102 = arith.constant 0 : i32
    %ne3A_2103 = arith.cmpi ne, %rem3A_2101, %ne3A_2102 : i32
    %and3A_2104 = arith.andi %ne3A_2100, %ne3A_2103 : i1
    %sub3A_2105 = arith.constant 1 : i32
    %sub3A_2106 = arith.subi %div3A_2085, %sub3A_2105 : i32
    %select_n3A_2107 = arith.select %and3A_2104, %sub3A_2106, %div3A_2085 : i32
    %jit3A_2108 = arith.constant 8 : i32
    %div3A_2109 = arith.divsi %select_n3A_2067, %jit3A_2108 : i32
    %sign3A_2110 = arith.constant 0 : i32
    %sign3A_2111 = arith.cmpi sgt, %select_n3A_2067, %sign3A_2110 : i32
    %sign3A_2112 = arith.extui %sign3A_2111 : i1 to i32
    %sign3A_2113 = arith.constant 0 : i32
    %sign3A_2114 = arith.cmpi slt, %select_n3A_2067, %sign3A_2113 : i32
    %sign3A_2115 = arith.extui %sign3A_2114 : i1 to i32
    %sign3A_2116 = arith.subi %sign3A_2112, %sign3A_2115 : i32
    %sign3A_2117 = arith.constant 0 : i32
    %sign3A_2118 = arith.cmpi sgt, %jit3A_2108, %sign3A_2117 : i32
    %sign3A_2119 = arith.extui %sign3A_2118 : i1 to i32
    %sign3A_2120 = arith.constant 0 : i32
    %sign3A_2121 = arith.cmpi slt, %jit3A_2108, %sign3A_2120 : i32
    %sign3A_2122 = arith.extui %sign3A_2121 : i1 to i32
    %sign3A_2123 = arith.subi %sign3A_2119, %sign3A_2122 : i32
    %ne3A_2124 = arith.cmpi ne, %sign3A_2116, %sign3A_2123 : i32
    %rem3A_2125 = arith.remsi %select_n3A_2067, %jit3A_2108 : i32
    %ne3A_2126 = arith.constant 0 : i32
    %ne3A_2127 = arith.cmpi ne, %rem3A_2125, %ne3A_2126 : i32
    %and3A_2128 = arith.andi %ne3A_2124, %ne3A_2127 : i1
    %sub3A_2129 = arith.constant 1 : i32
    %sub3A_2130 = arith.subi %div3A_2109, %sub3A_2129 : i32
    %select_n3A_2131 = arith.select %and3A_2128, %sub3A_2130, %div3A_2109 : i32
    %jit3A_2132 = arith.constant 9 : i32
    %eq3A_2133 = arith.constant 0 : i32
    %eq3A_2134 = arith.cmpi eq, %jit3A_2132, %eq3A_2133 : i32
    %jit3A_2135 = arith.constant 1 : i32
    %select_n3A_2136 = arith.select %eq3A_2134, %jit3A_2135, %jit3A_2132 : i32
    %rem3A_2137 = arith.remsi %select_n3A_2131, %select_n3A_2136 : i32
    %ne3A_2138 = arith.constant 0 : i32
    %ne3A_2139 = arith.cmpi ne, %rem3A_2137, %ne3A_2138 : i32
    %lt3A_2140 = arith.constant 0 : i32
    %lt3A_2141 = arith.cmpi slt, %rem3A_2137, %lt3A_2140 : i32
    %lt3A_2142 = arith.constant 0 : i32
    %lt3A_2143 = arith.cmpi slt, %select_n3A_2136, %lt3A_2142 : i32
    %ne3A_2144 = arith.xori %lt3A_2141, %lt3A_2143 : i1
    %and3A_2145 = arith.andi %ne3A_2144, %ne3A_2139 : i1
    %add3A_2146 = arith.addi %rem3A_2137, %select_n3A_2136 : i32
    %select_n3A_2147 = arith.select %and3A_2145, %add3A_2146, %rem3A_2137 : i32
    %jit3A_2148 = arith.constant 8 : i32
    %eq3A_2149 = arith.constant 0 : i32
    %eq3A_2150 = arith.cmpi eq, %jit3A_2148, %eq3A_2149 : i32
    %jit3A_2151 = arith.constant 1 : i32
    %select_n3A_2152 = arith.select %eq3A_2150, %jit3A_2151, %jit3A_2148 : i32
    %rem3A_2153 = arith.remsi %select_n3A_2067, %select_n3A_2152 : i32
    %ne3A_2154 = arith.constant 0 : i32
    %ne3A_2155 = arith.cmpi ne, %rem3A_2153, %ne3A_2154 : i32
    %lt3A_2156 = arith.constant 0 : i32
    %lt3A_2157 = arith.cmpi slt, %rem3A_2153, %lt3A_2156 : i32
    %lt3A_2158 = arith.constant 0 : i32
    %lt3A_2159 = arith.cmpi slt, %select_n3A_2152, %lt3A_2158 : i32
    %ne3A_2160 = arith.xori %lt3A_2157, %lt3A_2159 : i1
    %and3A_2161 = arith.andi %ne3A_2160, %ne3A_2155 : i1
    %add3A_2162 = arith.addi %rem3A_2153, %select_n3A_2152 : i32
    %select_n3A_2163 = arith.select %and3A_2161, %add3A_2162, %rem3A_2153 : i32
    %mul3A_2164 = arith.constant 5000 : i32
    %mul3A_2165 = arith.muli %select_n3A_2083, %mul3A_2164 : i32
    %dma_start3A_2166 = arith.constant 0 : i32
    %dma_start3A_2167 = tpu.memref_slice %arg3[%select_n3A_2107, %select_n3A_2147, %select_n3A_2163, %mul3A_2165] : memref<2x9x8x10000xi32, #tpu.memory_space<hbm>> -> memref<1x1x1x5000xi32, #tpu.memory_space<hbm>>
    %dma_start3A_2168 = tpu.memref_squeeze %dma_start3A_2167 : memref<1x1x1x5000xi32, #tpu.memory_space<hbm>> -> memref<5000xi32, #tpu.memory_space<hbm>>
    %dma_start3A_2169 = tpu.memref_slice %arg11[%dma_start3A_2166] : memref<6x!tpu.dma_semaphore, #tpu.memory_space<semaphore_mem>> -> memref<1x!tpu.dma_semaphore, #tpu.memory_space<semaphore_mem>>
    %dma_start3A_2170 = tpu.memref_squeeze %dma_start3A_2169 : memref<1x!tpu.dma_semaphore, #tpu.memory_space<semaphore_mem>> -> memref<!tpu.dma_semaphore, #tpu.memory_space<semaphore_mem>>
    %dma_start3A_2171 = tpu.memref_slice %arg3[%select_n3A_2107, %select_n3A_2147, %select_n3A_2163, %mul3A_2165] : memref<2x9x8x10000xi32, #tpu.memory_space<hbm>> -> memref<1x1x1x5000xi32, #tpu.memory_space<hbm>>
    %dma_start3A_2172 = tpu.memref_squeeze %dma_start3A_2171 : memref<1x1x1x5000xi32, #tpu.memory_space<hbm>> -> memref<5000xi32, #tpu.memory_space<hbm>>
    tpu.enqueue_dma source(%arg4 : memref<5000xi32, #tpu.memory_space<vmem>>) target(%dma_start3A_2172 : memref<5000xi32, #tpu.memory_space<hbm>>) target_semaphore(%dma_start3A_2170 : memref<!tpu.dma_semaphore, #tpu.memory_space<semaphore_mem>>)
    %dma_wait3A_2173 = arith.constant 1 : i32
    %dma_wait3A_2174 = tpu.memref_slice %arg2[%select_n3A_1551, %mul3A_1611, %select_n3A_1607, %mul3A_1609] : memref<2x18x8x10000xi32, #tpu.memory_space<hbm>> -> memref<1x1x1x5000xi32, #tpu.memory_space<hbm>>
    %dma_wait3A_2175 = tpu.memref_squeeze %dma_wait3A_2174 : memref<1x1x1x5000xi32, #tpu.memory_space<hbm>> -> memref<5000xi32, #tpu.memory_space<hbm>>
    %dma_wait3A_2176 = tpu.memref_slice %arg10[%dma_wait3A_2173] : memref<6x!tpu.dma_semaphore, #tpu.memory_space<semaphore_mem>> -> memref<1x!tpu.dma_semaphore, #tpu.memory_space<semaphore_mem>>
    %dma_wait3A_2177 = tpu.memref_squeeze %dma_wait3A_2176 : memref<1x!tpu.dma_semaphore, #tpu.memory_space<semaphore_mem>> -> memref<!tpu.dma_semaphore, #tpu.memory_space<semaphore_mem>>
    %dma_wait3A_2178 = tpu.memref_slice %arg2[%select_n3A_1551, %mul3A_1611, %select_n3A_1607, %mul3A_1609] : memref<2x18x8x10000xi32, #tpu.memory_space<hbm>> -> memref<1x1x1x5000xi32, #tpu.memory_space<hbm>>
    %dma_wait3A_2179 = tpu.memref_squeeze %dma_wait3A_2178 : memref<1x1x1x5000xi32, #tpu.memory_space<hbm>> -> memref<5000xi32, #tpu.memory_space<hbm>>
    tpu.wait_dma2 semaphore(%dma_wait3A_2177 : memref<!tpu.dma_semaphore, #tpu.memory_space<semaphore_mem>>) src(%dma_wait3A_2179 : memref<5000xi32, #tpu.memory_space<hbm>>) dst(%arg5 : memref<5000xi32, #tpu.memory_space<vmem>>)
    %add3A_2180 = arith.constant 224 : i32
    %add3A_2181 = arith.addi %add3A, %add3A_2180 : i32
    %jit3A_2182 = arith.constant 2 : i32
    %div3A_2183 = arith.divsi %add3A_2181, %jit3A_2182 : i32
    %sign3A_2184 = arith.constant 0 : i32
    %sign3A_2185 = arith.cmpi sgt, %add3A_2181, %sign3A_2184 : i32
    %sign3A_2186 = arith.extui %sign3A_2185 : i1 to i32
    %sign3A_2187 = arith.constant 0 : i32
    %sign3A_2188 = arith.cmpi slt, %add3A_2181, %sign3A_2187 : i32
    %sign3A_2189 = arith.extui %sign3A_2188 : i1 to i32
    %sign3A_2190 = arith.subi %sign3A_2186, %sign3A_2189 : i32
    %sign3A_2191 = arith.constant 0 : i32
    %sign3A_2192 = arith.cmpi sgt, %jit3A_2182, %sign3A_2191 : i32
    %sign3A_2193 = arith.extui %sign3A_2192 : i1 to i32
    %sign3A_2194 = arith.constant 0 : i32
    %sign3A_2195 = arith.cmpi slt, %jit3A_2182, %sign3A_2194 : i32
    %sign3A_2196 = arith.extui %sign3A_2195 : i1 to i32
    %sign3A_2197 = arith.subi %sign3A_2193, %sign3A_2196 : i32
    %ne3A_2198 = arith.cmpi ne, %sign3A_2190, %sign3A_2197 : i32
    %rem3A_2199 = arith.remsi %add3A_2181, %jit3A_2182 : i32
    %ne3A_2200 = arith.constant 0 : i32
    %ne3A_2201 = arith.cmpi ne, %rem3A_2199, %ne3A_2200 : i32
    %and3A_2202 = arith.andi %ne3A_2198, %ne3A_2201 : i1
    %sub3A_2203 = arith.constant 1 : i32
    %sub3A_2204 = arith.subi %div3A_2183, %sub3A_2203 : i32
    %select_n3A_2205 = arith.select %and3A_2202, %sub3A_2204, %div3A_2183 : i32
    %jit3A_2206 = arith.constant 2 : i32
    %eq3A_2207 = arith.constant 0 : i32
    %eq3A_2208 = arith.cmpi eq, %jit3A_2206, %eq3A_2207 : i32
    %jit3A_2209 = arith.constant 1 : i32
    %select_n3A_2210 = arith.select %eq3A_2208, %jit3A_2209, %jit3A_2206 : i32
    %rem3A_2211 = arith.remsi %add3A_2181, %select_n3A_2210 : i32
    %ne3A_2212 = arith.constant 0 : i32
    %ne3A_2213 = arith.cmpi ne, %rem3A_2211, %ne3A_2212 : i32
    %lt3A_2214 = arith.constant 0 : i32
    %lt3A_2215 = arith.cmpi slt, %rem3A_2211, %lt3A_2214 : i32
    %lt3A_2216 = arith.constant 0 : i32
    %lt3A_2217 = arith.cmpi slt, %select_n3A_2210, %lt3A_2216 : i32
    %ne3A_2218 = arith.xori %lt3A_2215, %lt3A_2217 : i1
    %and3A_2219 = arith.andi %ne3A_2218, %ne3A_2213 : i1
    %add3A_2220 = arith.addi %rem3A_2211, %select_n3A_2210 : i32
    %select_n3A_2221 = arith.select %and3A_2219, %add3A_2220, %rem3A_2211 : i32
    %jit3A_2222 = arith.constant 72 : i32
    %div3A_2223 = arith.divsi %select_n3A_2205, %jit3A_2222 : i32
    %sign3A_2224 = arith.constant 0 : i32
    %sign3A_2225 = arith.cmpi sgt, %select_n3A_2205, %sign3A_2224 : i32
    %sign3A_2226 = arith.extui %sign3A_2225 : i1 to i32
    %sign3A_2227 = arith.constant 0 : i32
    %sign3A_2228 = arith.cmpi slt, %select_n3A_2205, %sign3A_2227 : i32
    %sign3A_2229 = arith.extui %sign3A_2228 : i1 to i32
    %sign3A_2230 = arith.subi %sign3A_2226, %sign3A_2229 : i32
    %sign3A_2231 = arith.constant 0 : i32
    %sign3A_2232 = arith.cmpi sgt, %jit3A_2222, %sign3A_2231 : i32
    %sign3A_2233 = arith.extui %sign3A_2232 : i1 to i32
    %sign3A_2234 = arith.constant 0 : i32
    %sign3A_2235 = arith.cmpi slt, %jit3A_2222, %sign3A_2234 : i32
    %sign3A_2236 = arith.extui %sign3A_2235 : i1 to i32
    %sign3A_2237 = arith.subi %sign3A_2233, %sign3A_2236 : i32
    %ne3A_2238 = arith.cmpi ne, %sign3A_2230, %sign3A_2237 : i32
    %rem3A_2239 = arith.remsi %select_n3A_2205, %jit3A_2222 : i32
    %ne3A_2240 = arith.constant 0 : i32
    %ne3A_2241 = arith.cmpi ne, %rem3A_2239, %ne3A_2240 : i32
    %and3A_2242 = arith.andi %ne3A_2238, %ne3A_2241 : i1
    %sub3A_2243 = arith.constant 1 : i32
    %sub3A_2244 = arith.subi %div3A_2223, %sub3A_2243 : i32
    %select_n3A_2245 = arith.select %and3A_2242, %sub3A_2244, %div3A_2223 : i32
    %jit3A_2246 = arith.constant 8 : i32
    %div3A_2247 = arith.divsi %select_n3A_2205, %jit3A_2246 : i32
    %sign3A_2248 = arith.constant 0 : i32
    %sign3A_2249 = arith.cmpi sgt, %select_n3A_2205, %sign3A_2248 : i32
    %sign3A_2250 = arith.extui %sign3A_2249 : i1 to i32
    %sign3A_2251 = arith.constant 0 : i32
    %sign3A_2252 = arith.cmpi slt, %select_n3A_2205, %sign3A_2251 : i32
    %sign3A_2253 = arith.extui %sign3A_2252 : i1 to i32
    %sign3A_2254 = arith.subi %sign3A_2250, %sign3A_2253 : i32
    %sign3A_2255 = arith.constant 0 : i32
    %sign3A_2256 = arith.cmpi sgt, %jit3A_2246, %sign3A_2255 : i32
    %sign3A_2257 = arith.extui %sign3A_2256 : i1 to i32
    %sign3A_2258 = arith.constant 0 : i32
    %sign3A_2259 = arith.cmpi slt, %jit3A_2246, %sign3A_2258 : i32
    %sign3A_2260 = arith.extui %sign3A_2259 : i1 to i32
    %sign3A_2261 = arith.subi %sign3A_2257, %sign3A_2260 : i32
    %ne3A_2262 = arith.cmpi ne, %sign3A_2254, %sign3A_2261 : i32
    %rem3A_2263 = arith.remsi %select_n3A_2205, %jit3A_2246 : i32
    %ne3A_2264 = arith.constant 0 : i32
    %ne3A_2265 = arith.cmpi ne, %rem3A_2263, %ne3A_2264 : i32
    %and3A_2266 = arith.andi %ne3A_2262, %ne3A_2265 : i1
    %sub3A_2267 = arith.constant 1 : i32
    %sub3A_2268 = arith.subi %div3A_2247, %sub3A_2267 : i32
    %select_n3A_2269 = arith.select %and3A_2266, %sub3A_2268, %div3A_2247 : i32
    %jit3A_2270 = arith.constant 9 : i32
    %eq3A_2271 = arith.constant 0 : i32
    %eq3A_2272 = arith.cmpi eq, %jit3A_2270, %eq3A_2271 : i32
    %jit3A_2273 = arith.constant 1 : i32
    %select_n3A_2274 = arith.select %eq3A_2272, %jit3A_2273, %jit3A_2270 : i32
    %rem3A_2275 = arith.remsi %select_n3A_2269, %select_n3A_2274 : i32
    %ne3A_2276 = arith.constant 0 : i32
    %ne3A_2277 = arith.cmpi ne, %rem3A_2275, %ne3A_2276 : i32
    %lt3A_2278 = arith.constant 0 : i32
    %lt3A_2279 = arith.cmpi slt, %rem3A_2275, %lt3A_2278 : i32
    %lt3A_2280 = arith.constant 0 : i32
    %lt3A_2281 = arith.cmpi slt, %select_n3A_2274, %lt3A_2280 : i32
    %ne3A_2282 = arith.xori %lt3A_2279, %lt3A_2281 : i1
    %and3A_2283 = arith.andi %ne3A_2282, %ne3A_2277 : i1
    %add3A_2284 = arith.addi %rem3A_2275, %select_n3A_2274 : i32
    %select_n3A_2285 = arith.select %and3A_2283, %add3A_2284, %rem3A_2275 : i32
    %jit3A_2286 = arith.constant 8 : i32
    %eq3A_2287 = arith.constant 0 : i32
    %eq3A_2288 = arith.cmpi eq, %jit3A_2286, %eq3A_2287 : i32
    %jit3A_2289 = arith.constant 1 : i32
    %select_n3A_2290 = arith.select %eq3A_2288, %jit3A_2289, %jit3A_2286 : i32
    %rem3A_2291 = arith.remsi %select_n3A_2205, %select_n3A_2290 : i32
    %ne3A_2292 = arith.constant 0 : i32
    %ne3A_2293 = arith.cmpi ne, %rem3A_2291, %ne3A_2292 : i32
    %lt3A_2294 = arith.constant 0 : i32
    %lt3A_2295 = arith.cmpi slt, %rem3A_2291, %lt3A_2294 : i32
    %lt3A_2296 = arith.constant 0 : i32
    %lt3A_2297 = arith.cmpi slt, %select_n3A_2290, %lt3A_2296 : i32
    %ne3A_2298 = arith.xori %lt3A_2295, %lt3A_2297 : i1
    %and3A_2299 = arith.andi %ne3A_2298, %ne3A_2293 : i1
    %add3A_2300 = arith.addi %rem3A_2291, %select_n3A_2290 : i32
    %select_n3A_2301 = arith.select %and3A_2299, %add3A_2300, %rem3A_2291 : i32
    %mul3A_2302 = arith.constant 5000 : i32
    %mul3A_2303 = arith.muli %select_n3A_2221, %mul3A_2302 : i32
    %dma_start3A_2304 = arith.constant 1 : i32
    %dma_start3A_2305 = tpu.memref_slice %arg3[%select_n3A_2245, %select_n3A_2285, %select_n3A_2301, %mul3A_2303] : memref<2x9x8x10000xi32, #tpu.memory_space<hbm>> -> memref<1x1x1x5000xi32, #tpu.memory_space<hbm>>
    %dma_start3A_2306 = tpu.memref_squeeze %dma_start3A_2305 : memref<1x1x1x5000xi32, #tpu.memory_space<hbm>> -> memref<5000xi32, #tpu.memory_space<hbm>>
    %dma_start3A_2307 = tpu.memref_slice %arg11[%dma_start3A_2304] : memref<6x!tpu.dma_semaphore, #tpu.memory_space<semaphore_mem>> -> memref<1x!tpu.dma_semaphore, #tpu.memory_space<semaphore_mem>>
    %dma_start3A_2308 = tpu.memref_squeeze %dma_start3A_2307 : memref<1x!tpu.dma_semaphore, #tpu.memory_space<semaphore_mem>> -> memref<!tpu.dma_semaphore, #tpu.memory_space<semaphore_mem>>
    %dma_start3A_2309 = tpu.memref_slice %arg3[%select_n3A_2245, %select_n3A_2285, %select_n3A_2301, %mul3A_2303] : memref<2x9x8x10000xi32, #tpu.memory_space<hbm>> -> memref<1x1x1x5000xi32, #tpu.memory_space<hbm>>
    %dma_start3A_2310 = tpu.memref_squeeze %dma_start3A_2309 : memref<1x1x1x5000xi32, #tpu.memory_space<hbm>> -> memref<5000xi32, #tpu.memory_space<hbm>>
    tpu.enqueue_dma source(%arg5 : memref<5000xi32, #tpu.memory_space<vmem>>) target(%dma_start3A_2310 : memref<5000xi32, #tpu.memory_space<hbm>>) target_semaphore(%dma_start3A_2308 : memref<!tpu.dma_semaphore, #tpu.memory_space<semaphore_mem>>)
    %dma_wait3A_2311 = arith.constant 2 : i32
    %dma_wait3A_2312 = tpu.memref_slice %arg2[%select_n3A_1829, %mul3A_1889, %select_n3A_1885, %mul3A_1887] : memref<2x18x8x10000xi32, #tpu.memory_space<hbm>> -> memref<1x1x1x5000xi32, #tpu.memory_space<hbm>>
    %dma_wait3A_2313 = tpu.memref_squeeze %dma_wait3A_2312 : memref<1x1x1x5000xi32, #tpu.memory_space<hbm>> -> memref<5000xi32, #tpu.memory_space<hbm>>
    %dma_wait3A_2314 = tpu.memref_slice %arg10[%dma_wait3A_2311] : memref<6x!tpu.dma_semaphore, #tpu.memory_space<semaphore_mem>> -> memref<1x!tpu.dma_semaphore, #tpu.memory_space<semaphore_mem>>
    %dma_wait3A_2315 = tpu.memref_squeeze %dma_wait3A_2314 : memref<1x!tpu.dma_semaphore, #tpu.memory_space<semaphore_mem>> -> memref<!tpu.dma_semaphore, #tpu.memory_space<semaphore_mem>>
    %dma_wait3A_2316 = tpu.memref_slice %arg2[%select_n3A_1829, %mul3A_1889, %select_n3A_1885, %mul3A_1887] : memref<2x18x8x10000xi32, #tpu.memory_space<hbm>> -> memref<1x1x1x5000xi32, #tpu.memory_space<hbm>>
    %dma_wait3A_2317 = tpu.memref_squeeze %dma_wait3A_2316 : memref<1x1x1x5000xi32, #tpu.memory_space<hbm>> -> memref<5000xi32, #tpu.memory_space<hbm>>
    tpu.wait_dma2 semaphore(%dma_wait3A_2315 : memref<!tpu.dma_semaphore, #tpu.memory_space<semaphore_mem>>) src(%dma_wait3A_2317 : memref<5000xi32, #tpu.memory_space<hbm>>) dst(%arg6 : memref<5000xi32, #tpu.memory_space<vmem>>)
    %add3A_2318 = arith.constant 256 : i32
    %add3A_2319 = arith.addi %add3A, %add3A_2318 : i32
    %jit3A_2320 = arith.constant 2 : i32
    %div3A_2321 = arith.divsi %add3A_2319, %jit3A_2320 : i32
    %sign3A_2322 = arith.constant 0 : i32
    %sign3A_2323 = arith.cmpi sgt, %add3A_2319, %sign3A_2322 : i32
    %sign3A_2324 = arith.extui %sign3A_2323 : i1 to i32
    %sign3A_2325 = arith.constant 0 : i32
    %sign3A_2326 = arith.cmpi slt, %add3A_2319, %sign3A_2325 : i32
    %sign3A_2327 = arith.extui %sign3A_2326 : i1 to i32
    %sign3A_2328 = arith.subi %sign3A_2324, %sign3A_2327 : i32
    %sign3A_2329 = arith.constant 0 : i32
    %sign3A_2330 = arith.cmpi sgt, %jit3A_2320, %sign3A_2329 : i32
    %sign3A_2331 = arith.extui %sign3A_2330 : i1 to i32
    %sign3A_2332 = arith.constant 0 : i32
    %sign3A_2333 = arith.cmpi slt, %jit3A_2320, %sign3A_2332 : i32
    %sign3A_2334 = arith.extui %sign3A_2333 : i1 to i32
    %sign3A_2335 = arith.subi %sign3A_2331, %sign3A_2334 : i32
    %ne3A_2336 = arith.cmpi ne, %sign3A_2328, %sign3A_2335 : i32
    %rem3A_2337 = arith.remsi %add3A_2319, %jit3A_2320 : i32
    %ne3A_2338 = arith.constant 0 : i32
    %ne3A_2339 = arith.cmpi ne, %rem3A_2337, %ne3A_2338 : i32
    %and3A_2340 = arith.andi %ne3A_2336, %ne3A_2339 : i1
    %sub3A_2341 = arith.constant 1 : i32
    %sub3A_2342 = arith.subi %div3A_2321, %sub3A_2341 : i32
    %select_n3A_2343 = arith.select %and3A_2340, %sub3A_2342, %div3A_2321 : i32
    %jit3A_2344 = arith.constant 2 : i32
    %eq3A_2345 = arith.constant 0 : i32
    %eq3A_2346 = arith.cmpi eq, %jit3A_2344, %eq3A_2345 : i32
    %jit3A_2347 = arith.constant 1 : i32
    %select_n3A_2348 = arith.select %eq3A_2346, %jit3A_2347, %jit3A_2344 : i32
    %rem3A_2349 = arith.remsi %add3A_2319, %select_n3A_2348 : i32
    %ne3A_2350 = arith.constant 0 : i32
    %ne3A_2351 = arith.cmpi ne, %rem3A_2349, %ne3A_2350 : i32
    %lt3A_2352 = arith.constant 0 : i32
    %lt3A_2353 = arith.cmpi slt, %rem3A_2349, %lt3A_2352 : i32
    %lt3A_2354 = arith.constant 0 : i32
    %lt3A_2355 = arith.cmpi slt, %select_n3A_2348, %lt3A_2354 : i32
    %ne3A_2356 = arith.xori %lt3A_2353, %lt3A_2355 : i1
    %and3A_2357 = arith.andi %ne3A_2356, %ne3A_2351 : i1
    %add3A_2358 = arith.addi %rem3A_2349, %select_n3A_2348 : i32
    %select_n3A_2359 = arith.select %and3A_2357, %add3A_2358, %rem3A_2349 : i32
    %jit3A_2360 = arith.constant 72 : i32
    %div3A_2361 = arith.divsi %select_n3A_2343, %jit3A_2360 : i32
    %sign3A_2362 = arith.constant 0 : i32
    %sign3A_2363 = arith.cmpi sgt, %select_n3A_2343, %sign3A_2362 : i32
    %sign3A_2364 = arith.extui %sign3A_2363 : i1 to i32
    %sign3A_2365 = arith.constant 0 : i32
    %sign3A_2366 = arith.cmpi slt, %select_n3A_2343, %sign3A_2365 : i32
    %sign3A_2367 = arith.extui %sign3A_2366 : i1 to i32
    %sign3A_2368 = arith.subi %sign3A_2364, %sign3A_2367 : i32
    %sign3A_2369 = arith.constant 0 : i32
    %sign3A_2370 = arith.cmpi sgt, %jit3A_2360, %sign3A_2369 : i32
    %sign3A_2371 = arith.extui %sign3A_2370 : i1 to i32
    %sign3A_2372 = arith.constant 0 : i32
    %sign3A_2373 = arith.cmpi slt, %jit3A_2360, %sign3A_2372 : i32
    %sign3A_2374 = arith.extui %sign3A_2373 : i1 to i32
    %sign3A_2375 = arith.subi %sign3A_2371, %sign3A_2374 : i32
    %ne3A_2376 = arith.cmpi ne, %sign3A_2368, %sign3A_2375 : i32
    %rem3A_2377 = arith.remsi %select_n3A_2343, %jit3A_2360 : i32
    %ne3A_2378 = arith.constant 0 : i32
    %ne3A_2379 = arith.cmpi ne, %rem3A_2377, %ne3A_2378 : i32
    %and3A_2380 = arith.andi %ne3A_2376, %ne3A_2379 : i1
    %sub3A_2381 = arith.constant 1 : i32
    %sub3A_2382 = arith.subi %div3A_2361, %sub3A_2381 : i32
    %select_n3A_2383 = arith.select %and3A_2380, %sub3A_2382, %div3A_2361 : i32
    %jit3A_2384 = arith.constant 8 : i32
    %div3A_2385 = arith.divsi %select_n3A_2343, %jit3A_2384 : i32
    %sign3A_2386 = arith.constant 0 : i32
    %sign3A_2387 = arith.cmpi sgt, %select_n3A_2343, %sign3A_2386 : i32
    %sign3A_2388 = arith.extui %sign3A_2387 : i1 to i32
    %sign3A_2389 = arith.constant 0 : i32
    %sign3A_2390 = arith.cmpi slt, %select_n3A_2343, %sign3A_2389 : i32
    %sign3A_2391 = arith.extui %sign3A_2390 : i1 to i32
    %sign3A_2392 = arith.subi %sign3A_2388, %sign3A_2391 : i32
    %sign3A_2393 = arith.constant 0 : i32
    %sign3A_2394 = arith.cmpi sgt, %jit3A_2384, %sign3A_2393 : i32
    %sign3A_2395 = arith.extui %sign3A_2394 : i1 to i32
    %sign3A_2396 = arith.constant 0 : i32
    %sign3A_2397 = arith.cmpi slt, %jit3A_2384, %sign3A_2396 : i32
    %sign3A_2398 = arith.extui %sign3A_2397 : i1 to i32
    %sign3A_2399 = arith.subi %sign3A_2395, %sign3A_2398 : i32
    %ne3A_2400 = arith.cmpi ne, %sign3A_2392, %sign3A_2399 : i32
    %rem3A_2401 = arith.remsi %select_n3A_2343, %jit3A_2384 : i32
    %ne3A_2402 = arith.constant 0 : i32
    %ne3A_2403 = arith.cmpi ne, %rem3A_2401, %ne3A_2402 : i32
    %and3A_2404 = arith.andi %ne3A_2400, %ne3A_2403 : i1
    %sub3A_2405 = arith.constant 1 : i32
    %sub3A_2406 = arith.subi %div3A_2385, %sub3A_2405 : i32
    %select_n3A_2407 = arith.select %and3A_2404, %sub3A_2406, %div3A_2385 : i32
    %jit3A_2408 = arith.constant 9 : i32
    %eq3A_2409 = arith.constant 0 : i32
    %eq3A_2410 = arith.cmpi eq, %jit3A_2408, %eq3A_2409 : i32
    %jit3A_2411 = arith.constant 1 : i32
    %select_n3A_2412 = arith.select %eq3A_2410, %jit3A_2411, %jit3A_2408 : i32
    %rem3A_2413 = arith.remsi %select_n3A_2407, %select_n3A_2412 : i32
    %ne3A_2414 = arith.constant 0 : i32
    %ne3A_2415 = arith.cmpi ne, %rem3A_2413, %ne3A_2414 : i32
    %lt3A_2416 = arith.constant 0 : i32
    %lt3A_2417 = arith.cmpi slt, %rem3A_2413, %lt3A_2416 : i32
    %lt3A_2418 = arith.constant 0 : i32
    %lt3A_2419 = arith.cmpi slt, %select_n3A_2412, %lt3A_2418 : i32
    %ne3A_2420 = arith.xori %lt3A_2417, %lt3A_2419 : i1
    %and3A_2421 = arith.andi %ne3A_2420, %ne3A_2415 : i1
    %add3A_2422 = arith.addi %rem3A_2413, %select_n3A_2412 : i32
    %select_n3A_2423 = arith.select %and3A_2421, %add3A_2422, %rem3A_2413 : i32
    %jit3A_2424 = arith.constant 8 : i32
    %eq3A_2425 = arith.constant 0 : i32
    %eq3A_2426 = arith.cmpi eq, %jit3A_2424, %eq3A_2425 : i32
    %jit3A_2427 = arith.constant 1 : i32
    %select_n3A_2428 = arith.select %eq3A_2426, %jit3A_2427, %jit3A_2424 : i32
    %rem3A_2429 = arith.remsi %select_n3A_2343, %select_n3A_2428 : i32
    %ne3A_2430 = arith.constant 0 : i32
    %ne3A_2431 = arith.cmpi ne, %rem3A_2429, %ne3A_2430 : i32
    %lt3A_2432 = arith.constant 0 : i32
    %lt3A_2433 = arith.cmpi slt, %rem3A_2429, %lt3A_2432 : i32
    %lt3A_2434 = arith.constant 0 : i32
    %lt3A_2435 = arith.cmpi slt, %select_n3A_2428, %lt3A_2434 : i32
    %ne3A_2436 = arith.xori %lt3A_2433, %lt3A_2435 : i1
    %and3A_2437 = arith.andi %ne3A_2436, %ne3A_2431 : i1
    %add3A_2438 = arith.addi %rem3A_2429, %select_n3A_2428 : i32
    %select_n3A_2439 = arith.select %and3A_2437, %add3A_2438, %rem3A_2429 : i32
    %mul3A_2440 = arith.constant 5000 : i32
    %mul3A_2441 = arith.muli %select_n3A_2359, %mul3A_2440 : i32
    %dma_start3A_2442 = arith.constant 2 : i32
    %dma_start3A_2443 = tpu.memref_slice %arg3[%select_n3A_2383, %select_n3A_2423, %select_n3A_2439, %mul3A_2441] : memref<2x9x8x10000xi32, #tpu.memory_space<hbm>> -> memref<1x1x1x5000xi32, #tpu.memory_space<hbm>>
    %dma_start3A_2444 = tpu.memref_squeeze %dma_start3A_2443 : memref<1x1x1x5000xi32, #tpu.memory_space<hbm>> -> memref<5000xi32, #tpu.memory_space<hbm>>
    %dma_start3A_2445 = tpu.memref_slice %arg11[%dma_start3A_2442] : memref<6x!tpu.dma_semaphore, #tpu.memory_space<semaphore_mem>> -> memref<1x!tpu.dma_semaphore, #tpu.memory_space<semaphore_mem>>
    %dma_start3A_2446 = tpu.memref_squeeze %dma_start3A_2445 : memref<1x!tpu.dma_semaphore, #tpu.memory_space<semaphore_mem>> -> memref<!tpu.dma_semaphore, #tpu.memory_space<semaphore_mem>>
    %dma_start3A_2447 = tpu.memref_slice %arg3[%select_n3A_2383, %select_n3A_2423, %select_n3A_2439, %mul3A_2441] : memref<2x9x8x10000xi32, #tpu.memory_space<hbm>> -> memref<1x1x1x5000xi32, #tpu.memory_space<hbm>>
    %dma_start3A_2448 = tpu.memref_squeeze %dma_start3A_2447 : memref<1x1x1x5000xi32, #tpu.memory_space<hbm>> -> memref<5000xi32, #tpu.memory_space<hbm>>
    tpu.enqueue_dma source(%arg6 : memref<5000xi32, #tpu.memory_space<vmem>>) target(%dma_start3A_2448 : memref<5000xi32, #tpu.memory_space<hbm>>) target_semaphore(%dma_start3A_2446 : memref<!tpu.dma_semaphore, #tpu.memory_space<semaphore_mem>>)
    %dma_wait3A_2449 = arith.constant 3 : i32
    %dma_wait3A_2450 = tpu.memref_slice %arg3[%select_n3A_1413, %select_n3A_1453, %select_n3A_1469, %mul3A_1471] : memref<2x9x8x10000xi32, #tpu.memory_space<hbm>> -> memref<1x1x1x5000xi32, #tpu.memory_space<hbm>>
    %dma_wait3A_2451 = tpu.memref_squeeze %dma_wait3A_2450 : memref<1x1x1x5000xi32, #tpu.memory_space<hbm>> -> memref<5000xi32, #tpu.memory_space<hbm>>
    %dma_wait3A_2452 = tpu.memref_slice %arg11[%dma_wait3A_2449] : memref<6x!tpu.dma_semaphore, #tpu.memory_space<semaphore_mem>> -> memref<1x!tpu.dma_semaphore, #tpu.memory_space<semaphore_mem>>
    %dma_wait3A_2453 = tpu.memref_squeeze %dma_wait3A_2452 : memref<1x!tpu.dma_semaphore, #tpu.memory_space<semaphore_mem>> -> memref<!tpu.dma_semaphore, #tpu.memory_space<semaphore_mem>>
    %dma_wait3A_2454 = tpu.memref_slice %arg3[%select_n3A_1413, %select_n3A_1453, %select_n3A_1469, %mul3A_1471] : memref<2x9x8x10000xi32, #tpu.memory_space<hbm>> -> memref<1x1x1x5000xi32, #tpu.memory_space<hbm>>
    %dma_wait3A_2455 = tpu.memref_squeeze %dma_wait3A_2454 : memref<1x1x1x5000xi32, #tpu.memory_space<hbm>> -> memref<5000xi32, #tpu.memory_space<hbm>>
    tpu.wait_dma2 semaphore(%dma_wait3A_2453 : memref<!tpu.dma_semaphore, #tpu.memory_space<semaphore_mem>>) src(%arg7 : memref<5000xi32, #tpu.memory_space<vmem>>) dst(%dma_wait3A_2455 : memref<5000xi32, #tpu.memory_space<hbm>>)
    %dma_wait3A_2456 = arith.constant 4 : i32
    %dma_wait3A_2457 = tpu.memref_slice %arg3[%select_n3A_1691, %select_n3A_1731, %select_n3A_1747, %mul3A_1749] : memref<2x9x8x10000xi32, #tpu.memory_space<hbm>> -> memref<1x1x1x5000xi32, #tpu.memory_space<hbm>>
    %dma_wait3A_2458 = tpu.memref_squeeze %dma_wait3A_2457 : memref<1x1x1x5000xi32, #tpu.memory_space<hbm>> -> memref<5000xi32, #tpu.memory_space<hbm>>
    %dma_wait3A_2459 = tpu.memref_slice %arg11[%dma_wait3A_2456] : memref<6x!tpu.dma_semaphore, #tpu.memory_space<semaphore_mem>> -> memref<1x!tpu.dma_semaphore, #tpu.memory_space<semaphore_mem>>
    %dma_wait3A_2460 = tpu.memref_squeeze %dma_wait3A_2459 : memref<1x!tpu.dma_semaphore, #tpu.memory_space<semaphore_mem>> -> memref<!tpu.dma_semaphore, #tpu.memory_space<semaphore_mem>>
    %dma_wait3A_2461 = tpu.memref_slice %arg3[%select_n3A_1691, %select_n3A_1731, %select_n3A_1747, %mul3A_1749] : memref<2x9x8x10000xi32, #tpu.memory_space<hbm>> -> memref<1x1x1x5000xi32, #tpu.memory_space<hbm>>
    %dma_wait3A_2462 = tpu.memref_squeeze %dma_wait3A_2461 : memref<1x1x1x5000xi32, #tpu.memory_space<hbm>> -> memref<5000xi32, #tpu.memory_space<hbm>>
    tpu.wait_dma2 semaphore(%dma_wait3A_2460 : memref<!tpu.dma_semaphore, #tpu.memory_space<semaphore_mem>>) src(%arg8 : memref<5000xi32, #tpu.memory_space<vmem>>) dst(%dma_wait3A_2462 : memref<5000xi32, #tpu.memory_space<hbm>>)
    %dma_wait3A_2463 = arith.constant 5 : i32
    %dma_wait3A_2464 = tpu.memref_slice %arg3[%select_n3A_1969, %select_n3A_2009, %select_n3A_2025, %mul3A_2027] : memref<2x9x8x10000xi32, #tpu.memory_space<hbm>> -> memref<1x1x1x5000xi32, #tpu.memory_space<hbm>>
    %dma_wait3A_2465 = tpu.memref_squeeze %dma_wait3A_2464 : memref<1x1x1x5000xi32, #tpu.memory_space<hbm>> -> memref<5000xi32, #tpu.memory_space<hbm>>
    %dma_wait3A_2466 = tpu.memref_slice %arg11[%dma_wait3A_2463] : memref<6x!tpu.dma_semaphore, #tpu.memory_space<semaphore_mem>> -> memref<1x!tpu.dma_semaphore, #tpu.memory_space<semaphore_mem>>
    %dma_wait3A_2467 = tpu.memref_squeeze %dma_wait3A_2466 : memref<1x!tpu.dma_semaphore, #tpu.memory_space<semaphore_mem>> -> memref<!tpu.dma_semaphore, #tpu.memory_space<semaphore_mem>>
    %dma_wait3A_2468 = tpu.memref_slice %arg3[%select_n3A_1969, %select_n3A_2009, %select_n3A_2025, %mul3A_2027] : memref<2x9x8x10000xi32, #tpu.memory_space<hbm>> -> memref<1x1x1x5000xi32, #tpu.memory_space<hbm>>
    %dma_wait3A_2469 = tpu.memref_squeeze %dma_wait3A_2468 : memref<1x1x1x5000xi32, #tpu.memory_space<hbm>> -> memref<5000xi32, #tpu.memory_space<hbm>>
    tpu.wait_dma2 semaphore(%dma_wait3A_2467 : memref<!tpu.dma_semaphore, #tpu.memory_space<semaphore_mem>>) src(%arg9 : memref<5000xi32, #tpu.memory_space<vmem>>) dst(%dma_wait3A_2469 : memref<5000xi32, #tpu.memory_space<hbm>>)
    %dma_wait3A_2470 = arith.constant 0 : i32
    %dma_wait3A_2471 = tpu.memref_slice %arg3[%select_n3A_2107, %select_n3A_2147, %select_n3A_2163, %mul3A_2165] : memref<2x9x8x10000xi32, #tpu.memory_space<hbm>> -> memref<1x1x1x5000xi32, #tpu.memory_space<hbm>>
    %dma_wait3A_2472 = tpu.memref_squeeze %dma_wait3A_2471 : memref<1x1x1x5000xi32, #tpu.memory_space<hbm>> -> memref<5000xi32, #tpu.memory_space<hbm>>
    %dma_wait3A_2473 = tpu.memref_slice %arg11[%dma_wait3A_2470] : memref<6x!tpu.dma_semaphore, #tpu.memory_space<semaphore_mem>> -> memref<1x!tpu.dma_semaphore, #tpu.memory_space<semaphore_mem>>
    %dma_wait3A_2474 = tpu.memref_squeeze %dma_wait3A_2473 : memref<1x!tpu.dma_semaphore, #tpu.memory_space<semaphore_mem>> -> memref<!tpu.dma_semaphore, #tpu.memory_space<semaphore_mem>>
    %dma_wait3A_2475 = tpu.memref_slice %arg3[%select_n3A_2107, %select_n3A_2147, %select_n3A_2163, %mul3A_2165] : memref<2x9x8x10000xi32, #tpu.memory_space<hbm>> -> memref<1x1x1x5000xi32, #tpu.memory_space<hbm>>
    %dma_wait3A_2476 = tpu.memref_squeeze %dma_wait3A_2475 : memref<1x1x1x5000xi32, #tpu.memory_space<hbm>> -> memref<5000xi32, #tpu.memory_space<hbm>>
    tpu.wait_dma2 semaphore(%dma_wait3A_2474 : memref<!tpu.dma_semaphore, #tpu.memory_space<semaphore_mem>>) src(%arg4 : memref<5000xi32, #tpu.memory_space<vmem>>) dst(%dma_wait3A_2476 : memref<5000xi32, #tpu.memory_space<hbm>>)
    %dma_wait3A_2477 = arith.constant 1 : i32
    %dma_wait3A_2478 = tpu.memref_slice %arg3[%select_n3A_2245, %select_n3A_2285, %select_n3A_2301, %mul3A_2303] : memref<2x9x8x10000xi32, #tpu.memory_space<hbm>> -> memref<1x1x1x5000xi32, #tpu.memory_space<hbm>>
    %dma_wait3A_2479 = tpu.memref_squeeze %dma_wait3A_2478 : memref<1x1x1x5000xi32, #tpu.memory_space<hbm>> -> memref<5000xi32, #tpu.memory_space<hbm>>
    %dma_wait3A_2480 = tpu.memref_slice %arg11[%dma_wait3A_2477] : memref<6x!tpu.dma_semaphore, #tpu.memory_space<semaphore_mem>> -> memref<1x!tpu.dma_semaphore, #tpu.memory_space<semaphore_mem>>
    %dma_wait3A_2481 = tpu.memref_squeeze %dma_wait3A_2480 : memref<1x!tpu.dma_semaphore, #tpu.memory_space<semaphore_mem>> -> memref<!tpu.dma_semaphore, #tpu.memory_space<semaphore_mem>>
    %dma_wait3A_2482 = tpu.memref_slice %arg3[%select_n3A_2245, %select_n3A_2285, %select_n3A_2301, %mul3A_2303] : memref<2x9x8x10000xi32, #tpu.memory_space<hbm>> -> memref<1x1x1x5000xi32, #tpu.memory_space<hbm>>
    %dma_wait3A_2483 = tpu.memref_squeeze %dma_wait3A_2482 : memref<1x1x1x5000xi32, #tpu.memory_space<hbm>> -> memref<5000xi32, #tpu.memory_space<hbm>>
    tpu.wait_dma2 semaphore(%dma_wait3A_2481 : memref<!tpu.dma_semaphore, #tpu.memory_space<semaphore_mem>>) src(%arg5 : memref<5000xi32, #tpu.memory_space<vmem>>) dst(%dma_wait3A_2483 : memref<5000xi32, #tpu.memory_space<hbm>>)
    %dma_wait3A_2484 = arith.constant 2 : i32
    %dma_wait3A_2485 = tpu.memref_slice %arg3[%select_n3A_2383, %select_n3A_2423, %select_n3A_2439, %mul3A_2441] : memref<2x9x8x10000xi32, #tpu.memory_space<hbm>> -> memref<1x1x1x5000xi32, #tpu.memory_space<hbm>>
    %dma_wait3A_2486 = tpu.memref_squeeze %dma_wait3A_2485 : memref<1x1x1x5000xi32, #tpu.memory_space<hbm>> -> memref<5000xi32, #tpu.memory_space<hbm>>
    %dma_wait3A_2487 = tpu.memref_slice %arg11[%dma_wait3A_2484] : memref<6x!tpu.dma_semaphore, #tpu.memory_space<semaphore_mem>> -> memref<1x!tpu.dma_semaphore, #tpu.memory_space<semaphore_mem>>
    %dma_wait3A_2488 = tpu.memref_squeeze %dma_wait3A_2487 : memref<1x!tpu.dma_semaphore, #tpu.memory_space<semaphore_mem>> -> memref<!tpu.dma_semaphore, #tpu.memory_space<semaphore_mem>>
    %dma_wait3A_2489 = tpu.memref_slice %arg3[%select_n3A_2383, %select_n3A_2423, %select_n3A_2439, %mul3A_2441] : memref<2x9x8x10000xi32, #tpu.memory_space<hbm>> -> memref<1x1x1x5000xi32, #tpu.memory_space<hbm>>
    %dma_wait3A_2490 = tpu.memref_squeeze %dma_wait3A_2489 : memref<1x1x1x5000xi32, #tpu.memory_space<hbm>> -> memref<5000xi32, #tpu.memory_space<hbm>>
    tpu.wait_dma2 semaphore(%dma_wait3A_2488 : memref<!tpu.dma_semaphore, #tpu.memory_space<semaphore_mem>>) src(%arg6 : memref<5000xi32, #tpu.memory_space<vmem>>) dst(%dma_wait3A_2490 : memref<5000xi32, #tpu.memory_space<hbm>>)
    return
  }
}

</mosaic_0001>

<sc_bundles>
// kernel: kernel.3.cloned.1.call-start
scs
__scs_entry_jumppad:
0x0: {  	(pc) =	sbr.rel $0x88, $3  }
0x1: {  	(tag) =	ssettag $0x0;
	lr =	simm.s32 $0x1  }
0x2: {  	[smem:$0x3FA0] =	sst lr;
	_ =	strace $0xD0000000  }
0x3: {  	_ = 	snop  }
0x4: {  	_ = 	snop  }
0x5: {  	_ = 	snop  }
0x6: {  	_ = 	snop  }
0x7: {  	_ = 	snop  }
__scs_overlays_trampoline_lowered:
0x8: {  	[smem:$0x3FAF] =	sst s0  }
0x9: {  	[smem:$0x3FB0] =	sst s1  }
0xa: {  	[smem:$0x3FB1] =	sst s2  }
0xb: {  	[smem:$0x3FB2] =	sst s3  }
0xc: {  	[smem:$0x3FB3] =	sst s4  }
0xd: {  	[smem:$0x3FB4] =	sst s5  }
0xe: {  	[smem:$0x3FB5] =	sst s6  }
0xf: {  	[smem:$0x3FB6] =	sst s7  }
0x10: {  	[smem:$0x3FB7] =	sst s8  }
0x11: {  	[smem:$0x3FB8] =	sst s9;
	s0 =	simm.s32 @!p0 $0x0  }
0x12: {  	s1 =	sld [smem:$0x3F9E];
	s0 =	simm.s32 @p0 $0x1  }
0x13: {  	[smem:$0x3FB9] =	sst s0;
	s0 =	simm.s32 @!p1 $0x0  }
0x14: {  	s2 =	sld [smem:$0x3F9D];
	s0 =	simm.s32 @p1 $0x1  }
0x15: {  	[smem:$0x3FBA] =	sst s0;
	s0 =	simm.s32 @!p2 $0x0  }
0x16: {  	s3 =	sld [smem:$0x3FDB];
	s0 =	simm.s32 @p2 $0x1  }
0x17: {  	s4 =	simm.s32 $0x1BF5;
	[smem:$0x3FBC] =	sst s0  }
0x18: {  	s0 =	sld [smem:$0x3F9F];
	_ =	swait.ge [sflag:s4], $0x0  }
0x19: {  	s7 =	sld [smem:$0x3FA0]  }
0x1a: {  	s8 =	sadd.s32 $0xFFFFE003, lr  }
0x1b: {  	s9 =	sadd.s32 $0xFFFFFEF7, lr;
	s5 =	simm.s32 $0xFFFFFFFF;
	p2 =	slt.u32 s8, $0xFFFFF086  }
0x1c: {  	p1 =	slt.u32 s9, $0xF7A;
	s5 =	simm.s32 @!p2 $0x0  }
0x1d: {  	s5 =	simm.s32 @p1 $0x1;
	p0 =	seq.s32 s7, s2  }
0x1e: {  	s7 =	smul.u32 @!p0 $0xF7A, s2;
	p2 =	seq.s32 @!p0 s5, $0x0  }
0x1f: {  	s9 =	smul.u32 $0xF7A, s1;
	s8 =	simm.s32 @!p0 $0x1BF5;
	p2 =	por !p2, p0  }
0x20: {  	[sflag:s8] =	ssyncset.s32 @!p0 $0xFFFFF086;
	s6 =	sadd.s32 @!p0 s3, s7;
	s7 =	simm.s32 @!p0 $0x108  }
0x21: {  	s3 =	sadd.s32 s3, s9;
	s6 =	sadd.s32 @!p0 $0x88, s6;
	s7 =	simm.s32 @p2 $0x1082  }
0x22: {  	[simem:s7], [sflag:s8] =	dma.local @!p0 [hbm:s6], $0xF7A  }
0x23: {  	s9 =	sor.u32 $0xD0000000, s2;
	s6 =	simm.s32 $0x108;
	_ =	swait.ge @!p0 [sflag:s8], $0x0  }
0x24: {  	s3 =	sadd.s32 $0x88, s3;
	s6 =	simm.s32 @!p1 $0x1082;
	[sflag:s4] =	ssyncset.s32 $0xFFFFF086  }
0x25: {  	[simem:s6], [sflag:s4] =	dma.local [hbm:s3], $0xF7A  }
0x26: {  	[smem:$0x3FA0] =	sst s1;
	(tag) =	ssettag s2;
	_ =	strace s9  }
0x27: {  	s1 =	sld [smem:$0x3FB0]  }
0x28: {  	s2 =	sld [smem:$0x3FB1]  }
0x29: {  	s4 =	sld [smem:$0x3FB3]  }
0x2a: {  	p0 =	seq.s32 s5, $0x0;
	s5 =	sld [smem:$0x3FB4]  }
0x2b: {  	s6 =	sld [smem:$0x3FB5]  }
0x2c: {  	s7 =	sld [smem:$0x3FB6]  }
0x2d: {  	s3 =	simm.s32 $0x108;
	s8 =	sld [smem:$0x3FB7]  }
0x2e: {  	s3 =	simm.s32 @!p0 $0x1082;
	s9 =	sld [smem:$0x3FB8]  }
0x2f: {  	lr =	sadd.s32 s0, s3;
	s0 =	sld [smem:$0x3FAF]  }
0x30: {  	s3 =	sld [smem:$0x3FB2]  }
0x31: {  	[smem:$0x3FBB] =	sst s10  }
0x32: {  	s10 =	sld [smem:$0x3FB9];
	_ =	sdelay $0x3  }
0x33: {  	p0 =	seq.s32 s10, $0x1;
	s10 =	sld [smem:$0x3FBB];
	_ =	sdelay $0x3  }
0x34: {  	[smem:$0x3FBB] =	sst s10  }
0x35: {  	s10 =	sld [smem:$0x3FBA];
	_ =	sdelay $0x3  }
0x36: {  	p1 =	seq.s32 s10, $0x1;
	s10 =	sld [smem:$0x3FBB];
	_ =	sdelay $0x3  }
0x37: {  	[smem:$0x3FBB] =	sst s10  }
0x38: {  	s10 =	sld [smem:$0x3FBC]  }
0x39: {  	_ = 	snop;
	(pc) =	sbr.ind lr, $3  }
0x3a: {  	_ = 	snop  }
0x3b: {  	_ = 	snop  }
0x3c: {  	p2 =	seq.s32 s10, $0x1;
	s10 =	sld [smem:$0x3FBB]  }
0x3d: {  	_ =	shalt  }
0x3e: {  	_ =	shalt  }
0x3f: {  	_ =	shalt  }
0x40: {  	_ =	shalt  }
0x41: {  	_ =	shalt  }
0x42: {  	_ =	shalt  }
0x43: {  	_ =	shalt  }
0x44: {  	_ =	shalt  }
0x45: {  	_ =	shalt  }
0x46: {  	_ =	shalt  }
0x47: {  	_ =	shalt  }
0x48: {  	_ =	shalt  }
0x49: {  	_ =	shalt  }
0x4a: {  	_ =	shalt  }
0x4b: {  	_ =	shalt  }
0x4c: {  	_ =	shalt  }
0x4d: {  	_ =	shalt  }
0x4e: {  	_ =	shalt  }
0x4f: {  	_ =	shalt  }
0x50: {  	_ =	shalt  }
0x51: {  	_ =	shalt  }
0x52: {  	_ =	shalt  }
0x53: {  	_ =	shalt  }
0x54: {  	_ =	shalt  }
0x55: {  	_ =	shalt  }
0x56: {  	_ =	shalt  }
0x57: {  	_ =	shalt  }
0x58: {  	_ =	shalt  }
0x59: {  	_ =	shalt  }
0x5a: {  	_ =	shalt  }
0x5b: {  	_ =	shalt  }
0x5c: {  	_ =	shalt  }
0x5d: {  	_ =	shalt  }
0x5e: {  	_ =	shalt  }
0x5f: {  	_ =	shalt  }
0x60: {  	_ =	shalt  }
0x61: {  	_ =	shalt  }
0x62: {  	_ =	shalt  }
0x63: {  	_ =	shalt  }
0x64: {  	_ =	shalt  }
0x65: {  	_ =	shalt  }
0x66: {  	_ =	shalt  }
0x67: {  	_ =	shalt  }
0x68: {  	_ =	shalt  }
0x69: {  	_ =	shalt  }
0x6a: {  	_ =	shalt  }
0x6b: {  	_ =	shalt  }
0x6c: {  	_ =	shalt  }
0x6d: {  	_ =	shalt  }
0x6e: {  	_ =	shalt  }
0x6f: {  	_ =	shalt  }
0x70: {  	_ =	shalt  }
0x71: {  	_ =	shalt  }
0x72: {  	_ =	shalt  }
0x73: {  	_ =	shalt  }
0x74: {  	_ =	shalt  }
0x75: {  	_ =	shalt  }
0x76: {  	_ =	shalt  }
0x77: {  	_ =	shalt  }
0x78: {  	_ =	shalt  }
0x79: {  	_ =	shalt  }
0x7a: {  	_ =	shalt  }
0x7b: {  	_ =	shalt  }
0x7c: {  	_ =	shalt  }
0x7d: {  	_ =	shalt  }
0x7e: {  	_ =	shalt  }
0x7f: {  	_ =	shalt  }
0x80: {  	_ =	shalt  }
0x81: {  	_ =	shalt  }
0x82: {  	_ =	shalt  }
0x83: {  	_ =	shalt  }
0x84: {  	_ =	shalt  }
0x85: {  	_ =	shalt  }
0x86: {  	_ =	shalt  }
0x87: {  	_ =	shalt  }
.Lfunc_end0:
.L_simem_size_0:
called_computation_lowered:
.L_overlay_start_0:
0x88: {  	s2 =	sld [smem:$0x3FD9]  }
0x89: {  	s3 =	sld [smem:$0x3FFE];
	_ =	sdelay $0x1  }
0x8a: {  	s1 =	srdreg.scid  }
0x8b: {  	s0 =	sand.u32 $0x1, s1  }
0x8c: {  	s16 =	sshll.u32 s0, $0xA;
	s2 =	sadd.s32 s3, s2  }
0x8d: {  	s2 =	sadd.s32 s2, s16  }
0x8e: {  	[smem:$0x3FC7] =	sst s2  }
0x8f: {  	_ = 	snop  }
0x90: {  	(tm) =	ssettm $0x1  }
0x91: {  	s17 =	sld [smem:$0x3FFB];
	_ =	sdelay $0x3  }
0x92: {  	_ =	strace s17  }
0x93: {  	s2 =	sld [smem:$0x3FFC];
	_ =	sdelay $0x3  }
0x94: {  	_ =	strace s2  }
0x95: {  	s2 =	sld [smem:$0x3FFD];
	_ =	sdelay $0x3  }
0x96: {  	_ =	strace s2  }
0x97: {  	_ =	strace $0x8FFFFFFF  }
0x98: {  	s18 =	sld [smem:$0x3FDB];
	_ =	sdelay $0x1  }
0x99: {  	s19 =	simm.s32 $_scs_section_size  }
0x9a: {  	s4 =	simm.s32 $_size__tile_overlayer_lowered;
	s5 =	simm.s32 $_tile_overlayer_lowered  }
0x9b: {  	s22 =	simm.s32 $0x1BFF;
	s21 =	sshll.u32 s5, $0x1;
	s2 =	sadd.s32 s19, s18  }
0x9c: {  	s6 =	simm.s32 $0x0;
	s20 =	sshll.u32 s4, $0x1;
	s4 =	sadd.s32 s21, s2  }
0x9d: {  	[timem:s6], [sflag:s22] =	dma.local [hbm:s4], s20  }
0x9e: {  	_ =	swait.ge [sflag:s22], s20  }
0x9f: {  	s3 =	ssub.s32 $0x0, s20;
	[sflag:s22] =	ssyncset.done $0x0  }
0xa0: {  	[sflag:s22] =	ssyncadd.s32 s3;
	_ =	sdelay $0x1  }
0xa1: {  	s23 =	simm.s32 $0x1B8B  }
0xa2: {  	_ =	swait.ge [sflag:s23], $0x1  }
0xa3: {  	[sflag:s23] =	ssyncset.done $0x0  }
0xa4: {  	s25 =	simm.s32 $0x1B8E;
	s24 =	sld [smem:$0x3FFE];
	[sflag:s23] =	ssyncadd.s32 $0xFFFFFFFF  }
0xa5: {  	s26 =	simm.s32 $execute0_lowered;
	[smem:$0x3FD2] =	sst s25  }
0xa6: {  	s4 =	sshll.u32 s26, $0x1;
	_ =	strace $0x80000046;
	[dreg:$0x1] =	wrdreg $0xFFFFFFFF  }
0xa7: {  	s28 =	simm.s32 $_size_execute0_lowered;
	s2 =	sadd.s32 s2, s4;
	[dreg:$0x0] =	wrdreg $0x0  }
0xa8: {  	s4 =	sshll.u32 s28, $0x1;
	[dreg:$0x2] =	wrdreg s2  }
0xa9: {  	[dreg:$0x3] =	wrdreg s4  }
0xaa: {  	[dreg:$0x4] =	wrdreg $0xC0  }
0xab: {  	_ =	task [dreg:s6], $0x5FFFF  }
0xac: {  	[dreg:$0x1] =	wrdreg $0xFFFFFFFF  }
0xad: {  	[dreg:$0x0] =	wrdreg $0x60  }
0xae: {  	[dreg:$0x2] =	wrdreg s24  }
0xaf: {  	[dreg:$0x3] =	wrdreg $0x9  }
0xb0: {  	_ =	task.clear_ibuf [dreg:s6], $0x4FFFF;
	_ =	strace $0x90000046  }
0xb1: {  	s29 =	simm.s32 $0x9;
	_ =	strace $0x80000048  }
0xb2: {  	_ =	swait.ge [sflag:s29], $0x1  }
0xb3: {  	[sflag:s29] =	ssyncadd.s32 $0xFFFFFFFF  }
0xb4: {  	_ =	strace $0x90000048  }
0xb5: {  	_ =	sfence  }
0xb6: {  	s30 =	sld [smem:$0x0];
	_ =	sdelay $0x2  }
0xb7: {  	s31 =	sshll.u32 s1, $0xD;
	s1 =	sshrl.u32 s1, $0x2  }
0xb8: {  	s3 =	sand.u32 $0x4000, s31;
	s1 =	sadd.s32 s1, s30  }
0xb9: {  	s0 =	sor.u32 s3, s0;
	s1 =	sshll.u32 s1, $0x11  }
0xba: {  	s0 =	sor.u32 s1, s0  }
0xbb: {  	s0 =	sadd.s32 $0x8F2B, s0  }
0xbc: {  	[sflag:s0] =	ssyncadd.remote.s32 $0x1  }
0xbd: {  	_ =	sfence.sel $0xFFFF  }
0xbe: {  	[dreg:$0x0] =	wrdreg $0xFFFFFFFF;
	(pc) =	sbr.abs _section_cstart, $3  }
0xbf: {  	[dreg:$0x1] =	wrdreg $0xFFFFFFFF  }
0xc0: {  	_ =	task.clear_ibuf [dreg:s6], $0x2FFFF;
	_ =	strace $0x9FFFFFFF  }
0xc1: {  	(tm) =	ssettm $0x7FFFFFFF  }
tec
execute0_lowered:
.L_overlay_start_1:
0x0: {  	(tag) =	ssettag $0x1  }
0x1: {  	s1 =	srdreg.scid;
	s0 =	stileid.u32  }
0x2: {  	s22 =	sand.u32 $0x1, s1;
	s15 =	sshll.u32 s0, $0x1  }
0x3: {  	s3 =	sor.u32 s22, s15  }
0x4: {  	p0 =	seq.s32 s22, $0x1;
	p1 =	seq.s32 s3, $0x0  }
0x5: {  	p1 =	por !p1, !p0  }
0x6: {  	s1 =	simm.s32 $0x1;
	p1 =	por !p1, !p1  }
0x7: {  	s1 =	simm.s32 @!p1 $0x0  }
0x8: {  	s6 =	rddreg [dreg:$0x0];
	s7 =	simm.s32 $0x1;
	s4 =	ssub.s32 s0, s1  }
0x9: {  	s23 =	sadd.s32 $0x400, s6;
	s24 =	sshrl.u32 s0, $0x3;
	s1 =	sshll.u32 s4, $0x18  }
0xa: {  	s10 =	sand.u32 $0x7, s0;
	s11 =	sor.u32 $0x2, s24;
	s1 =	sshra.s32 s1, $0x1F  }
0xb: {  	s12 =	smul.u32 $0x2710, s10;
	s10 =	sor.u32 $0x4, s24;
	s1 =	sand.u32 $0x7, s1  }
0xc: {  	s14 =	sor.u32 $0x6, s24;
	s17 =	smul.u32 $0x27100, s11;
	s1 =	sadd.s32 s1, s4  }
0xd: {  	s18 =	smul.u32 $0x27100, s10;
	s3 =	sor.u32 $0x80, s3;
	s2 =	sand.u32 $0xFFFFFFF8, s1  }
0xe: {  	s19 =	smul.u32 $0x27100, s14;
	s0 =	sshrl.u32 s3, $0x4;
	s5 =	ssub.s32 s4, s2  }
0xf: {  	p6 =	slt.s32 s4, $0x1;
	s1 =	sshll.u32 s1, $0x18;
	s2 =	sand.u32 $0xFF, s5  }
0x10: {  	s1 =	sshra.s32 s1, $0x1B;
	s4 =	sshra.s32 s4, $0x1F;
	p2 =	sne.s32 s2, $0x0  }
0x11: {  	s5 =	sand.u32 $0x7, s5;
	s16 =	sand.u32 $0xFFEA0700, s4;
	p1 =	por !p6, !p2  }
0x12: {  	s4 =	sand.u32 $0xFFF50380, s4;
	s2 =	simm.s32 $0x0;
	p1 =	por !p1, !p1  }
0x13: {  	s5 =	smul.u32 $0x2710, s5;
	[smem:$0x7FF] =	sst s2;
	s7 =	simm.s32 @!p1 $0x0  }
0x14: {  	_ =	strace $0x80000047;
	s7 =	ssub.s32 s1, s7;
	s1 =	sadd.s32 $0x58400, s6  }
0x15: {  	s6 =	simm.s32 $0x1388;
	p1 =	slt.s32 s7, $0x0;
	s8 =	sadd.s32 $0x9, s7  }
0x16: {  	s6 =	simm.s32 @!p0 $0x0;
	p0 =	sgt.u32 s3, $0x8F;
	s3 =	simm.s32 $0x15F900  }
0x17: {  	s7 =	smov.u32 @p1 s8;
	s5 =	sadd.s32 s6, s5;
	s25 =	sadd.s32 s6, s12  }
0x18: {  	p1 =	seq.s32 s0, $0x8;
	s3 =	simm.s32 @!p0 $0x0;
	s9 =	smul.u32 $0x27100, s7  }
0x19: {  	s8 =	sadd.s32 s16, s5;
	s6 =	sadd.s32 s18, s25;
	s21 =	sadd.s32 s19, s25  }
0x1a: {  	s7 =	smul.u32 $0x13880, s7;
	s4 =	sadd.s32 s4, s5;
	s19 =	sadd.s32 $0xFFFFFFF7, s0  }
0x1b: {  	s6 =	sshrl.u32 s6, $0x3;
	s26 =	sshrl.u32 s21, $0x3;
	s19 =	simm.s32 @p1 $0x8  }
0x1c: {  	s8 =	sadd.s32 s9, s8;
	s9 =	sadd.s32 s17, s25;
	s6 =	sadd.s32 s23, s6  }
0x1d: {  	s4 =	sadd.s32 s7, s4;
	[dreg:$0x4] =	wrdreg s6;
	s6 =	sadd.s32 s23, s26  }
0x1e: {  	s7 =	smul.u32 $0x27100, s19;
	s8 =	sshrl.u32 s8, $0x3;
	[dreg:$0x5] =	wrdreg s6  }
0x1f: {  	s9 =	sshrl.u32 s9, $0x3;
	s8 =	sadd.s32 s23, s8;
	s12 =	rddreg [dreg:$0x4]  }
0x20: {  	s4 =	sshrl.u32 s4, $0x3;
	s20 =	sadd.s32 s23, s9;
	[dreg:$0x2] =	wrdreg s8  }
0x21: {  	s3 =	sadd.s32 s3, s25;
	s4 =	sadd.s32 s1, s4;
	[dreg:$0x3] =	wrdreg s20  }
0x22: {  	s3 =	sadd.s32 s7, s3;
	[dreg:$0x6] =	wrdreg s4;
	s8 =	smul.u32 $0x13880, s11  }
0x23: {  	s3 =	sshrl.u32 s3, $0x3;
	s9 =	rddreg [dreg:$0x2]  }
0x24: {  	s3 =	sadd.s32 s23, s3;
	s11 =	rddreg [dreg:$0x3];
	s4 =	sadd.s32 s8, s25  }
0x25: {  	[tilespmem:s2], [sflag:$0x1] =	stream.linear.gather [hbm4b:s9+s2], $0x1388, $0x38;
	[tilespmem:$0x7530] =	vst v63  }
0x26: {  	[dreg:$0x7] =	wrdreg s3;
	s3 =	simm.s32 $0x1388;
	s4 =	sshrl.u32 s4, $0x3  }
0x27: {  	[tilespmem:s3], [sflag:$0x2] =	stream.linear.gather [hbm4b:s11+s2], $0x1388, $0x38;
	[tilespmem:$0x7530] =	vst v63  }
0x28: {  	s15 =	rddreg [dreg:$0x5];
	s13 =	sadd.s32 s1, s4;
	s4 =	simm.s32 $0x2710  }
0x29: {  	[tilespmem:s4], [sflag:$0x3] =	stream.linear.gather [hbm4b:s12+s2], $0x1388, $0x38;
	[tilespmem:$0x7530] =	vst v63  }
0x2a: {  	s5 =	simm.s32 $0x1;
	s0 =	simm.s32 $0x3A98;
	[dreg:$0x8] =	wrdreg s13  }
0x2b: {  	[tilespmem:s0], [sflag:$0x4] =	stream.linear.gather [hbm4b:s15+s2], $0x1388, $0x38;
	[tilespmem:$0x7530] =	vst v63  }
0x2c: {  	s18 =	smul.u32 $0x27100, s24;
	_ =	swait.ge [sflag:s5], $0x1388  }
0x2d: {  	[sflag:s5] =	ssyncset.done $0x0  }
0x2e: {  	s26 =	sadd.s32 s18, s25;
	s16 =	rddreg [dreg:$0x6];
	[sflag:s5] =	ssyncadd.s32 $0xFFFFEC78  }
0x2f: {  	[hbm4b:s16+s2] =	stream.linear.scatter [tilespmem:s2], [sflag:$0x7], $0x1388, $0x38;
	[tilespmem:$0x7530] =	vst v63  }
0x30: {  	s6 =	simm.s32 $0x4E20;
	s8 =	simm.s32 $0x2;
	s17 =	rddreg [dreg:$0x7]  }
0x31: {  	[tilespmem:s6], [sflag:$0x5] =	stream.linear.gather [hbm4b:s17+s2], $0x1388, $0x38;
	[tilespmem:$0x7530] =	vst v63  }
0x32: {  	s20 =	sadd.s32 $0x186A00, s26;
	_ =	swait.ge [sflag:s8], $0x1388  }
0x33: {  	s10 =	smul.u32 $0x13880, s10;
	s9 =	sshrl.u32 s20, $0x3;
	[sflag:s8] =	ssyncset.done $0x0  }
0x34: {  	s7 =	sadd.s32 s23, s9;
	s21 =	rddreg [dreg:$0x8];
	[sflag:s8] =	ssyncadd.s32 $0xFFFFEC78  }
0x35: {  	[hbm4b:s21+s2] =	stream.linear.scatter [tilespmem:s3], [sflag:$0x8], $0x1388, $0x38;
	[tilespmem:$0x7530] =	vst v63  }
0x36: {  	s9 =	sadd.s32 s10, s25;
	s10 =	simm.s32 $0x61A8;
	s11 =	simm.s32 $0x3  }
0x37: {  	[tilespmem:s10], [sflag:$0x6] =	stream.linear.gather [hbm4b:s7+s2], $0x1388, $0x38;
	[tilespmem:$0x7530] =	vst v63  }
0x38: {  	_ =	swait.ge [sflag:s11], $0x1388  }
0x39: {  	s12 =	sshrl.u32 s9, $0x3;
	[sflag:s11] =	ssyncset.done $0x0  }
0x3a: {  	s13 =	simm.s32 $0x7;
	s12 =	sadd.s32 s1, s12;
	[sflag:s11] =	ssyncadd.s32 $0xFFFFEC78  }
0x3b: {  	[hbm4b:s12+s2] =	stream.linear.scatter [tilespmem:s4], [sflag:$0x9], $0x1388, $0x38;
	[tilespmem:$0x7530] =	vst v63  }
0x3c: {  	s15 =	sadd.s32 $0x1D4C00, s26;
	_ =	swait.ge [sflag:s13], $0x1388  }
0x3d: {  	s15 =	sshrl.u32 s15, $0x3;
	s16 =	smul.u32 $0x13880, s14;
	[sflag:s13] =	ssyncset.done $0x0  }
0x3e: {  	s14 =	sadd.s32 s23, s15;
	s15 =	simm.s32 $0x4;
	[sflag:s13] =	ssyncadd.s32 $0xFFFFEC78  }
0x3f: {  	[tilespmem:s2], [sflag:$0x1] =	stream.linear.gather [hbm4b:s14+s2], $0x1388, $0x38;
	[tilespmem:$0x7530] =	vst v63  }
0x40: {  	s18 =	sadd.s32 $0x222E00, s26;
	s16 =	sadd.s32 s16, s25;
	_ =	swait.ge [sflag:s15], $0x1388  }
0x41: {  	s20 =	simm.s32 $0xAFC80;
	s16 =	sshrl.u32 s16, $0x3;
	[sflag:s15] =	ssyncset.done $0x0  }
0x42: {  	s17 =	simm.s32 $0x8;
	s16 =	sadd.s32 s1, s16;
	[sflag:s15] =	ssyncadd.s32 $0xFFFFEC78  }
0x43: {  	[hbm4b:s16+s2] =	stream.linear.scatter [tilespmem:s0], [sflag:$0xA], $0x1388, $0x38;
	[tilespmem:$0x7530] =	vst v63  }
0x44: {  	s18 =	sshrl.u32 s18, $0x3;
	s20 =	simm.s32 @!p0 $0x0;
	_ =	swait.ge [sflag:s17], $0x1388  }
0x45: {  	s18 =	sadd.s32 s23, s18;
	s20 =	sadd.s32 s20, s25;
	[sflag:s17] =	ssyncset.done $0x0  }
0x46: {  	s21 =	smul.u32 $0x13880, s19;
	s19 =	simm.s32 $0x5;
	[sflag:s17] =	ssyncadd.s32 $0xFFFFEC78  }
0x47: {  	[tilespmem:s3], [sflag:$0x2] =	stream.linear.gather [hbm4b:s18+s2], $0x1388, $0x38;
	[tilespmem:$0x7530] =	vst v63  }
0x48: {  	s20 =	sadd.s32 s21, s20;
	_ =	swait.ge [sflag:s19], $0x1388  }
0x49: {  	s24 =	smul.u32 $0x13880, s24;
	s20 =	sshrl.u32 s20, $0x3;
	[sflag:s19] =	ssyncset.done $0x0  }
0x4a: {  	s21 =	simm.s32 $0x9;
	s20 =	sadd.s32 s1, s20;
	[sflag:s19] =	ssyncadd.s32 $0xFFFFEC78  }
0x4b: {  	[hbm4b:s20+s2] =	stream.linear.scatter [tilespmem:s6], [sflag:$0xB], $0x1388, $0x38;
	[tilespmem:$0x7530] =	vst v63  }
0x4c: {  	s26 =	sadd.s32 $0x271000, s26;
	_ =	swait.ge [sflag:s21], $0x1388  }
0x4d: {  	s29 =	sadd.s32 s24, s25;
	s26 =	sshrl.u32 s26, $0x3;
	[sflag:s21] =	ssyncset.done $0x0  }
0x4e: {  	s24 =	simm.s32 $0x6;
	s23 =	sadd.s32 s23, s26;
	[sflag:s21] =	ssyncadd.s32 $0xFFFFEC78  }
0x4f: {  	[tilespmem:s4], [sflag:$0x3] =	stream.linear.gather [hbm4b:s23+s2], $0x1388, $0x38;
	[tilespmem:$0x7530] =	vst v63  }
0x50: {  	s25 =	sadd.s32 $0xC3500, s29;
	_ =	swait.ge [sflag:s24], $0x1388  }
0x51: {  	s25 =	sshrl.u32 s25, $0x3;
	[sflag:s24] =	ssyncset.done $0x0  }
0x52: {  	s25 =	sadd.s32 s1, s25;
	[sflag:s24] =	ssyncadd.s32 $0xFFFFEC78  }
0x53: {  	[hbm4b:s25+s2] =	stream.linear.scatter [tilespmem:s10], [sflag:$0xC], $0x1388, $0x38;
	[tilespmem:$0x7530] =	vst v63  }
0x54: {  	s9 =	sadd.s32 $0xEA600, s29;
	_ =	swait.ge [sflag:s5], $0x1388  }
0x55: {  	s26 =	sshrl.u32 s9, $0x3;
	[sflag:s5] =	ssyncset.done $0x0  }
0x56: {  	s26 =	sadd.s32 s1, s26;
	[sflag:s5] =	ssyncadd.s32 $0xFFFFEC78  }
0x57: {  	[hbm4b:s26+s2] =	stream.linear.scatter [tilespmem:s2], [sflag:$0x7], $0x1388, $0x38;
	[tilespmem:$0x7530] =	vst v63  }
0x58: {  	s28 =	sadd.s32 $0x111700, s29;
	_ =	swait.ge [sflag:s8], $0x1388  }
0x59: {  	s28 =	sshrl.u32 s28, $0x3;
	[sflag:s8] =	ssyncset.done $0x0  }
0x5a: {  	s28 =	sadd.s32 s1, s28;
	[sflag:s8] =	ssyncadd.s32 $0xFFFFEC78  }
0x5b: {  	[hbm4b:s28+s2] =	stream.linear.scatter [tilespmem:s3], [sflag:$0x8], $0x1388, $0x38;
	[tilespmem:$0x7530] =	vst v63  }
0x5c: {  	s29 =	sadd.s32 $0x138800, s29;
	_ =	swait.ge [sflag:s11], $0x1388  }
0x5d: {  	s29 =	sshrl.u32 s29, $0x3;
	[sflag:s11] =	ssyncset.done $0x0  }
0x5e: {  	s30 =	simm.s32 $0xA;
	s29 =	sadd.s32 s1, s29;
	[sflag:s11] =	ssyncadd.s32 $0xFFFFEC78  }
0x5f: {  	[hbm4b:s29+s2] =	stream.linear.scatter [tilespmem:s4], [sflag:$0x9], $0x1388, $0x38;
	[tilespmem:$0x7530] =	vst v63  }
0x60: {  	_ =	swait.ge [sflag:s30], $0x1388  }
0x61: {  	[sflag:s30] =	ssyncset.done $0x0  }
0x62: {  	s31 =	simm.s32 $0xB;
	[sflag:s30] =	ssyncadd.s32 $0xFFFFEC78  }
0x63: {  	_ =	swait.ge [sflag:s31], $0x1388  }
0x64: {  	[sflag:s31] =	ssyncset.done $0x0  }
0x65: {  	s1 =	simm.s32 $0xC;
	[sflag:s31] =	ssyncadd.s32 $0xFFFFEC78  }
0x66: {  	s22 =	ssub.s32 $0x2, s22;
	_ =	swait.ge [sflag:s1], $0x1388  }
0x67: {  	s10 =	sshrl.u32 s22, $0x1;
	[sflag:s1] =	ssyncset.done $0x0  }
0x68: {  	s0 =	ssub.s32 s22, s10;
	[sflag:s1] =	ssyncadd.s32 $0xFFFFEC78  }
0x69: {  	s0 =	smax.u32 s0, $0x1;
	_ =	swait.ge [sflag:s13], $0x1388  }
0x6a: {  	p0 =	sne.s32 s0, $0x1;
	[sflag:s13] =	ssyncset.done $0x0  }
.Ltmp0:
0x6b: {  	[sflag:s13] =	ssyncadd.s32 $0xFFFFEC78;
	(pc) =	sbr.rel @!p0 .LBB2_3-.Ltmp0, $4  }
0x6c: {  	_ =	swait.ge [sflag:s17], $0x1388  }
0x6d: {  	[sflag:s17] =	ssyncset.done $0x0  }
0x6e: {  	[sflag:s17] =	ssyncadd.s32 $0xFFFFEC78  }
0x6f: {  	s22 =	sadd.s32 $0xFFFFFFFF, s0;
	_ =	swait.ge [sflag:s21], $0x1388  }
0x70: {  	s10 =	smov.u32 s7;
	s7 =	simm.s32 $0x3A98;
	s9 =	simm.s32 $0x4E20  }
.LBB2_2:
0x71: {  	[sflag:s21] =	ssyncset.done $0x0  }
0x72: {  	s0 =	rddreg [dreg:$0x2];
	[sflag:s21] =	ssyncadd.s32 $0xFFFFEC78  }
0x73: {  	[tilespmem:s2], [sflag:$0x1] =	stream.linear.gather [hbm4b:s0+s2], $0x1388, $0x38;
	[tilespmem:$0x7530] =	vst v63  }
0x74: {  	s6 =	rddreg [dreg:$0x3]  }
0x75: {  	[tilespmem:s3], [sflag:$0x2] =	stream.linear.gather [hbm4b:s6+s2], $0x1388, $0x38;
	[tilespmem:$0x7530] =	vst v63  }
0x76: {  	s0 =	rddreg [dreg:$0x4]  }
0x77: {  	[tilespmem:s4], [sflag:$0x3] =	stream.linear.gather [hbm4b:s0+s2], $0x1388, $0x38;
	[tilespmem:$0x7530] =	vst v63  }
0x78: {  	s6 =	rddreg [dreg:$0x5]  }
0x79: {  	[tilespmem:s7], [sflag:$0x4] =	stream.linear.gather [hbm4b:s6+s2], $0x1388, $0x38;
	[tilespmem:$0x7530] =	vst v63  }
0x7a: {  	_ =	swait.ge [sflag:s5], $0x1388  }
0x7b: {  	[sflag:s5] =	ssyncset.done $0x0  }
0x7c: {  	s0 =	rddreg [dreg:$0x6];
	[sflag:s5] =	ssyncadd.s32 $0xFFFFEC78  }
0x7d: {  	[hbm4b:s0+s2] =	stream.linear.scatter [tilespmem:s2], [sflag:$0x7], $0x1388, $0x38;
	[tilespmem:$0x7530] =	vst v63  }
0x7e: {  	s6 =	rddreg [dreg:$0x7]  }
0x7f: {  	[tilespmem:s9], [sflag:$0x5] =	stream.linear.gather [hbm4b:s6+s2], $0x1388, $0x38;
	[tilespmem:$0x7530] =	vst v63  }
0x80: {  	_ =	swait.ge [sflag:s8], $0x1388  }
0x81: {  	[sflag:s8] =	ssyncset.done $0x0  }
0x82: {  	s6 =	rddreg [dreg:$0x8];
	[sflag:s8] =	ssyncadd.s32 $0xFFFFEC78  }
0x83: {  	[hbm4b:s6+s2] =	stream.linear.scatter [tilespmem:s3], [sflag:$0x8], $0x1388, $0x38;
	[tilespmem:$0x7530] =	vst v63  }
0x84: {  	s6 =	simm.s32 $0x61A8  }
0x85: {  	[tilespmem:s6], [sflag:$0x6] =	stream.linear.gather [hbm4b:s10+s2], $0x1388, $0x38;
	[tilespmem:$0x7530] =	vst v63  }
0x86: {  	_ =	swait.ge [sflag:s11], $0x1388  }
0x87: {  	[sflag:s11] =	ssyncset.done $0x0  }
0x88: {  	[sflag:s11] =	ssyncadd.s32 $0xFFFFEC78  }
0x89: {  	[hbm4b:s12+s2] =	stream.linear.scatter [tilespmem:s4], [sflag:$0x9], $0x1388, $0x38;
	[tilespmem:$0x7530] =	vst v63  }
0x8a: {  	_ =	swait.ge [sflag:s13], $0x1388  }
0x8b: {  	[sflag:s13] =	ssyncset.done $0x0  }
0x8c: {  	[sflag:s13] =	ssyncadd.s32 $0xFFFFEC78  }
0x8d: {  	[tilespmem:s2], [sflag:$0x1] =	stream.linear.gather [hbm4b:s14+s2], $0x1388, $0x38;
	[tilespmem:$0x7530] =	vst v63  }
0x8e: {  	_ =	swait.ge [sflag:s15], $0x1388  }
0x8f: {  	[sflag:s15] =	ssyncset.done $0x0  }
0x90: {  	[sflag:s15] =	ssyncadd.s32 $0xFFFFEC78  }
0x91: {  	[hbm4b:s16+s2] =	stream.linear.scatter [tilespmem:s7], [sflag:$0xA], $0x1388, $0x38;
	[tilespmem:$0x7530] =	vst v63  }
0x92: {  	_ =	swait.ge [sflag:s17], $0x1388  }
0x93: {  	[sflag:s17] =	ssyncset.done $0x0  }
0x94: {  	[sflag:s17] =	ssyncadd.s32 $0xFFFFEC78  }
0x95: {  	[tilespmem:s3], [sflag:$0x2] =	stream.linear.gather [hbm4b:s18+s2], $0x1388, $0x38;
	[tilespmem:$0x7530] =	vst v63  }
0x96: {  	_ =	swait.ge [sflag:s19], $0x1388  }
0x97: {  	[sflag:s19] =	ssyncset.done $0x0  }
0x98: {  	[sflag:s19] =	ssyncadd.s32 $0xFFFFEC78  }
0x99: {  	[hbm4b:s20+s2] =	stream.linear.scatter [tilespmem:s9], [sflag:$0xB], $0x1388, $0x38;
	[tilespmem:$0x7530] =	vst v63  }
0x9a: {  	_ =	swait.ge [sflag:s21], $0x1388  }
0x9b: {  	[sflag:s21] =	ssyncset.done $0x0  }
0x9c: {  	[sflag:s21] =	ssyncadd.s32 $0xFFFFEC78  }
0x9d: {  	[tilespmem:s4], [sflag:$0x3] =	stream.linear.gather [hbm4b:s23+s2], $0x1388, $0x38;
	[tilespmem:$0x7530] =	vst v63  }
0x9e: {  	_ =	swait.ge [sflag:s24], $0x1388  }
0x9f: {  	[sflag:s24] =	ssyncset.done $0x0  }
0xa0: {  	[sflag:s24] =	ssyncadd.s32 $0xFFFFEC78  }
0xa1: {  	[hbm4b:s25+s2] =	stream.linear.scatter [tilespmem:s6], [sflag:$0xC], $0x1388, $0x38;
	[tilespmem:$0x7530] =	vst v63  }
0xa2: {  	_ =	swait.ge [sflag:s5], $0x1388  }
0xa3: {  	[sflag:s5] =	ssyncset.done $0x0  }
0xa4: {  	[sflag:s5] =	ssyncadd.s32 $0xFFFFEC78  }
0xa5: {  	[hbm4b:s26+s2] =	stream.linear.scatter [tilespmem:s2], [sflag:$0x7], $0x1388, $0x38;
	[tilespmem:$0x7530] =	vst v63  }
0xa6: {  	_ =	swait.ge [sflag:s8], $0x1388  }
0xa7: {  	[sflag:s8] =	ssyncset.done $0x0  }
0xa8: {  	[sflag:s8] =	ssyncadd.s32 $0xFFFFEC78  }
0xa9: {  	[hbm4b:s28+s2] =	stream.linear.scatter [tilespmem:s3], [sflag:$0x8], $0x1388, $0x38;
	[tilespmem:$0x7530] =	vst v63  }
0xaa: {  	_ =	swait.ge [sflag:s11], $0x1388  }
0xab: {  	[sflag:s11] =	ssyncset.done $0x0  }
0xac: {  	[sflag:s11] =	ssyncadd.s32 $0xFFFFEC78  }
0xad: {  	[hbm4b:s29+s2] =	stream.linear.scatter [tilespmem:s4], [sflag:$0x9], $0x1388, $0x38;
	[tilespmem:$0x7530] =	vst v63  }
0xae: {  	_ =	swait.ge [sflag:s30], $0x1388  }
0xaf: {  	[sflag:s30] =	ssyncset.done $0x0  }
0xb0: {  	[sflag:s30] =	ssyncadd.s32 $0xFFFFEC78  }
0xb1: {  	_ =	swait.ge [sflag:s31], $0x1388  }
0xb2: {  	[sflag:s31] =	ssyncset.done $0x0  }
0xb3: {  	[sflag:s31] =	ssyncadd.s32 $0xFFFFEC78  }
0xb4: {  	_ =	swait.ge [sflag:s1], $0x1388  }
0xb5: {  	[sflag:s1] =	ssyncset.done $0x0  }
0xb6: {  	[sflag:s1] =	ssyncadd.s32 $0xFFFFEC78  }
0xb7: {  	_ =	swait.ge [sflag:s13], $0x1388  }
0xb8: {  	p0 =	sne.s32 s22, $0x1;
	[sflag:s13] =	ssyncset.done $0x0  }
.Ltmp1:
0xb9: {  	[sflag:s13] =	ssyncadd.s32 $0xFFFFEC78;
	(pc) =	sbr.rel @p0 .LBB2_2-.Ltmp1, $4  }
0xba: {  	_ =	swait.ge [sflag:s17], $0x1388  }
0xbb: {  	[sflag:s17] =	ssyncset.done $0x0  }
0xbc: {  	[sflag:s17] =	ssyncadd.s32 $0xFFFFEC78  }
0xbd: {  	s22 =	sadd.s32 $0xFFFFFFFF, s22;
	_ =	swait.ge [sflag:s21], $0x1388  }
.LBB2_3:
0xbe: {  	[sflag:s21] =	ssyncset.done $0x0  }
0xbf: {  	[sflag:s21] =	ssyncadd.s32 $0xFFFFEC78  }
0xc0: {  	_ =	sfence.sel $0x180000  }
0xc1: {  	[bflag:$0x0] =	sbarrier.arrive $0xFFFF  }
0xc2: {  	_ =	strace $0x90000047  }
0xc3: {  	s0 =	stileid.u32;
	[bflag:$0x2] =	sbarrier.arrive $0xFFFF  }
0xc4: {  	p0 =	sne.s32 s0, $0x0;
	s0 =	rddreg [dreg:$0x1]  }
0xc5: {  	s0 =	sadd.s32 @!p0 $0x100000, s0  }
0xc6: {  	[sflag:s0] =	ssyncadd.tile.s32 @!p0 $0x1;
	_ =	shalt  }
.Lfunc_end2:
_tile_overlayer_lowered:
.L_overlay_start_2:
0xc7: {  	(tag) =	ssettag $0x2  }
0xc8: {  	s0 =	rddreg [dreg:$0x0];
	s2 =	stileid.u32  }
0xc9: {  	s1 =	rddreg [dreg:$0x1];
	p0 =	sne.s32 s2, $0x0  }
0xca: {  	s3 =	rddreg [dreg:$0x2];
	[bflag:$0x3] =	sbarrier.arrive $0xFFFF;
	s2 =	simm.s32 @!p0 $0x1C0D  }
0xcb: {  	[timem:s3], [sflag:s2] =	dma.local @!p0 [hbm:s0], s1  }
0xcc: {  	s0 =	simm.s32 @!p0 $0xD  }
0xcd: {  	_ =	swait.ge @!p0 [sflag:s0], s1  }
0xce: {  	s1 =	ssub.s32 @!p0 $0x0, s1;
	[sflag:s0] =	ssyncset.done @!p0 $0x0  }
0xcf: {  	[sflag:s0] =	ssyncadd.s32 @!p0 s1  }
0xd0: {  	[bflag:$0x3] =	sbarrier.arrive $0xFFFF  }
0xd1: {  	_ =	shalt  }

</sc_bundles>
